<compile_context>
chip_gen: v7x
topology: tpu7x:2x2x1
jax: 0.10.2.dev20260603
libtpu: 0.0.44.dev20260713+nightly
codegen_flags: <defaults>
</compile_context>

<pallas_src>
import jax
import jax.numpy as jnp
import numpy as np
from jax import lax
from jax.experimental import pallas as pl
from jax.experimental.pallas import tpu as pltpu
from jax.experimental.pallas import tpu_sc as plsc

_PROB = 0.25
_MAX_OFFSET = 256

_NC = 2
_NS = 16
_NW = _NC * _NS
_SR = 4


def _glitch_meta(n_rows, L, T, B):
    key = jax.random.key(42)
    kmask, key = jax.random.split(key)
    masks = jax.random.uniform(kmask, (2, B)) < _PROB
    center = L // 2
    min_start = center - T // 2 - _MAX_OFFSET
    max_start = center - T // 2 + _MAX_OFFSET
    idxs, starts = [], []
    for _ in range(2):
        kidx, kker, key = jax.random.split(key, 3)
        idxs.append(jax.random.randint(kidx, (B,), 0, n_rows))
        starts.append(jax.random.randint(kker, (B,), min_start, max_start + 1))
    masks = masks.astype(jnp.int32)
    idx = jnp.stack(idxs).astype(jnp.int32)
    st = jnp.stack(starts).astype(jnp.int32)

    nstep = B // _SR
    st_m = jnp.where(masks == 1, st, -1)

    def steps(a):
        a3 = a.reshape(2, nstep, _SR)
        return jnp.concatenate([a3[0], a3[1]], axis=1)

    sa_steps = steps(st_m)
    try:
        cnt = np.asarray((sa_steps >= 0).sum(axis=1))
        order_by_load = np.argsort(-cnt, kind="stable")
        tot = np.zeros(_NW, np.int64)
        fill = np.zeros(_NW, np.int64)
        spw = nstep // _NW
        assign = [[] for _ in range(_NW)]
        for t in order_by_load:
            cands = np.where(fill < spw)[0]
            w = cands[np.argmin(tot[cands])]
            assign[w].append(int(t))
            tot[w] += cnt[t]
            fill[w] += 1
        order = np.concatenate([np.asarray(a, np.int64) for a in assign])
    except jax.errors.TracerArrayConversionError:
        order = np.arange(nstep, dtype=np.int64)

    pad = jnp.zeros((nstep, 7), jnp.int32)
    row0 = (jnp.asarray(order, jnp.int32) * _SR)[:, None]
    sa = jnp.concatenate([sa_steps[order], row0, pad], axis=1).reshape(-1)

    i_step = steps(idx)
    ia8 = jnp.zeros((nstep, 2 * _SR, 8), jnp.int32).at[:, :, 0].set(i_step)
    ia8 = ia8[order]

    masks_flat = masks.reshape(-1)

    def mk(a):
        a3 = a.reshape(2, nstep, _SR)
        padz = jnp.zeros((nstep, 8), a.dtype)
        return jnp.concatenate([a3[0], a3[1], padz], axis=1).reshape(-1)

    return (masks_flat, ia8.reshape(-1), sa)


def _pick(vec, l):
    return vec[l]


def _sc_body(X, y, H1, L1, mflat, ia8, sa, Xo, yo,
             ia8_v, sa_v, m0_v, m1_v, yin_v, yout_v, slabA, slabB,
             b0, b1, b2, b3, b4, b5, b6, b7,
             sem_meta, sem_si, sem_so, sem_g):
    B, C, T = X.shape
    RPW = B // _NW
    NSL = RPW // _SR
    wid = lax.axis_index("s") * _NC + lax.axis_index("c")
    base = pl.multiple_of(wid * RPW, RPW)
    t0e = pl.multiple_of(wid * (NSL * 16), NSL * 16)
    t08 = pl.multiple_of(wid * (NSL * 64), NSL * 64)

    pltpu.async_copy(ia8.at[pl.ds(t08, NSL * 64)], ia8_v, sem_meta)
    pltpu.async_copy(sa.at[pl.ds(t0e, NSL * 16)], sa_v, sem_meta)
    pltpu.async_copy(mflat.at[pl.ds(base, RPW)], m0_v, sem_meta)
    pltpu.async_copy(mflat.at[pl.ds(B + base, RPW)], m1_v, sem_meta)
    pltpu.async_copy(y.at[pl.ds(base, RPW)], yin_v, sem_meta)
    pltpu.make_async_copy(sa.at[pl.ds(t0e, NSL * 16)], sa_v, sem_meta).wait()
    pltpu.make_async_copy(ia8.at[pl.ds(t08, NSL * 64)], ia8_v, sem_meta).wait()
    for ref in (m0_v, m1_v):
        pltpu.make_async_copy(mflat.at[pl.ds(base, RPW)], ref, sem_meta).wait()
    pltpu.make_async_copy(y.at[pl.ds(base, RPW)], yin_v, sem_meta).wait()

    for t in range(RPW // 16):
        sl = pl.ds(t * 16, 16)
        m0f = m0_v[sl].astype(jnp.float32)
        m1f = m1_v[sl].astype(jnp.float32)
        yout_v[sl] = yin_v[sl] - 2.0 * m0f - 4.0 * m1f
    pltpu.async_copy(yout_v, yo.at[pl.ds(base, RPW)], sem_meta)

    tabs = (H1, L1)
    banks = (b0, b1, b2, b3, b4, b5, b6, b7)

    def pick_step(s):
        moff = pl.multiple_of(s * 16, 16)
        sv = sa_v[pl.ds(moff, 16)]
        return tuple(_pick(sv, lanei) for lanei in range(2 * _SR + 1))

    def fire_gathers(s, sts):
        for lanei in range(2 * _SR):
            ch = lanei // _SR
            ioff = pl.multiple_of((s * (2 * _SR) + lanei) * 8, 8)

            @pl.when(sts[lanei] >= 0)
            def _():
                pltpu.async_copy(tabs[ch].at[ia8_v.at[pl.ds(ioff, 1)]],
                                 banks[lanei], sem_g)

    def fire_slab_in(sts, slab):
        pltpu.async_copy(X.at[pl.ds(sts[2 * _SR], _SR)], slab, sem_si)

    sts0 = pick_step(0)
    fire_slab_in(sts0, slabA)
    fire_gathers(0, sts0)

    def process_step(s, sts, slab, other):
        row0 = sts[2 * _SR]
        nxt = pick_step(jnp.minimum(s + 1, NSL - 1))

        @pl.when(s >= 1)
        def _():
            pltpu.make_async_copy(other, Xo.at[pl.ds(base, _SR)],
                                  sem_so).wait()

        @pl.when(s < NSL - 1)
        def _():
            fire_slab_in(nxt, other)

        pltpu.make_async_copy(X.at[pl.ds(base, _SR)], slab, sem_si).wait()
        for lanei in range(2 * _SR):
            ch = lanei // _SR

            @pl.when(sts[lanei] >= 0)
            def _():
                pltpu.make_async_copy(tabs[ch].at[ia8_v.at[pl.ds(0, 1)]],
                                      banks[lanei], sem_g).wait()

        for lanei in range(2 * _SR):
            ch = lanei // _SR
            l = lanei % _SR
            st_s = sts[lanei]

            @pl.when(st_s >= 0)
            def _():
                def rep(k, _):
                    off = k * 64
                    for u in range(4):
                        slab[l, ch, pl.ds(off + u * 16, 16)] = (
                            banks[lanei][0, pl.ds(st_s + off + u * 16, 16)])
                    return _

                lax.fori_loop(0, T // 64, rep, None)

        @pl.when(s < NSL - 1)
        def _():
            fire_gathers(s + 1, nxt)

        pltpu.async_copy(slab, Xo.at[pl.ds(row0, _SR)], sem_so)
        return nxt

    def step2(s2, sts):
        sts = process_step(2 * s2, sts, slabA, slabB)
        sts = process_step(2 * s2 + 1, sts, slabB, slabA)
        return sts

    lax.fori_loop(0, NSL // 2, step2, sts0)
    pltpu.make_async_copy(slabB, Xo.at[pl.ds(base, _SR)], sem_so).wait()
    pltpu.make_async_copy(yout_v, yo.at[pl.ds(base, RPW)], sem_meta).wait()


def kernel(X, y, H1, L1):
    B, C, T = X.shape
    try:
        with jax.ensure_compile_time_eval(), \
                jax.default_device(jax.local_devices(backend="cpu")[0]):
            meta = _glitch_meta(H1.shape[0], H1.shape[1], T, B)
        mflat, ia, sa = (jnp.asarray(np.asarray(a)) for a in meta)
    except Exception:
        mflat, ia, sa = _glitch_meta(H1.shape[0], H1.shape[1], T, B)
    RPW = B // _NW
    NSL = RPW // _SR
    mesh = plsc.VectorSubcoreMesh(core_axis_name="c", subcore_axis_name="s",
                                  num_cores=_NC, num_subcores=_NS)
    run = pl.kernel(
        _sc_body,
        out_type=(jax.ShapeDtypeStruct((B, C, T), jnp.float32),
                  jax.ShapeDtypeStruct((B,), jnp.float32)),
        mesh=mesh,
        scratch_types=[
            pltpu.VMEM((NSL * 64,), jnp.int32),
            pltpu.VMEM((NSL * 16,), jnp.int32),
            pltpu.VMEM((RPW,), jnp.int32),
            pltpu.VMEM((RPW,), jnp.int32),
            pltpu.VMEM((RPW,), jnp.float32),
            pltpu.VMEM((RPW,), jnp.float32),
            pltpu.VMEM((_SR, C, T), jnp.float32),
            pltpu.VMEM((_SR, C, T), jnp.float32),
            pltpu.VMEM((1, 4096), jnp.float32),
            pltpu.VMEM((1, 4096), jnp.float32),
            pltpu.VMEM((1, 4096), jnp.float32),
            pltpu.VMEM((1, 4096), jnp.float32),
            pltpu.VMEM((1, 4096), jnp.float32),
            pltpu.VMEM((1, 4096), jnp.float32),
            pltpu.VMEM((1, 4096), jnp.float32),
            pltpu.VMEM((1, 4096), jnp.float32),
            pltpu.SemaphoreType.DMA,
            pltpu.SemaphoreType.DMA,
            pltpu.SemaphoreType.DMA,
            pltpu.SemaphoreType.DMA,
        ],
        compiler_params=pltpu.CompilerParams(needs_layout_passes=False),
    )
    Xo, yo = run(X, y, H1, L1, mflat, ia, sa)
    return (Xo, yo)

# --- scband reference (transcript-rebuilt; emitter-appended) ---
"""Pipeline reference for scband-glitch-sampler-29162827940108 (READ-ONLY COPY).

The authoritative reference and input builder live on the scoring server;
editing this copy changes nothing except your own understanding.
"""

import jax, jax.numpy as jnp
import numpy as np

PROB = 0.25
MAX_OFFSET = 256


def setup_inputs(seed: int = 0) -> dict:
    key = jax.random.key(seed)
    kx, kh, kl = jax.random.split(key, 3)
    B, C, T = 4096, 2, 2048
    X = jax.random.normal(kx, (B, C, T), dtype=jnp.float32)
    y = jnp.zeros((B,), dtype=jnp.float32)
    # glitch buffers registered in __init__(**glitches): one per ifo
    H1 = jax.random.normal(kh, (8192, 4096), dtype=jnp.float32)
    L1 = jax.random.normal(kl, (8192, 4096), dtype=jnp.float32)
    return {"X": X, "y": y, "H1": H1, "L1": L1}


def _sample_kernels(glitches, kernel_size, max_center_offset, key):
    # faithful to ml4gw slicing.sample_kernels with max_center_offset:
    # sampled kernel center stays within +/- max_center_offset of the glitch center
    N, L = glitches.shape
    center = L // 2
    min_start = center - kernel_size // 2 - max_center_offset
    max_start = center - kernel_size // 2 + max_center_offset
    starts = jax.random.randint(key, (N,), min_start, max_start + 1)
    offs = starts[:, None] + jnp.arange(kernel_size)[None, :]
    return jnp.take_along_axis(glitches, offs, axis=1)


def reference(X, y, H1, L1):
    key = jax.random.key(42)
    tables = [H1, L1]
    glitch_channels = len(tables)
    assert X.shape[1] >= glitch_channels
    kmask, key = jax.random.split(key)
    masks = jax.random.uniform(kmask, (glitch_channels, X.shape[0])) < PROB
    for i, glitches in enumerate(tables):
        mask = masks[i]
        kidx, kker, key = jax.random.split(key, 3)
        # torch code draws N=mask.sum() indices; drawing B and masking is
        # distributionally identical and shape-static
        idx = jax.random.randint(kidx, (X.shape[0],), 0, glitches.shape[0])
        sel = jnp.take(glitches, idx, axis=0)
        kernels = _sample_kernels(sel, X.shape[-1], MAX_OFFSET, kker)
        new_ch = jnp.where(mask[:, None], kernels, X[:, i, :])
        X = X.at[:, i, :].set(new_ch)
        y = jnp.where(mask, y - float(2 ** (i + 1)), y)
    return (X, y)

if __name__ == "__main__":
    import jax
    _d = setup_inputs()
    print(jax.jit(kernel)(*tuple(_d.values())))

</pallas_src>

<mosaic_0001>
#map = affine_map<(d0, d1) -> (0, 0, 0)>
#map1 = affine_map<(d0, d1) -> (0)>
#map2 = affine_map<(d0, d1) -> (0, 0)>
module attributes {stable_mosaic.version = 14 : i64} {
  func.func @_sc_body(%arg0: i32, %arg1: i32, %arg2: memref<4096x2x2048xf32, #tpu.memory_space<hbm>>, %arg3: memref<4096xf32, #tpu.memory_space<hbm>>, %arg4: memref<8192x4096xf32, #tpu.memory_space<hbm>>, %arg5: memref<8192x4096xf32, #tpu.memory_space<hbm>>, %arg6: memref<8192xi32, #tpu.memory_space<hbm>>, %arg7: memref<65536xi32, #tpu.memory_space<hbm>>, %arg8: memref<16384xi32, #tpu.memory_space<hbm>>, %arg9: memref<4096x2x2048xf32, #tpu.memory_space<hbm>>, %arg10: memref<4096xf32, #tpu.memory_space<hbm>>, %arg11: memref<2048xi32, #tpu.memory_space<vmem>>, %arg12: memref<512xi32, #tpu.memory_space<vmem>>, %arg13: memref<128xi32, #tpu.memory_space<vmem>>, %arg14: memref<128xi32, #tpu.memory_space<vmem>>, %arg15: memref<128xf32, #tpu.memory_space<vmem>>, %arg16: memref<128xf32, #tpu.memory_space<vmem>>, %arg17: memref<4x2x2048xf32, #tpu.memory_space<vmem>>, %arg18: memref<4x2x2048xf32, #tpu.memory_space<vmem>>, %arg19: memref<1x4096xf32, #tpu.memory_space<vmem>>, %arg20: memref<1x4096xf32, #tpu.memory_space<vmem>>, %arg21: memref<1x4096xf32, #tpu.memory_space<vmem>>, %arg22: memref<1x4096xf32, #tpu.memory_space<vmem>>, %arg23: memref<1x4096xf32, #tpu.memory_space<vmem>>, %arg24: memref<1x4096xf32, #tpu.memory_space<vmem>>, %arg25: memref<1x4096xf32, #tpu.memory_space<vmem>>, %arg26: memref<1x4096xf32, #tpu.memory_space<vmem>>, %arg27: memref<!tpu.dma_semaphore, #tpu.memory_space<semaphore_mem>>, %arg28: memref<!tpu.dma_semaphore, #tpu.memory_space<semaphore_mem>>, %arg29: memref<!tpu.dma_semaphore, #tpu.memory_space<semaphore_mem>>, %arg30: memref<!tpu.dma_semaphore, #tpu.memory_space<semaphore_mem>>) attributes {dimension_semantics = [#tpu.dimension_semantics<core_parallel>, #tpu.dimension_semantics<subcore_parallel>], iteration_bounds = array<i64: 2, 16>, scalar_prefetch = 0 : i64, scratch_operands = 20 : i64, tpu.core_type = #tpu.core_type<sc_vector_subcore>, window_params = [{transform_indices = #map}, {transform_indices = #map1}, {transform_indices = #map2}, {transform_indices = #map2}, {transform_indices = #map1}, {transform_indices = #map1}, {transform_indices = #map1}, {transform_indices = #map}, {transform_indices = #map1}]} {
    %mul3A = arith.constant 2 : i32
    %mul3A_0 = arith.muli %arg1, %mul3A : i32
    %add3A = arith.addi %mul3A_0, %arg0 : i32
    %mul3A_1 = arith.constant 128 : i32
    %mul3A_2 = arith.muli %add3A, %mul3A_1 : i32
    %multiple_of3A = tpu.assume_multiple %mul3A_2, 128 : i32
    %mul3A_3 = arith.constant 512 : i32
    %mul3A_4 = arith.muli %add3A, %mul3A_3 : i32
    %multiple_of3A_5 = tpu.assume_multiple %mul3A_4, 512 : i32
    %mul3A_6 = arith.constant 2048 : i32
    %mul3A_7 = arith.muli %add3A, %mul3A_6 : i32
    %multiple_of3A_8 = tpu.assume_multiple %mul3A_7, 2048 : i32
    %dma_start3A = tpu.memref_slice %arg7[%multiple_of3A_8] : memref<65536xi32, #tpu.memory_space<hbm>> -> memref<2048xi32, #tpu.memory_space<hbm>>
    %dma_start3A_9 = tpu.memref_slice %arg7[%multiple_of3A_8] : memref<65536xi32, #tpu.memory_space<hbm>> -> memref<2048xi32, #tpu.memory_space<hbm>>
    tpu.enqueue_dma source(%dma_start3A_9 : memref<2048xi32, #tpu.memory_space<hbm>>) target(%arg11 : memref<2048xi32, #tpu.memory_space<vmem>>) target_semaphore(%arg27 : memref<!tpu.dma_semaphore, #tpu.memory_space<semaphore_mem>>)
    %dma_start3A_10 = tpu.memref_slice %arg8[%multiple_of3A_5] : memref<16384xi32, #tpu.memory_space<hbm>> -> memref<512xi32, #tpu.memory_space<hbm>>
    %dma_start3A_11 = tpu.memref_slice %arg8[%multiple_of3A_5] : memref<16384xi32, #tpu.memory_space<hbm>> -> memref<512xi32, #tpu.memory_space<hbm>>
    tpu.enqueue_dma source(%dma_start3A_11 : memref<512xi32, #tpu.memory_space<hbm>>) target(%arg12 : memref<512xi32, #tpu.memory_space<vmem>>) target_semaphore(%arg27 : memref<!tpu.dma_semaphore, #tpu.memory_space<semaphore_mem>>)
    %dma_start3A_12 = tpu.memref_slice %arg6[%multiple_of3A] : memref<8192xi32, #tpu.memory_space<hbm>> -> memref<128xi32, #tpu.memory_space<hbm>>
    %dma_start3A_13 = tpu.memref_slice %arg6[%multiple_of3A] : memref<8192xi32, #tpu.memory_space<hbm>> -> memref<128xi32, #tpu.memory_space<hbm>>
    tpu.enqueue_dma source(%dma_start3A_13 : memref<128xi32, #tpu.memory_space<hbm>>) target(%arg13 : memref<128xi32, #tpu.memory_space<vmem>>) target_semaphore(%arg27 : memref<!tpu.dma_semaphore, #tpu.memory_space<semaphore_mem>>)
    %add3A_14 = arith.constant 4096 : i32
    %add3A_15 = arith.addi %add3A_14, %multiple_of3A : i32
    %dma_start3A_16 = tpu.memref_slice %arg6[%add3A_15] : memref<8192xi32, #tpu.memory_space<hbm>> -> memref<128xi32, #tpu.memory_space<hbm>>
    %dma_start3A_17 = tpu.memref_slice %arg6[%add3A_15] : memref<8192xi32, #tpu.memory_space<hbm>> -> memref<128xi32, #tpu.memory_space<hbm>>
    tpu.enqueue_dma source(%dma_start3A_17 : memref<128xi32, #tpu.memory_space<hbm>>) target(%arg14 : memref<128xi32, #tpu.memory_space<vmem>>) target_semaphore(%arg27 : memref<!tpu.dma_semaphore, #tpu.memory_space<semaphore_mem>>)
    %dma_start3A_18 = tpu.memref_slice %arg3[%multiple_of3A] : memref<4096xf32, #tpu.memory_space<hbm>> -> memref<128xf32, #tpu.memory_space<hbm>>
    %dma_start3A_19 = tpu.memref_slice %arg3[%multiple_of3A] : memref<4096xf32, #tpu.memory_space<hbm>> -> memref<128xf32, #tpu.memory_space<hbm>>
    tpu.enqueue_dma source(%dma_start3A_19 : memref<128xf32, #tpu.memory_space<hbm>>) target(%arg15 : memref<128xf32, #tpu.memory_space<vmem>>) target_semaphore(%arg27 : memref<!tpu.dma_semaphore, #tpu.memory_space<semaphore_mem>>)
    %dma_wait3A = tpu.memref_slice %arg8[%multiple_of3A_5] : memref<16384xi32, #tpu.memory_space<hbm>> -> memref<512xi32, #tpu.memory_space<hbm>>
    %dma_wait3A_20 = tpu.memref_slice %arg8[%multiple_of3A_5] : memref<16384xi32, #tpu.memory_space<hbm>> -> memref<512xi32, #tpu.memory_space<hbm>>
    tpu.wait_dma2 semaphore(%arg27 : memref<!tpu.dma_semaphore, #tpu.memory_space<semaphore_mem>>) src(%dma_wait3A_20 : memref<512xi32, #tpu.memory_space<hbm>>) dst(%arg12 : memref<512xi32, #tpu.memory_space<vmem>>)
    %dma_wait3A_21 = tpu.memref_slice %arg7[%multiple_of3A_8] : memref<65536xi32, #tpu.memory_space<hbm>> -> memref<2048xi32, #tpu.memory_space<hbm>>
    %dma_wait3A_22 = tpu.memref_slice %arg7[%multiple_of3A_8] : memref<65536xi32, #tpu.memory_space<hbm>> -> memref<2048xi32, #tpu.memory_space<hbm>>
    tpu.wait_dma2 semaphore(%arg27 : memref<!tpu.dma_semaphore, #tpu.memory_space<semaphore_mem>>) src(%dma_wait3A_22 : memref<2048xi32, #tpu.memory_space<hbm>>) dst(%arg11 : memref<2048xi32, #tpu.memory_space<vmem>>)
    %dma_wait3A_23 = tpu.memref_slice %arg6[%multiple_of3A] : memref<8192xi32, #tpu.memory_space<hbm>> -> memref<128xi32, #tpu.memory_space<hbm>>
    %dma_wait3A_24 = tpu.memref_slice %arg6[%multiple_of3A] : memref<8192xi32, #tpu.memory_space<hbm>> -> memref<128xi32, #tpu.memory_space<hbm>>
    tpu.wait_dma2 semaphore(%arg27 : memref<!tpu.dma_semaphore, #tpu.memory_space<semaphore_mem>>) src(%dma_wait3A_24 : memref<128xi32, #tpu.memory_space<hbm>>) dst(%arg13 : memref<128xi32, #tpu.memory_space<vmem>>)
    %dma_wait3A_25 = tpu.memref_slice %arg6[%multiple_of3A] : memref<8192xi32, #tpu.memory_space<hbm>> -> memref<128xi32, #tpu.memory_space<hbm>>
    %dma_wait3A_26 = tpu.memref_slice %arg6[%multiple_of3A] : memref<8192xi32, #tpu.memory_space<hbm>> -> memref<128xi32, #tpu.memory_space<hbm>>
    tpu.wait_dma2 semaphore(%arg27 : memref<!tpu.dma_semaphore, #tpu.memory_space<semaphore_mem>>) src(%dma_wait3A_26 : memref<128xi32, #tpu.memory_space<hbm>>) dst(%arg14 : memref<128xi32, #tpu.memory_space<vmem>>)
    %dma_wait3A_27 = tpu.memref_slice %arg3[%multiple_of3A] : memref<4096xf32, #tpu.memory_space<hbm>> -> memref<128xf32, #tpu.memory_space<hbm>>
    %dma_wait3A_28 = tpu.memref_slice %arg3[%multiple_of3A] : memref<4096xf32, #tpu.memory_space<hbm>> -> memref<128xf32, #tpu.memory_space<hbm>>
    tpu.wait_dma2 semaphore(%arg27 : memref<!tpu.dma_semaphore, #tpu.memory_space<semaphore_mem>>) src(%dma_wait3A_28 : memref<128xf32, #tpu.memory_space<hbm>>) dst(%arg15 : memref<128xf32, #tpu.memory_space<vmem>>)
    %get3A = arith.constant 0 : index
    %get3A_29 = tpu.vector_load %arg13[%get3A] {strides = array<i32>} : memref<128xi32, #tpu.memory_space<vmem>>, vector<16xi32>,
    %convert_element_type3A = arith.sitofp %get3A_29 : vector<16xi32> to vector<16xf32>
    %get3A_30 = arith.constant 0 : index
    %get3A_31 = tpu.vector_load %arg14[%get3A_30] {strides = array<i32>} : memref<128xi32, #tpu.memory_space<vmem>>, vector<16xi32>,
    %convert_element_type3A_32 = arith.sitofp %get3A_31 : vector<16xi32> to vector<16xf32>
    %get3A_33 = arith.constant 0 : index
    %get3A_34 = tpu.vector_load %arg15[%get3A_33] {strides = array<i32>} : memref<128xf32, #tpu.memory_space<vmem>>, vector<16xf32>,
    %mul3A_35 = arith.constant 2.000000e+00 : f32
    %mul3A_36 = vector.broadcast %mul3A_35 : f32 to vector<16xf32>
    %mul3A_37 = arith.mulf %mul3A_36, %convert_element_type3A : vector<16xf32>
    %sub3A = arith.subf %get3A_34, %mul3A_37 : vector<16xf32>
    %mul3A_38 = arith.constant 4.000000e+00 : f32
    %mul3A_39 = vector.broadcast %mul3A_38 : f32 to vector<16xf32>
    %mul3A_40 = arith.mulf %mul3A_39, %convert_element_type3A_32 : vector<16xf32>
    %sub3A_41 = arith.subf %sub3A, %mul3A_40 : vector<16xf32>
    %swap3A = arith.constant 0 : index
    %swap3A_42 = tpu.vector_load %arg16[%swap3A] {strides = array<i32>} : memref<128xf32, #tpu.memory_space<vmem>>, vector<16xf32>,
    tpu.vector_store %arg16[%swap3A], %sub3A_41 {strides = array<i32>} : memref<128xf32, #tpu.memory_space<vmem>>, vector<16xf32>,
    %get3A_43 = arith.constant 16 : index
    %get3A_44 = tpu.vector_load %arg13[%get3A_43] {strides = array<i32>} : memref<128xi32, #tpu.memory_space<vmem>>, vector<16xi32>,
    %convert_element_type3A_45 = arith.sitofp %get3A_44 : vector<16xi32> to vector<16xf32>
    %get3A_46 = arith.constant 16 : index
    %get3A_47 = tpu.vector_load %arg14[%get3A_46] {strides = array<i32>} : memref<128xi32, #tpu.memory_space<vmem>>, vector<16xi32>,
    %convert_element_type3A_48 = arith.sitofp %get3A_47 : vector<16xi32> to vector<16xf32>
    %get3A_49 = arith.constant 16 : index
    %get3A_50 = tpu.vector_load %arg15[%get3A_49] {strides = array<i32>} : memref<128xf32, #tpu.memory_space<vmem>>, vector<16xf32>,
    %mul3A_51 = arith.constant 2.000000e+00 : f32
    %mul3A_52 = vector.broadcast %mul3A_51 : f32 to vector<16xf32>
    %mul3A_53 = arith.mulf %mul3A_52, %convert_element_type3A_45 : vector<16xf32>
    %sub3A_54 = arith.subf %get3A_50, %mul3A_53 : vector<16xf32>
    %mul3A_55 = arith.constant 4.000000e+00 : f32
    %mul3A_56 = vector.broadcast %mul3A_55 : f32 to vector<16xf32>
    %mul3A_57 = arith.mulf %mul3A_56, %convert_element_type3A_48 : vector<16xf32>
    %sub3A_58 = arith.subf %sub3A_54, %mul3A_57 : vector<16xf32>
    %swap3A_59 = arith.constant 16 : index
    %swap3A_60 = tpu.vector_load %arg16[%swap3A_59] {strides = array<i32>} : memref<128xf32, #tpu.memory_space<vmem>>, vector<16xf32>,
    tpu.vector_store %arg16[%swap3A_59], %sub3A_58 {strides = array<i32>} : memref<128xf32, #tpu.memory_space<vmem>>, vector<16xf32>,
    %get3A_61 = arith.constant 32 : index
    %get3A_62 = tpu.vector_load %arg13[%get3A_61] {strides = array<i32>} : memref<128xi32, #tpu.memory_space<vmem>>, vector<16xi32>,
    %convert_element_type3A_63 = arith.sitofp %get3A_62 : vector<16xi32> to vector<16xf32>
    %get3A_64 = arith.constant 32 : index
    %get3A_65 = tpu.vector_load %arg14[%get3A_64] {strides = array<i32>} : memref<128xi32, #tpu.memory_space<vmem>>, vector<16xi32>,
    %convert_element_type3A_66 = arith.sitofp %get3A_65 : vector<16xi32> to vector<16xf32>
    %get3A_67 = arith.constant 32 : index
    %get3A_68 = tpu.vector_load %arg15[%get3A_67] {strides = array<i32>} : memref<128xf32, #tpu.memory_space<vmem>>, vector<16xf32>,
    %mul3A_69 = arith.constant 2.000000e+00 : f32
    %mul3A_70 = vector.broadcast %mul3A_69 : f32 to vector<16xf32>
    %mul3A_71 = arith.mulf %mul3A_70, %convert_element_type3A_63 : vector<16xf32>
    %sub3A_72 = arith.subf %get3A_68, %mul3A_71 : vector<16xf32>
    %mul3A_73 = arith.constant 4.000000e+00 : f32
    %mul3A_74 = vector.broadcast %mul3A_73 : f32 to vector<16xf32>
    %mul3A_75 = arith.mulf %mul3A_74, %convert_element_type3A_66 : vector<16xf32>
    %sub3A_76 = arith.subf %sub3A_72, %mul3A_75 : vector<16xf32>
    %swap3A_77 = arith.constant 32 : index
    %swap3A_78 = tpu.vector_load %arg16[%swap3A_77] {strides = array<i32>} : memref<128xf32, #tpu.memory_space<vmem>>, vector<16xf32>,
    tpu.vector_store %arg16[%swap3A_77], %sub3A_76 {strides = array<i32>} : memref<128xf32, #tpu.memory_space<vmem>>, vector<16xf32>,
    %get3A_79 = arith.constant 48 : index
    %get3A_80 = tpu.vector_load %arg13[%get3A_79] {strides = array<i32>} : memref<128xi32, #tpu.memory_space<vmem>>, vector<16xi32>,
    %convert_element_type3A_81 = arith.sitofp %get3A_80 : vector<16xi32> to vector<16xf32>
    %get3A_82 = arith.constant 48 : index
    %get3A_83 = tpu.vector_load %arg14[%get3A_82] {strides = array<i32>} : memref<128xi32, #tpu.memory_space<vmem>>, vector<16xi32>,
    %convert_element_type3A_84 = arith.sitofp %get3A_83 : vector<16xi32> to vector<16xf32>
    %get3A_85 = arith.constant 48 : index
    %get3A_86 = tpu.vector_load %arg15[%get3A_85] {strides = array<i32>} : memref<128xf32, #tpu.memory_space<vmem>>, vector<16xf32>,
    %mul3A_87 = arith.constant 2.000000e+00 : f32
    %mul3A_88 = vector.broadcast %mul3A_87 : f32 to vector<16xf32>
    %mul3A_89 = arith.mulf %mul3A_88, %convert_element_type3A_81 : vector<16xf32>
    %sub3A_90 = arith.subf %get3A_86, %mul3A_89 : vector<16xf32>
    %mul3A_91 = arith.constant 4.000000e+00 : f32
    %mul3A_92 = vector.broadcast %mul3A_91 : f32 to vector<16xf32>
    %mul3A_93 = arith.mulf %mul3A_92, %convert_element_type3A_84 : vector<16xf32>
    %sub3A_94 = arith.subf %sub3A_90, %mul3A_93 : vector<16xf32>
    %swap3A_95 = arith.constant 48 : index
    %swap3A_96 = tpu.vector_load %arg16[%swap3A_95] {strides = array<i32>} : memref<128xf32, #tpu.memory_space<vmem>>, vector<16xf32>,
    tpu.vector_store %arg16[%swap3A_95], %sub3A_94 {strides = array<i32>} : memref<128xf32, #tpu.memory_space<vmem>>, vector<16xf32>,
    %get3A_97 = arith.constant 64 : index
    %get3A_98 = tpu.vector_load %arg13[%get3A_97] {strides = array<i32>} : memref<128xi32, #tpu.memory_space<vmem>>, vector<16xi32>,
    %convert_element_type3A_99 = arith.sitofp %get3A_98 : vector<16xi32> to vector<16xf32>
    %get3A_100 = arith.constant 64 : index
    %get3A_101 = tpu.vector_load %arg14[%get3A_100] {strides = array<i32>} : memref<128xi32, #tpu.memory_space<vmem>>, vector<16xi32>,
    %convert_element_type3A_102 = arith.sitofp %get3A_101 : vector<16xi32> to vector<16xf32>
    %get3A_103 = arith.constant 64 : index
    %get3A_104 = tpu.vector_load %arg15[%get3A_103] {strides = array<i32>} : memref<128xf32, #tpu.memory_space<vmem>>, vector<16xf32>,
    %mul3A_105 = arith.constant 2.000000e+00 : f32
    %mul3A_106 = vector.broadcast %mul3A_105 : f32 to vector<16xf32>
    %mul3A_107 = arith.mulf %mul3A_106, %convert_element_type3A_99 : vector<16xf32>
    %sub3A_108 = arith.subf %get3A_104, %mul3A_107 : vector<16xf32>
    %mul3A_109 = arith.constant 4.000000e+00 : f32
    %mul3A_110 = vector.broadcast %mul3A_109 : f32 to vector<16xf32>
    %mul3A_111 = arith.mulf %mul3A_110, %convert_element_type3A_102 : vector<16xf32>
    %sub3A_112 = arith.subf %sub3A_108, %mul3A_111 : vector<16xf32>
    %swap3A_113 = arith.constant 64 : index
    %swap3A_114 = tpu.vector_load %arg16[%swap3A_113] {strides = array<i32>} : memref<128xf32, #tpu.memory_space<vmem>>, vector<16xf32>,
    tpu.vector_store %arg16[%swap3A_113], %sub3A_112 {strides = array<i32>} : memref<128xf32, #tpu.memory_space<vmem>>, vector<16xf32>,
    %get3A_115 = arith.constant 80 : index
    %get3A_116 = tpu.vector_load %arg13[%get3A_115] {strides = array<i32>} : memref<128xi32, #tpu.memory_space<vmem>>, vector<16xi32>,
    %convert_element_type3A_117 = arith.sitofp %get3A_116 : vector<16xi32> to vector<16xf32>
    %get3A_118 = arith.constant 80 : index
    %get3A_119 = tpu.vector_load %arg14[%get3A_118] {strides = array<i32>} : memref<128xi32, #tpu.memory_space<vmem>>, vector<16xi32>,
    %convert_element_type3A_120 = arith.sitofp %get3A_119 : vector<16xi32> to vector<16xf32>
    %get3A_121 = arith.constant 80 : index
    %get3A_122 = tpu.vector_load %arg15[%get3A_121] {strides = array<i32>} : memref<128xf32, #tpu.memory_space<vmem>>, vector<16xf32>,
    %mul3A_123 = arith.constant 2.000000e+00 : f32
    %mul3A_124 = vector.broadcast %mul3A_123 : f32 to vector<16xf32>
    %mul3A_125 = arith.mulf %mul3A_124, %convert_element_type3A_117 : vector<16xf32>
    %sub3A_126 = arith.subf %get3A_122, %mul3A_125 : vector<16xf32>
    %mul3A_127 = arith.constant 4.000000e+00 : f32
    %mul3A_128 = vector.broadcast %mul3A_127 : f32 to vector<16xf32>
    %mul3A_129 = arith.mulf %mul3A_128, %convert_element_type3A_120 : vector<16xf32>
    %sub3A_130 = arith.subf %sub3A_126, %mul3A_129 : vector<16xf32>
    %swap3A_131 = arith.constant 80 : index
    %swap3A_132 = tpu.vector_load %arg16[%swap3A_131] {strides = array<i32>} : memref<128xf32, #tpu.memory_space<vmem>>, vector<16xf32>,
    tpu.vector_store %arg16[%swap3A_131], %sub3A_130 {strides = array<i32>} : memref<128xf32, #tpu.memory_space<vmem>>, vector<16xf32>,
    %get3A_133 = arith.constant 96 : index
    %get3A_134 = tpu.vector_load %arg13[%get3A_133] {strides = array<i32>} : memref<128xi32, #tpu.memory_space<vmem>>, vector<16xi32>,
    %convert_element_type3A_135 = arith.sitofp %get3A_134 : vector<16xi32> to vector<16xf32>
    %get3A_136 = arith.constant 96 : index
    %get3A_137 = tpu.vector_load %arg14[%get3A_136] {strides = array<i32>} : memref<128xi32, #tpu.memory_space<vmem>>, vector<16xi32>,
    %convert_element_type3A_138 = arith.sitofp %get3A_137 : vector<16xi32> to vector<16xf32>
    %get3A_139 = arith.constant 96 : index
    %get3A_140 = tpu.vector_load %arg15[%get3A_139] {strides = array<i32>} : memref<128xf32, #tpu.memory_space<vmem>>, vector<16xf32>,
    %mul3A_141 = arith.constant 2.000000e+00 : f32
    %mul3A_142 = vector.broadcast %mul3A_141 : f32 to vector<16xf32>
    %mul3A_143 = arith.mulf %mul3A_142, %convert_element_type3A_135 : vector<16xf32>
    %sub3A_144 = arith.subf %get3A_140, %mul3A_143 : vector<16xf32>
    %mul3A_145 = arith.constant 4.000000e+00 : f32
    %mul3A_146 = vector.broadcast %mul3A_145 : f32 to vector<16xf32>
    %mul3A_147 = arith.mulf %mul3A_146, %convert_element_type3A_138 : vector<16xf32>
    %sub3A_148 = arith.subf %sub3A_144, %mul3A_147 : vector<16xf32>
    %swap3A_149 = arith.constant 96 : index
    %swap3A_150 = tpu.vector_load %arg16[%swap3A_149] {strides = array<i32>} : memref<128xf32, #tpu.memory_space<vmem>>, vector<16xf32>,
    tpu.vector_store %arg16[%swap3A_149], %sub3A_148 {strides = array<i32>} : memref<128xf32, #tpu.memory_space<vmem>>, vector<16xf32>,
    %get3A_151 = arith.constant 112 : index
    %get3A_152 = tpu.vector_load %arg13[%get3A_151] {strides = array<i32>} : memref<128xi32, #tpu.memory_space<vmem>>, vector<16xi32>,
    %convert_element_type3A_153 = arith.sitofp %get3A_152 : vector<16xi32> to vector<16xf32>
    %get3A_154 = arith.constant 112 : index
    %get3A_155 = tpu.vector_load %arg14[%get3A_154] {strides = array<i32>} : memref<128xi32, #tpu.memory_space<vmem>>, vector<16xi32>,
    %convert_element_type3A_156 = arith.sitofp %get3A_155 : vector<16xi32> to vector<16xf32>
    %get3A_157 = arith.constant 112 : index
    %get3A_158 = tpu.vector_load %arg15[%get3A_157] {strides = array<i32>} : memref<128xf32, #tpu.memory_space<vmem>>, vector<16xf32>,
    %mul3A_159 = arith.constant 2.000000e+00 : f32
    %mul3A_160 = vector.broadcast %mul3A_159 : f32 to vector<16xf32>
    %mul3A_161 = arith.mulf %mul3A_160, %convert_element_type3A_153 : vector<16xf32>
    %sub3A_162 = arith.subf %get3A_158, %mul3A_161 : vector<16xf32>
    %mul3A_163 = arith.constant 4.000000e+00 : f32
    %mul3A_164 = vector.broadcast %mul3A_163 : f32 to vector<16xf32>
    %mul3A_165 = arith.mulf %mul3A_164, %convert_element_type3A_156 : vector<16xf32>
    %sub3A_166 = arith.subf %sub3A_162, %mul3A_165 : vector<16xf32>
    %swap3A_167 = arith.constant 112 : index
    %swap3A_168 = tpu.vector_load %arg16[%swap3A_167] {strides = array<i32>} : memref<128xf32, #tpu.memory_space<vmem>>, vector<16xf32>,
    tpu.vector_store %arg16[%swap3A_167], %sub3A_166 {strides = array<i32>} : memref<128xf32, #tpu.memory_space<vmem>>, vector<16xf32>,
    %dma_start3A_169 = tpu.memref_slice %arg10[%multiple_of3A] : memref<4096xf32, #tpu.memory_space<hbm>> -> memref<128xf32, #tpu.memory_space<hbm>>
    %dma_start3A_170 = tpu.memref_slice %arg10[%multiple_of3A] : memref<4096xf32, #tpu.memory_space<hbm>> -> memref<128xf32, #tpu.memory_space<hbm>>
    tpu.enqueue_dma source(%arg16 : memref<128xf32, #tpu.memory_space<vmem>>) target(%dma_start3A_170 : memref<128xf32, #tpu.memory_space<hbm>>) target_semaphore(%arg27 : memref<!tpu.dma_semaphore, #tpu.memory_space<semaphore_mem>>)
    %multiple_of3A_171 = arith.constant 0 : i32
    %multiple_of3A_172 = tpu.assume_multiple %multiple_of3A_171, 16 : i32
    %get3A_173 = arith.index_cast %multiple_of3A_172 : i32 to index
    %get3A_174 = tpu.vector_load %arg12[%get3A_173] {strides = array<i32>} : memref<512xi32, #tpu.memory_space<vmem>>, vector<16xi32>,
    %slice3A = vector.extract_strided_slice %get3A_174 {offsets = [0], sizes = [1], strides = [1]} : vector<16xi32> to vector<1xi32>
    %squeeze3A = vector.extract %slice3A[0] : i32 from vector<1xi32>
    %slice3A_175 = vector.extract_strided_slice %get3A_174 {offsets = [1], sizes = [1], strides = [1]} : vector<16xi32> to vector<1xi32>
    %squeeze3A_176 = vector.extract %slice3A_175[0] : i32 from vector<1xi32>
    %slice3A_177 = vector.extract_strided_slice %get3A_174 {offsets = [2], sizes = [1], strides = [1]} : vector<16xi32> to vector<1xi32>
    %squeeze3A_178 = vector.extract %slice3A_177[0] : i32 from vector<1xi32>
    %slice3A_179 = vector.extract_strided_slice %get3A_174 {offsets = [3], sizes = [1], strides = [1]} : vector<16xi32> to vector<1xi32>
    %squeeze3A_180 = vector.extract %slice3A_179[0] : i32 from vector<1xi32>
    %slice3A_181 = vector.extract_strided_slice %get3A_174 {offsets = [4], sizes = [1], strides = [1]} : vector<16xi32> to vector<1xi32>
    %squeeze3A_182 = vector.extract %slice3A_181[0] : i32 from vector<1xi32>
    %slice3A_183 = vector.extract_strided_slice %get3A_174 {offsets = [5], sizes = [1], strides = [1]} : vector<16xi32> to vector<1xi32>
    %squeeze3A_184 = vector.extract %slice3A_183[0] : i32 from vector<1xi32>
    %slice3A_185 = vector.extract_strided_slice %get3A_174 {offsets = [6], sizes = [1], strides = [1]} : vector<16xi32> to vector<1xi32>
    %squeeze3A_186 = vector.extract %slice3A_185[0] : i32 from vector<1xi32>
    %slice3A_187 = vector.extract_strided_slice %get3A_174 {offsets = [7], sizes = [1], strides = [1]} : vector<16xi32> to vector<1xi32>
    %squeeze3A_188 = vector.extract %slice3A_187[0] : i32 from vector<1xi32>
    %slice3A_189 = vector.extract_strided_slice %get3A_174 {offsets = [8], sizes = [1], strides = [1]} : vector<16xi32> to vector<1xi32>
    %squeeze3A_190 = vector.extract %slice3A_189[0] : i32 from vector<1xi32>
    %dma_start3A_191 = arith.constant 0 : i32
    %dma_start3A_192 = arith.constant 0 : i32
    %dma_start3A_193 = tpu.memref_slice %arg2[%squeeze3A_190, %dma_start3A_191, %dma_start3A_192] : memref<4096x2x2048xf32, #tpu.memory_space<hbm>> -> memref<4x2x2048xf32, #tpu.memory_space<hbm>>
    %dma_start3A_194 = arith.constant 0 : i32
    %dma_start3A_195 = arith.constant 0 : i32
    %dma_start3A_196 = tpu.memref_slice %arg2[%squeeze3A_190, %dma_start3A_194, %dma_start3A_195] : memref<4096x2x2048xf32, #tpu.memory_space<hbm>> -> memref<4x2x2048xf32, #tpu.memory_space<hbm>>
    tpu.enqueue_dma source(%dma_start3A_196 : memref<4x2x2048xf32, #tpu.memory_space<hbm>>) target(%arg17 : memref<4x2x2048xf32, #tpu.memory_space<vmem>>) target_semaphore(%arg28 : memref<!tpu.dma_semaphore, #tpu.memory_space<semaphore_mem>>)
    %multiple_of3A_197 = arith.constant 0 : i32
    %multiple_of3A_198 = tpu.assume_multiple %multiple_of3A_197, 8 : i32
    %ge3A = arith.constant 0 : i32
    %ge3A_199 = arith.cmpi sge, %squeeze3A, %ge3A : i32
    %convert_element_type3A_200 = arith.extui %ge3A_199 : i1 to i32
    %cond3A = arith.constant 0 : i32
    %cond3A_201 = arith.cmpi ne, %convert_element_type3A_200, %cond3A : i32
    scf.if %cond3A_201 {
      %dma_start3A_264 = tpu.memref_slice %arg11[%multiple_of3A_198] : memref<2048xi32, #tpu.memory_space<vmem>> -> memref<1xi32, #tpu.memory_space<vmem>>
      %dma_start3A_265 = arith.constant 0 : i32
      %dma_start3A_266 = arith.constant 0 : i32
      %dma_start3A_267 = tpu.memref_slice %arg4[%dma_start3A_265, %dma_start3A_266] : memref<8192x4096xf32, #tpu.memory_space<hbm>> -> memref<8192x4096xf32, #tpu.memory_space<hbm>>
      tpu.enqueue_indirect_dma source(%dma_start3A_267 : memref<8192x4096xf32, #tpu.memory_space<hbm>>) target(%arg19 : memref<1x4096xf32, #tpu.memory_space<vmem>>) offsets(%dma_start3A_264 : memref<1xi32, #tpu.memory_space<vmem>>) semaphore(%arg30 : memref<!tpu.dma_semaphore, #tpu.memory_space<semaphore_mem>>)
    } else {
    }
    %multiple_of3A_202 = arith.constant 8 : i32
    %multiple_of3A_203 = tpu.assume_multiple %multiple_of3A_202, 8 : i32
    %ge3A_204 = arith.constant 0 : i32
    %ge3A_205 = arith.cmpi sge, %squeeze3A_176, %ge3A_204 : i32
    %convert_element_type3A_206 = arith.extui %ge3A_205 : i1 to i32
    %cond3A_207 = arith.constant 0 : i32
    %cond3A_208 = arith.cmpi ne, %convert_element_type3A_206, %cond3A_207 : i32
    scf.if %cond3A_208 {
      %dma_start3A_264 = tpu.memref_slice %arg11[%multiple_of3A_203] : memref<2048xi32, #tpu.memory_space<vmem>> -> memref<1xi32, #tpu.memory_space<vmem>>
      %dma_start3A_265 = arith.constant 0 : i32
      %dma_start3A_266 = arith.constant 0 : i32
      %dma_start3A_267 = tpu.memref_slice %arg4[%dma_start3A_265, %dma_start3A_266] : memref<8192x4096xf32, #tpu.memory_space<hbm>> -> memref<8192x4096xf32, #tpu.memory_space<hbm>>
      tpu.enqueue_indirect_dma source(%dma_start3A_267 : memref<8192x4096xf32, #tpu.memory_space<hbm>>) target(%arg20 : memref<1x4096xf32, #tpu.memory_space<vmem>>) offsets(%dma_start3A_264 : memref<1xi32, #tpu.memory_space<vmem>>) semaphore(%arg30 : memref<!tpu.dma_semaphore, #tpu.memory_space<semaphore_mem>>)
    } else {
    }
    %multiple_of3A_209 = arith.constant 16 : i32
    %multiple_of3A_210 = tpu.assume_multiple %multiple_of3A_209, 8 : i32
    %ge3A_211 = arith.constant 0 : i32
    %ge3A_212 = arith.cmpi sge, %squeeze3A_178, %ge3A_211 : i32
    %convert_element_type3A_213 = arith.extui %ge3A_212 : i1 to i32
    %cond3A_214 = arith.constant 0 : i32
    %cond3A_215 = arith.cmpi ne, %convert_element_type3A_213, %cond3A_214 : i32
    scf.if %cond3A_215 {
      %dma_start3A_264 = tpu.memref_slice %arg11[%multiple_of3A_210] : memref<2048xi32, #tpu.memory_space<vmem>> -> memref<1xi32, #tpu.memory_space<vmem>>
      %dma_start3A_265 = arith.constant 0 : i32
      %dma_start3A_266 = arith.constant 0 : i32
      %dma_start3A_267 = tpu.memref_slice %arg4[%dma_start3A_265, %dma_start3A_266] : memref<8192x4096xf32, #tpu.memory_space<hbm>> -> memref<8192x4096xf32, #tpu.memory_space<hbm>>
      tpu.enqueue_indirect_dma source(%dma_start3A_267 : memref<8192x4096xf32, #tpu.memory_space<hbm>>) target(%arg21 : memref<1x4096xf32, #tpu.memory_space<vmem>>) offsets(%dma_start3A_264 : memref<1xi32, #tpu.memory_space<vmem>>) semaphore(%arg30 : memref<!tpu.dma_semaphore, #tpu.memory_space<semaphore_mem>>)
    } else {
    }
    %multiple_of3A_216 = arith.constant 24 : i32
    %multiple_of3A_217 = tpu.assume_multiple %multiple_of3A_216, 8 : i32
    %ge3A_218 = arith.constant 0 : i32
    %ge3A_219 = arith.cmpi sge, %squeeze3A_180, %ge3A_218 : i32
    %convert_element_type3A_220 = arith.extui %ge3A_219 : i1 to i32
    %cond3A_221 = arith.constant 0 : i32
    %cond3A_222 = arith.cmpi ne, %convert_element_type3A_220, %cond3A_221 : i32
    scf.if %cond3A_222 {
      %dma_start3A_264 = tpu.memref_slice %arg11[%multiple_of3A_217] : memref<2048xi32, #tpu.memory_space<vmem>> -> memref<1xi32, #tpu.memory_space<vmem>>
      %dma_start3A_265 = arith.constant 0 : i32
      %dma_start3A_266 = arith.constant 0 : i32
      %dma_start3A_267 = tpu.memref_slice %arg4[%dma_start3A_265, %dma_start3A_266] : memref<8192x4096xf32, #tpu.memory_space<hbm>> -> memref<8192x4096xf32, #tpu.memory_space<hbm>>
      tpu.enqueue_indirect_dma source(%dma_start3A_267 : memref<8192x4096xf32, #tpu.memory_space<hbm>>) target(%arg22 : memref<1x4096xf32, #tpu.memory_space<vmem>>) offsets(%dma_start3A_264 : memref<1xi32, #tpu.memory_space<vmem>>) semaphore(%arg30 : memref<!tpu.dma_semaphore, #tpu.memory_space<semaphore_mem>>)
    } else {
    }
    %multiple_of3A_223 = arith.constant 32 : i32
    %multiple_of3A_224 = tpu.assume_multiple %multiple_of3A_223, 8 : i32
    %ge3A_225 = arith.constant 0 : i32
    %ge3A_226 = arith.cmpi sge, %squeeze3A_182, %ge3A_225 : i32
    %convert_element_type3A_227 = arith.extui %ge3A_226 : i1 to i32
    %cond3A_228 = arith.constant 0 : i32
    %cond3A_229 = arith.cmpi ne, %convert_element_type3A_227, %cond3A_228 : i32
    scf.if %cond3A_229 {
      %dma_start3A_264 = tpu.memref_slice %arg11[%multiple_of3A_224] : memref<2048xi32, #tpu.memory_space<vmem>> -> memref<1xi32, #tpu.memory_space<vmem>>
      %dma_start3A_265 = arith.constant 0 : i32
      %dma_start3A_266 = arith.constant 0 : i32
      %dma_start3A_267 = tpu.memref_slice %arg5[%dma_start3A_265, %dma_start3A_266] : memref<8192x4096xf32, #tpu.memory_space<hbm>> -> memref<8192x4096xf32, #tpu.memory_space<hbm>>
      tpu.enqueue_indirect_dma source(%dma_start3A_267 : memref<8192x4096xf32, #tpu.memory_space<hbm>>) target(%arg23 : memref<1x4096xf32, #tpu.memory_space<vmem>>) offsets(%dma_start3A_264 : memref<1xi32, #tpu.memory_space<vmem>>) semaphore(%arg30 : memref<!tpu.dma_semaphore, #tpu.memory_space<semaphore_mem>>)
    } else {
    }
    %multiple_of3A_230 = arith.constant 40 : i32
    %multiple_of3A_231 = tpu.assume_multiple %multiple_of3A_230, 8 : i32
    %ge3A_232 = arith.constant 0 : i32
    %ge3A_233 = arith.cmpi sge, %squeeze3A_184, %ge3A_232 : i32
    %convert_element_type3A_234 = arith.extui %ge3A_233 : i1 to i32
    %cond3A_235 = arith.constant 0 : i32
    %cond3A_236 = arith.cmpi ne, %convert_element_type3A_234, %cond3A_235 : i32
    scf.if %cond3A_236 {
      %dma_start3A_264 = tpu.memref_slice %arg11[%multiple_of3A_231] : memref<2048xi32, #tpu.memory_space<vmem>> -> memref<1xi32, #tpu.memory_space<vmem>>
      %dma_start3A_265 = arith.constant 0 : i32
      %dma_start3A_266 = arith.constant 0 : i32
      %dma_start3A_267 = tpu.memref_slice %arg5[%dma_start3A_265, %dma_start3A_266] : memref<8192x4096xf32, #tpu.memory_space<hbm>> -> memref<8192x4096xf32, #tpu.memory_space<hbm>>
      tpu.enqueue_indirect_dma source(%dma_start3A_267 : memref<8192x4096xf32, #tpu.memory_space<hbm>>) target(%arg24 : memref<1x4096xf32, #tpu.memory_space<vmem>>) offsets(%dma_start3A_264 : memref<1xi32, #tpu.memory_space<vmem>>) semaphore(%arg30 : memref<!tpu.dma_semaphore, #tpu.memory_space<semaphore_mem>>)
    } else {
    }
    %multiple_of3A_237 = arith.constant 48 : i32
    %multiple_of3A_238 = tpu.assume_multiple %multiple_of3A_237, 8 : i32
    %ge3A_239 = arith.constant 0 : i32
    %ge3A_240 = arith.cmpi sge, %squeeze3A_186, %ge3A_239 : i32
    %convert_element_type3A_241 = arith.extui %ge3A_240 : i1 to i32
    %cond3A_242 = arith.constant 0 : i32
    %cond3A_243 = arith.cmpi ne, %convert_element_type3A_241, %cond3A_242 : i32
    scf.if %cond3A_243 {
      %dma_start3A_264 = tpu.memref_slice %arg11[%multiple_of3A_238] : memref<2048xi32, #tpu.memory_space<vmem>> -> memref<1xi32, #tpu.memory_space<vmem>>
      %dma_start3A_265 = arith.constant 0 : i32
      %dma_start3A_266 = arith.constant 0 : i32
      %dma_start3A_267 = tpu.memref_slice %arg5[%dma_start3A_265, %dma_start3A_266] : memref<8192x4096xf32, #tpu.memory_space<hbm>> -> memref<8192x4096xf32, #tpu.memory_space<hbm>>
      tpu.enqueue_indirect_dma source(%dma_start3A_267 : memref<8192x4096xf32, #tpu.memory_space<hbm>>) target(%arg25 : memref<1x4096xf32, #tpu.memory_space<vmem>>) offsets(%dma_start3A_264 : memref<1xi32, #tpu.memory_space<vmem>>) semaphore(%arg30 : memref<!tpu.dma_semaphore, #tpu.memory_space<semaphore_mem>>)
    } else {
    }
    %multiple_of3A_244 = arith.constant 56 : i32
    %multiple_of3A_245 = tpu.assume_multiple %multiple_of3A_244, 8 : i32
    %ge3A_246 = arith.constant 0 : i32
    %ge3A_247 = arith.cmpi sge, %squeeze3A_188, %ge3A_246 : i32
    %convert_element_type3A_248 = arith.extui %ge3A_247 : i1 to i32
    %cond3A_249 = arith.constant 0 : i32
    %cond3A_250 = arith.cmpi ne, %convert_element_type3A_248, %cond3A_249 : i32
    scf.if %cond3A_250 {
      %dma_start3A_264 = tpu.memref_slice %arg11[%multiple_of3A_245] : memref<2048xi32, #tpu.memory_space<vmem>> -> memref<1xi32, #tpu.memory_space<vmem>>
      %dma_start3A_265 = arith.constant 0 : i32
      %dma_start3A_266 = arith.constant 0 : i32
      %dma_start3A_267 = tpu.memref_slice %arg5[%dma_start3A_265, %dma_start3A_266] : memref<8192x4096xf32, #tpu.memory_space<hbm>> -> memref<8192x4096xf32, #tpu.memory_space<hbm>>
      tpu.enqueue_indirect_dma source(%dma_start3A_267 : memref<8192x4096xf32, #tpu.memory_space<hbm>>) target(%arg26 : memref<1x4096xf32, #tpu.memory_space<vmem>>) offsets(%dma_start3A_264 : memref<1xi32, #tpu.memory_space<vmem>>) semaphore(%arg30 : memref<!tpu.dma_semaphore, #tpu.memory_space<semaphore_mem>>)
    } else {
    }
    %scan3A = arith.constant 0 : i32
    %scan3A_251 = arith.constant 16 : i32
    %scan3A_252 = arith.addi %scan3A, %scan3A_251 : i32
    %scan3A_253 = arith.constant 1 : i32
    %scan3A_254:9 = scf.for %scan3A_264 = %scan3A to %scan3A_252 step %scan3A_253 iter_args(%scan3A_265 = %squeeze3A, %scan3A_266 = %squeeze3A_176, %scan3A_267 = %squeeze3A_178, %scan3A_268 = %squeeze3A_180, %scan3A_269 = %squeeze3A_182, %scan3A_270 = %squeeze3A_184, %scan3A_271 = %squeeze3A_186, %scan3A_272 = %squeeze3A_188, %scan3A_273 = %squeeze3A_190) -> (i32, i32, i32, i32, i32, i32, i32, i32, i32)  : i32 {
      %mul3A_274 = arith.constant 2 : i32
      %mul3A_275 = arith.muli %mul3A_274, %scan3A_264 : i32
      %add3A_276 = arith.constant 1 : i32
      %add3A_277 = arith.addi %mul3A_275, %add3A_276 : i32
      %min3A = arith.constant 31 : i32
      %min3A_278 = arith.minsi %add3A_277, %min3A : i32
      %mul3A_279 = arith.constant 16 : i32
      %mul3A_280 = arith.muli %min3A_278, %mul3A_279 : i32
      %multiple_of3A_281 = tpu.assume_multiple %mul3A_280, 16 : i32
      %get3A_282 = arith.index_cast %multiple_of3A_281 : i32 to index
      %get3A_283 = tpu.vector_load %arg12[%get3A_282] {strides = array<i32>} : memref<512xi32, #tpu.memory_space<vmem>>, vector<16xi32>,
      %slice3A_284 = vector.extract_strided_slice %get3A_283 {offsets = [0], sizes = [1], strides = [1]} : vector<16xi32> to vector<1xi32>
      %squeeze3A_285 = vector.extract %slice3A_284[0] : i32 from vector<1xi32>
      %slice3A_286 = vector.extract_strided_slice %get3A_283 {offsets = [1], sizes = [1], strides = [1]} : vector<16xi32> to vector<1xi32>
      %squeeze3A_287 = vector.extract %slice3A_286[0] : i32 from vector<1xi32>
      %slice3A_288 = vector.extract_strided_slice %get3A_283 {offsets = [2], sizes = [1], strides = [1]} : vector<16xi32> to vector<1xi32>
      %squeeze3A_289 = vector.extract %slice3A_288[0] : i32 from vector<1xi32>
      %slice3A_290 = vector.extract_strided_slice %get3A_283 {offsets = [3], sizes = [1], strides = [1]} : vector<16xi32> to vector<1xi32>
      %squeeze3A_291 = vector.extract %slice3A_290[0] : i32 from vector<1xi32>
      %slice3A_292 = vector.extract_strided_slice %get3A_283 {offsets = [4], sizes = [1], strides = [1]} : vector<16xi32> to vector<1xi32>
      %squeeze3A_293 = vector.extract %slice3A_292[0] : i32 from vector<1xi32>
      %slice3A_294 = vector.extract_strided_slice %get3A_283 {offsets = [5], sizes = [1], strides = [1]} : vector<16xi32> to vector<1xi32>
      %squeeze3A_295 = vector.extract %slice3A_294[0] : i32 from vector<1xi32>
      %slice3A_296 = vector.extract_strided_slice %get3A_283 {offsets = [6], sizes = [1], strides = [1]} : vector<16xi32> to vector<1xi32>
      %squeeze3A_297 = vector.extract %slice3A_296[0] : i32 from vector<1xi32>
      %slice3A_298 = vector.extract_strided_slice %get3A_283 {offsets = [7], sizes = [1], strides = [1]} : vector<16xi32> to vector<1xi32>
      %squeeze3A_299 = vector.extract %slice3A_298[0] : i32 from vector<1xi32>
      %slice3A_300 = vector.extract_strided_slice %get3A_283 {offsets = [8], sizes = [1], strides = [1]} : vector<16xi32> to vector<1xi32>
      %squeeze3A_301 = vector.extract %slice3A_300[0] : i32 from vector<1xi32>
      %ge3A_302 = arith.constant 1 : i32
      %ge3A_303 = arith.cmpi sge, %mul3A_275, %ge3A_302 : i32
      %convert_element_type3A_304 = arith.extui %ge3A_303 : i1 to i32
      %cond3A_305 = arith.constant 0 : i32
      %cond3A_306 = arith.cmpi ne, %convert_element_type3A_304, %cond3A_305 : i32
      scf.if %cond3A_306 {
        %dma_wait3A_546 = arith.constant 0 : i32
        %dma_wait3A_547 = arith.constant 0 : i32
        %dma_wait3A_548 = tpu.memref_slice %arg9[%multiple_of3A, %dma_wait3A_546, %dma_wait3A_547] : memref<4096x2x2048xf32, #tpu.memory_space<hbm>> -> memref<4x2x2048xf32, #tpu.memory_space<hbm>>
        %dma_wait3A_549 = arith.constant 0 : i32
        %dma_wait3A_550 = arith.constant 0 : i32
        %dma_wait3A_551 = tpu.memref_slice %arg9[%multiple_of3A, %dma_wait3A_549, %dma_wait3A_550] : memref<4096x2x2048xf32, #tpu.memory_space<hbm>> -> memref<4x2x2048xf32, #tpu.memory_space<hbm>>
        tpu.wait_dma2 semaphore(%arg29 : memref<!tpu.dma_semaphore, #tpu.memory_space<semaphore_mem>>) src(%arg18 : memref<4x2x2048xf32, #tpu.memory_space<vmem>>) dst(%dma_wait3A_551 : memref<4x2x2048xf32, #tpu.memory_space<hbm>>)
      } else {
      }
      %lt3A = arith.constant 31 : i32
      %lt3A_307 = arith.cmpi slt, %mul3A_275, %lt3A : i32
      %convert_element_type3A_308 = arith.extui %lt3A_307 : i1 to i32
      %cond3A_309 = arith.constant 0 : i32
      %cond3A_310 = arith.cmpi ne, %convert_element_type3A_308, %cond3A_309 : i32
      scf.if %cond3A_310 {
        %dma_start3A_546 = arith.constant 0 : i32
        %dma_start3A_547 = arith.constant 0 : i32
        %dma_start3A_548 = tpu.memref_slice %arg2[%squeeze3A_301, %dma_start3A_546, %dma_start3A_547] : memref<4096x2x2048xf32, #tpu.memory_space<hbm>> -> memref<4x2x2048xf32, #tpu.memory_space<hbm>>
        %dma_start3A_549 = arith.constant 0 : i32
        %dma_start3A_550 = arith.constant 0 : i32
        %dma_start3A_551 = tpu.memref_slice %arg2[%squeeze3A_301, %dma_start3A_549, %dma_start3A_550] : memref<4096x2x2048xf32, #tpu.memory_space<hbm>> -> memref<4x2x2048xf32, #tpu.memory_space<hbm>>
        tpu.enqueue_dma source(%dma_start3A_551 : memref<4x2x2048xf32, #tpu.memory_space<hbm>>) target(%arg18 : memref<4x2x2048xf32, #tpu.memory_space<vmem>>) target_semaphore(%arg28 : memref<!tpu.dma_semaphore, #tpu.memory_space<semaphore_mem>>)
      } else {
      }
      %dma_wait3A_311 = arith.constant 0 : i32
      %dma_wait3A_312 = arith.constant 0 : i32
      %dma_wait3A_313 = tpu.memref_slice %arg2[%multiple_of3A, %dma_wait3A_311, %dma_wait3A_312] : memref<4096x2x2048xf32, #tpu.memory_space<hbm>> -> memref<4x2x2048xf32, #tpu.memory_space<hbm>>
      %dma_wait3A_314 = arith.constant 0 : i32
      %dma_wait3A_315 = arith.constant 0 : i32
      %dma_wait3A_316 = tpu.memref_slice %arg2[%multiple_of3A, %dma_wait3A_314, %dma_wait3A_315] : memref<4096x2x2048xf32, #tpu.memory_space<hbm>> -> memref<4x2x2048xf32, #tpu.memory_space<hbm>>
      tpu.wait_dma2 semaphore(%arg28 : memref<!tpu.dma_semaphore, #tpu.memory_space<semaphore_mem>>) src(%dma_wait3A_316 : memref<4x2x2048xf32, #tpu.memory_space<hbm>>) dst(%arg17 : memref<4x2x2048xf32, #tpu.memory_space<vmem>>)
      %ge3A_317 = arith.constant 0 : i32
      %ge3A_318 = arith.cmpi sge, %scan3A_265, %ge3A_317 : i32
      %convert_element_type3A_319 = arith.extui %ge3A_318 : i1 to i32
      %cond3A_320 = arith.constant 0 : i32
      %cond3A_321 = arith.cmpi ne, %convert_element_type3A_319, %cond3A_320 : i32
      scf.if %cond3A_321 {
        %dma_wait3A_546 = arith.constant 0 : i32
        %dma_wait3A_547 = tpu.memref_slice %arg11[%dma_wait3A_546] : memref<2048xi32, #tpu.memory_space<vmem>> -> memref<1xi32, #tpu.memory_space<vmem>>
        %dma_wait3A_548 = arith.constant 0 : i32
        %dma_wait3A_549 = arith.constant 0 : i32
        %dma_wait3A_550 = tpu.memref_slice %arg4[%dma_wait3A_548, %dma_wait3A_549] : memref<8192x4096xf32, #tpu.memory_space<hbm>> -> memref<8192x4096xf32, #tpu.memory_space<hbm>>
        tpu.wait_indirect_dma semaphore(%arg30 : memref<!tpu.dma_semaphore, #tpu.memory_space<semaphore_mem>>) src(%dma_wait3A_550 : memref<8192x4096xf32, #tpu.memory_space<hbm>>) dst(%arg19 : memref<1x4096xf32, #tpu.memory_space<vmem>>)
      } else {
      }
      %ge3A_322 = arith.constant 0 : i32
      %ge3A_323 = arith.cmpi sge, %scan3A_266, %ge3A_322 : i32
      %convert_element_type3A_324 = arith.extui %ge3A_323 : i1 to i32
      %cond3A_325 = arith.constant 0 : i32
      %cond3A_326 = arith.cmpi ne, %convert_element_type3A_324, %cond3A_325 : i32
      scf.if %cond3A_326 {
        %dma_wait3A_546 = arith.constant 0 : i32
        %dma_wait3A_547 = tpu.memref_slice %arg11[%dma_wait3A_546] : memref<2048xi32, #tpu.memory_space<vmem>> -> memref<1xi32, #tpu.memory_space<vmem>>
        %dma_wait3A_548 = arith.constant 0 : i32
        %dma_wait3A_549 = arith.constant 0 : i32
        %dma_wait3A_550 = tpu.memref_slice %arg4[%dma_wait3A_548, %dma_wait3A_549] : memref<8192x4096xf32, #tpu.memory_space<hbm>> -> memref<8192x4096xf32, #tpu.memory_space<hbm>>
        tpu.wait_indirect_dma semaphore(%arg30 : memref<!tpu.dma_semaphore, #tpu.memory_space<semaphore_mem>>) src(%dma_wait3A_550 : memref<8192x4096xf32, #tpu.memory_space<hbm>>) dst(%arg20 : memref<1x4096xf32, #tpu.memory_space<vmem>>)
      } else {
      }
      %ge3A_327 = arith.constant 0 : i32
      %ge3A_328 = arith.cmpi sge, %scan3A_267, %ge3A_327 : i32
      %convert_element_type3A_329 = arith.extui %ge3A_328 : i1 to i32
      %cond3A_330 = arith.constant 0 : i32
      %cond3A_331 = arith.cmpi ne, %convert_element_type3A_329, %cond3A_330 : i32
      scf.if %cond3A_331 {
        %dma_wait3A_546 = arith.constant 0 : i32
        %dma_wait3A_547 = tpu.memref_slice %arg11[%dma_wait3A_546] : memref<2048xi32, #tpu.memory_space<vmem>> -> memref<1xi32, #tpu.memory_space<vmem>>
        %dma_wait3A_548 = arith.constant 0 : i32
        %dma_wait3A_549 = arith.constant 0 : i32
        %dma_wait3A_550 = tpu.memref_slice %arg4[%dma_wait3A_548, %dma_wait3A_549] : memref<8192x4096xf32, #tpu.memory_space<hbm>> -> memref<8192x4096xf32, #tpu.memory_space<hbm>>
        tpu.wait_indirect_dma semaphore(%arg30 : memref<!tpu.dma_semaphore, #tpu.memory_space<semaphore_mem>>) src(%dma_wait3A_550 : memref<8192x4096xf32, #tpu.memory_space<hbm>>) dst(%arg21 : memref<1x4096xf32, #tpu.memory_space<vmem>>)
      } else {
      }
      %ge3A_332 = arith.constant 0 : i32
      %ge3A_333 = arith.cmpi sge, %scan3A_268, %ge3A_332 : i32
      %convert_element_type3A_334 = arith.extui %ge3A_333 : i1 to i32
      %cond3A_335 = arith.constant 0 : i32
      %cond3A_336 = arith.cmpi ne, %convert_element_type3A_334, %cond3A_335 : i32
      scf.if %cond3A_336 {
        %dma_wait3A_546 = arith.constant 0 : i32
        %dma_wait3A_547 = tpu.memref_slice %arg11[%dma_wait3A_546] : memref<2048xi32, #tpu.memory_space<vmem>> -> memref<1xi32, #tpu.memory_space<vmem>>
        %dma_wait3A_548 = arith.constant 0 : i32
        %dma_wait3A_549 = arith.constant 0 : i32
        %dma_wait3A_550 = tpu.memref_slice %arg4[%dma_wait3A_548, %dma_wait3A_549] : memref<8192x4096xf32, #tpu.memory_space<hbm>> -> memref<8192x4096xf32, #tpu.memory_space<hbm>>
        tpu.wait_indirect_dma semaphore(%arg30 : memref<!tpu.dma_semaphore, #tpu.memory_space<semaphore_mem>>) src(%dma_wait3A_550 : memref<8192x4096xf32, #tpu.memory_space<hbm>>) dst(%arg22 : memref<1x4096xf32, #tpu.memory_space<vmem>>)
      } else {
      }
      %ge3A_337 = arith.constant 0 : i32
      %ge3A_338 = arith.cmpi sge, %scan3A_269, %ge3A_337 : i32
      %convert_element_type3A_339 = arith.extui %ge3A_338 : i1 to i32
      %cond3A_340 = arith.constant 0 : i32
      %cond3A_341 = arith.cmpi ne, %convert_element_type3A_339, %cond3A_340 : i32
      scf.if %cond3A_341 {
        %dma_wait3A_546 = arith.constant 0 : i32
        %dma_wait3A_547 = tpu.memref_slice %arg11[%dma_wait3A_546] : memref<2048xi32, #tpu.memory_space<vmem>> -> memref<1xi32, #tpu.memory_space<vmem>>
        %dma_wait3A_548 = arith.constant 0 : i32
        %dma_wait3A_549 = arith.constant 0 : i32
        %dma_wait3A_550 = tpu.memref_slice %arg5[%dma_wait3A_548, %dma_wait3A_549] : memref<8192x4096xf32, #tpu.memory_space<hbm>> -> memref<8192x4096xf32, #tpu.memory_space<hbm>>
        tpu.wait_indirect_dma semaphore(%arg30 : memref<!tpu.dma_semaphore, #tpu.memory_space<semaphore_mem>>) src(%dma_wait3A_550 : memref<8192x4096xf32, #tpu.memory_space<hbm>>) dst(%arg23 : memref<1x4096xf32, #tpu.memory_space<vmem>>)
      } else {
      }
      %ge3A_342 = arith.constant 0 : i32
      %ge3A_343 = arith.cmpi sge, %scan3A_270, %ge3A_342 : i32
      %convert_element_type3A_344 = arith.extui %ge3A_343 : i1 to i32
      %cond3A_345 = arith.constant 0 : i32
      %cond3A_346 = arith.cmpi ne, %convert_element_type3A_344, %cond3A_345 : i32
      scf.if %cond3A_346 {
        %dma_wait3A_546 = arith.constant 0 : i32
        %dma_wait3A_547 = tpu.memref_slice %arg11[%dma_wait3A_546] : memref<2048xi32, #tpu.memory_space<vmem>> -> memref<1xi32, #tpu.memory_space<vmem>>
        %dma_wait3A_548 = arith.constant 0 : i32
        %dma_wait3A_549 = arith.constant 0 : i32
        %dma_wait3A_550 = tpu.memref_slice %arg5[%dma_wait3A_548, %dma_wait3A_549] : memref<8192x4096xf32, #tpu.memory_space<hbm>> -> memref<8192x4096xf32, #tpu.memory_space<hbm>>
        tpu.wait_indirect_dma semaphore(%arg30 : memref<!tpu.dma_semaphore, #tpu.memory_space<semaphore_mem>>) src(%dma_wait3A_550 : memref<8192x4096xf32, #tpu.memory_space<hbm>>) dst(%arg24 : memref<1x4096xf32, #tpu.memory_space<vmem>>)
      } else {
      }
      %ge3A_347 = arith.constant 0 : i32
      %ge3A_348 = arith.cmpi sge, %scan3A_271, %ge3A_347 : i32
      %convert_element_type3A_349 = arith.extui %ge3A_348 : i1 to i32
      %cond3A_350 = arith.constant 0 : i32
      %cond3A_351 = arith.cmpi ne, %convert_element_type3A_349, %cond3A_350 : i32
      scf.if %cond3A_351 {
        %dma_wait3A_546 = arith.constant 0 : i32
        %dma_wait3A_547 = tpu.memref_slice %arg11[%dma_wait3A_546] : memref<2048xi32, #tpu.memory_space<vmem>> -> memref<1xi32, #tpu.memory_space<vmem>>
        %dma_wait3A_548 = arith.constant 0 : i32
        %dma_wait3A_549 = arith.constant 0 : i32
        %dma_wait3A_550 = tpu.memref_slice %arg5[%dma_wait3A_548, %dma_wait3A_549] : memref<8192x4096xf32, #tpu.memory_space<hbm>> -> memref<8192x4096xf32, #tpu.memory_space<hbm>>
        tpu.wait_indirect_dma semaphore(%arg30 : memref<!tpu.dma_semaphore, #tpu.memory_space<semaphore_mem>>) src(%dma_wait3A_550 : memref<8192x4096xf32, #tpu.memory_space<hbm>>) dst(%arg25 : memref<1x4096xf32, #tpu.memory_space<vmem>>)
      } else {
      }
      %ge3A_352 = arith.constant 0 : i32
      %ge3A_353 = arith.cmpi sge, %scan3A_272, %ge3A_352 : i32
      %convert_element_type3A_354 = arith.extui %ge3A_353 : i1 to i32
      %cond3A_355 = arith.constant 0 : i32
      %cond3A_356 = arith.cmpi ne, %convert_element_type3A_354, %cond3A_355 : i32
      scf.if %cond3A_356 {
        %dma_wait3A_546 = arith.constant 0 : i32
        %dma_wait3A_547 = tpu.memref_slice %arg11[%dma_wait3A_546] : memref<2048xi32, #tpu.memory_space<vmem>> -> memref<1xi32, #tpu.memory_space<vmem>>
        %dma_wait3A_548 = arith.constant 0 : i32
        %dma_wait3A_549 = arith.constant 0 : i32
        %dma_wait3A_550 = tpu.memref_slice %arg5[%dma_wait3A_548, %dma_wait3A_549] : memref<8192x4096xf32, #tpu.memory_space<hbm>> -> memref<8192x4096xf32, #tpu.memory_space<hbm>>
        tpu.wait_indirect_dma semaphore(%arg30 : memref<!tpu.dma_semaphore, #tpu.memory_space<semaphore_mem>>) src(%dma_wait3A_550 : memref<8192x4096xf32, #tpu.memory_space<hbm>>) dst(%arg26 : memref<1x4096xf32, #tpu.memory_space<vmem>>)
      } else {
      }
      %ge3A_357 = arith.constant 0 : i32
      %ge3A_358 = arith.cmpi sge, %scan3A_265, %ge3A_357 : i32
      %convert_element_type3A_359 = arith.extui %ge3A_358 : i1 to i32
      %cond3A_360 = arith.constant 0 : i32
      %cond3A_361 = arith.cmpi ne, %convert_element_type3A_359, %cond3A_360 : i32
      scf.if %cond3A_361 {
        %scan3A_546 = arith.constant 0 : i32
        %scan3A_547 = arith.constant 32 : i32
        %scan3A_548 = arith.addi %scan3A_546, %scan3A_547 : i32
        %scan3A_549 = arith.constant 1 : i32
        scf.for %scan3A_551 = %scan3A_546 to %scan3A_548 step %scan3A_549  : i32 {
          %mul3A_552 = arith.constant 64 : i32
          %mul3A_553 = arith.muli %scan3A_551, %mul3A_552 : i32
          %add3A_554 = arith.addi %scan3A_265, %mul3A_553 : i32
          %add3A_555 = arith.constant 0 : i32
          %add3A_556 = arith.addi %add3A_554, %add3A_555 : i32
          %get3A_557 = arith.constant 0 : i32
          %get3A_558 = arith.index_cast %get3A_557 : i32 to index
          %get3A_559 = arith.index_cast %add3A_556 : i32 to index
          %get3A_560 = tpu.vector_load %arg19[%get3A_558, %get3A_559] {strides = array<i32>} : memref<1x4096xf32, #tpu.memory_space<vmem>>, vector<16xf32>,
          %add3A_561 = arith.constant 0 : i32
          %add3A_562 = arith.addi %mul3A_553, %add3A_561 : i32
          %swap3A_563 = arith.constant 0 : i32
          %swap3A_564 = arith.constant 0 : i32
          %swap3A_565 = arith.index_cast %swap3A_563 : i32 to index
          %swap3A_566 = arith.index_cast %swap3A_564 : i32 to index
          %swap3A_567 = arith.index_cast %add3A_562 : i32 to index
          %swap3A_568 = tpu.vector_load %arg17[%swap3A_565, %swap3A_566, %swap3A_567] {strides = array<i32>} : memref<4x2x2048xf32, #tpu.memory_space<vmem>>, vector<16xf32>,
          tpu.vector_store %arg17[%swap3A_565, %swap3A_566, %swap3A_567], %get3A_560 {strides = array<i32>} : memref<4x2x2048xf32, #tpu.memory_space<vmem>>, vector<16xf32>,
          %add3A_569 = arith.addi %scan3A_265, %mul3A_553 : i32
          %add3A_570 = arith.constant 16 : i32
          %add3A_571 = arith.addi %add3A_569, %add3A_570 : i32
          %get3A_572 = arith.constant 0 : i32
          %get3A_573 = arith.index_cast %get3A_572 : i32 to index
          %get3A_574 = arith.index_cast %add3A_571 : i32 to index
          %get3A_575 = tpu.vector_load %arg19[%get3A_573, %get3A_574] {strides = array<i32>} : memref<1x4096xf32, #tpu.memory_space<vmem>>, vector<16xf32>,
          %add3A_576 = arith.constant 16 : i32
          %add3A_577 = arith.addi %mul3A_553, %add3A_576 : i32
          %swap3A_578 = arith.constant 0 : i32
          %swap3A_579 = arith.constant 0 : i32
          %swap3A_580 = arith.index_cast %swap3A_578 : i32 to index
          %swap3A_581 = arith.index_cast %swap3A_579 : i32 to index
          %swap3A_582 = arith.index_cast %add3A_577 : i32 to index
          %swap3A_583 = tpu.vector_load %arg17[%swap3A_580, %swap3A_581, %swap3A_582] {strides = array<i32>} : memref<4x2x2048xf32, #tpu.memory_space<vmem>>, vector<16xf32>,
          tpu.vector_store %arg17[%swap3A_580, %swap3A_581, %swap3A_582], %get3A_575 {strides = array<i32>} : memref<4x2x2048xf32, #tpu.memory_space<vmem>>, vector<16xf32>,
          %add3A_584 = arith.addi %scan3A_265, %mul3A_553 : i32
          %add3A_585 = arith.constant 32 : i32
          %add3A_586 = arith.addi %add3A_584, %add3A_585 : i32
          %get3A_587 = arith.constant 0 : i32
          %get3A_588 = arith.index_cast %get3A_587 : i32 to index
          %get3A_589 = arith.index_cast %add3A_586 : i32 to index
          %get3A_590 = tpu.vector_load %arg19[%get3A_588, %get3A_589] {strides = array<i32>} : memref<1x4096xf32, #tpu.memory_space<vmem>>, vector<16xf32>,
          %add3A_591 = arith.constant 32 : i32
          %add3A_592 = arith.addi %mul3A_553, %add3A_591 : i32
          %swap3A_593 = arith.constant 0 : i32
          %swap3A_594 = arith.constant 0 : i32
          %swap3A_595 = arith.index_cast %swap3A_593 : i32 to index
          %swap3A_596 = arith.index_cast %swap3A_594 : i32 to index
          %swap3A_597 = arith.index_cast %add3A_592 : i32 to index
          %swap3A_598 = tpu.vector_load %arg17[%swap3A_595, %swap3A_596, %swap3A_597] {strides = array<i32>} : memref<4x2x2048xf32, #tpu.memory_space<vmem>>, vector<16xf32>,
          tpu.vector_store %arg17[%swap3A_595, %swap3A_596, %swap3A_597], %get3A_590 {strides = array<i32>} : memref<4x2x2048xf32, #tpu.memory_space<vmem>>, vector<16xf32>,
          %add3A_599 = arith.addi %scan3A_265, %mul3A_553 : i32
          %add3A_600 = arith.constant 48 : i32
          %add3A_601 = arith.addi %add3A_599, %add3A_600 : i32
          %get3A_602 = arith.constant 0 : i32
          %get3A_603 = arith.index_cast %get3A_602 : i32 to index
          %get3A_604 = arith.index_cast %add3A_601 : i32 to index
          %get3A_605 = tpu.vector_load %arg19[%get3A_603, %get3A_604] {strides = array<i32>} : memref<1x4096xf32, #tpu.memory_space<vmem>>, vector<16xf32>,
          %add3A_606 = arith.constant 48 : i32
          %add3A_607 = arith.addi %mul3A_553, %add3A_606 : i32
          %swap3A_608 = arith.constant 0 : i32
          %swap3A_609 = arith.constant 0 : i32
          %swap3A_610 = arith.index_cast %swap3A_608 : i32 to index
          %swap3A_611 = arith.index_cast %swap3A_609 : i32 to index
          %swap3A_612 = arith.index_cast %add3A_607 : i32 to index
          %swap3A_613 = tpu.vector_load %arg17[%swap3A_610, %swap3A_611, %swap3A_612] {strides = array<i32>} : memref<4x2x2048xf32, #tpu.memory_space<vmem>>, vector<16xf32>,
          tpu.vector_store %arg17[%swap3A_610, %swap3A_611, %swap3A_612], %get3A_605 {strides = array<i32>} : memref<4x2x2048xf32, #tpu.memory_space<vmem>>, vector<16xf32>,
        }
        %scan3A_550 = arith.constant 32 : i32
      } else {
      }
      %ge3A_362 = arith.constant 0 : i32
      %ge3A_363 = arith.cmpi sge, %scan3A_266, %ge3A_362 : i32
      %convert_element_type3A_364 = arith.extui %ge3A_363 : i1 to i32
      %cond3A_365 = arith.constant 0 : i32
      %cond3A_366 = arith.cmpi ne, %convert_element_type3A_364, %cond3A_365 : i32
      scf.if %cond3A_366 {
        %scan3A_546 = arith.constant 0 : i32
        %scan3A_547 = arith.constant 32 : i32
        %scan3A_548 = arith.addi %scan3A_546, %scan3A_547 : i32
        %scan3A_549 = arith.constant 1 : i32
        scf.for %scan3A_551 = %scan3A_546 to %scan3A_548 step %scan3A_549  : i32 {
          %mul3A_552 = arith.constant 64 : i32
          %mul3A_553 = arith.muli %scan3A_551, %mul3A_552 : i32
          %add3A_554 = arith.addi %scan3A_266, %mul3A_553 : i32
          %add3A_555 = arith.constant 0 : i32
          %add3A_556 = arith.addi %add3A_554, %add3A_555 : i32
          %get3A_557 = arith.constant 0 : i32
          %get3A_558 = arith.index_cast %get3A_557 : i32 to index
          %get3A_559 = arith.index_cast %add3A_556 : i32 to index
          %get3A_560 = tpu.vector_load %arg20[%get3A_558, %get3A_559] {strides = array<i32>} : memref<1x4096xf32, #tpu.memory_space<vmem>>, vector<16xf32>,
          %add3A_561 = arith.constant 0 : i32
          %add3A_562 = arith.addi %mul3A_553, %add3A_561 : i32
          %swap3A_563 = arith.constant 1 : i32
          %swap3A_564 = arith.constant 0 : i32
          %swap3A_565 = arith.index_cast %swap3A_563 : i32 to index
          %swap3A_566 = arith.index_cast %swap3A_564 : i32 to index
          %swap3A_567 = arith.index_cast %add3A_562 : i32 to index
          %swap3A_568 = tpu.vector_load %arg17[%swap3A_565, %swap3A_566, %swap3A_567] {strides = array<i32>} : memref<4x2x2048xf32, #tpu.memory_space<vmem>>, vector<16xf32>,
          tpu.vector_store %arg17[%swap3A_565, %swap3A_566, %swap3A_567], %get3A_560 {strides = array<i32>} : memref<4x2x2048xf32, #tpu.memory_space<vmem>>, vector<16xf32>,
          %add3A_569 = arith.addi %scan3A_266, %mul3A_553 : i32
          %add3A_570 = arith.constant 16 : i32
          %add3A_571 = arith.addi %add3A_569, %add3A_570 : i32
          %get3A_572 = arith.constant 0 : i32
          %get3A_573 = arith.index_cast %get3A_572 : i32 to index
          %get3A_574 = arith.index_cast %add3A_571 : i32 to index
          %get3A_575 = tpu.vector_load %arg20[%get3A_573, %get3A_574] {strides = array<i32>} : memref<1x4096xf32, #tpu.memory_space<vmem>>, vector<16xf32>,
          %add3A_576 = arith.constant 16 : i32
          %add3A_577 = arith.addi %mul3A_553, %add3A_576 : i32
          %swap3A_578 = arith.constant 1 : i32
          %swap3A_579 = arith.constant 0 : i32
          %swap3A_580 = arith.index_cast %swap3A_578 : i32 to index
          %swap3A_581 = arith.index_cast %swap3A_579 : i32 to index
          %swap3A_582 = arith.index_cast %add3A_577 : i32 to index
          %swap3A_583 = tpu.vector_load %arg17[%swap3A_580, %swap3A_581, %swap3A_582] {strides = array<i32>} : memref<4x2x2048xf32, #tpu.memory_space<vmem>>, vector<16xf32>,
          tpu.vector_store %arg17[%swap3A_580, %swap3A_581, %swap3A_582], %get3A_575 {strides = array<i32>} : memref<4x2x2048xf32, #tpu.memory_space<vmem>>, vector<16xf32>,
          %add3A_584 = arith.addi %scan3A_266, %mul3A_553 : i32
          %add3A_585 = arith.constant 32 : i32
          %add3A_586 = arith.addi %add3A_584, %add3A_585 : i32
          %get3A_587 = arith.constant 0 : i32
          %get3A_588 = arith.index_cast %get3A_587 : i32 to index
          %get3A_589 = arith.index_cast %add3A_586 : i32 to index
          %get3A_590 = tpu.vector_load %arg20[%get3A_588, %get3A_589] {strides = array<i32>} : memref<1x4096xf32, #tpu.memory_space<vmem>>, vector<16xf32>,
          %add3A_591 = arith.constant 32 : i32
          %add3A_592 = arith.addi %mul3A_553, %add3A_591 : i32
          %swap3A_593 = arith.constant 1 : i32
          %swap3A_594 = arith.constant 0 : i32
          %swap3A_595 = arith.index_cast %swap3A_593 : i32 to index
          %swap3A_596 = arith.index_cast %swap3A_594 : i32 to index
          %swap3A_597 = arith.index_cast %add3A_592 : i32 to index
          %swap3A_598 = tpu.vector_load %arg17[%swap3A_595, %swap3A_596, %swap3A_597] {strides = array<i32>} : memref<4x2x2048xf32, #tpu.memory_space<vmem>>, vector<16xf32>,
          tpu.vector_store %arg17[%swap3A_595, %swap3A_596, %swap3A_597], %get3A_590 {strides = array<i32>} : memref<4x2x2048xf32, #tpu.memory_space<vmem>>, vector<16xf32>,
          %add3A_599 = arith.addi %scan3A_266, %mul3A_553 : i32
          %add3A_600 = arith.constant 48 : i32
          %add3A_601 = arith.addi %add3A_599, %add3A_600 : i32
          %get3A_602 = arith.constant 0 : i32
          %get3A_603 = arith.index_cast %get3A_602 : i32 to index
          %get3A_604 = arith.index_cast %add3A_601 : i32 to index
          %get3A_605 = tpu.vector_load %arg20[%get3A_603, %get3A_604] {strides = array<i32>} : memref<1x4096xf32, #tpu.memory_space<vmem>>, vector<16xf32>,
          %add3A_606 = arith.constant 48 : i32
          %add3A_607 = arith.addi %mul3A_553, %add3A_606 : i32
          %swap3A_608 = arith.constant 1 : i32
          %swap3A_609 = arith.constant 0 : i32
          %swap3A_610 = arith.index_cast %swap3A_608 : i32 to index
          %swap3A_611 = arith.index_cast %swap3A_609 : i32 to index
          %swap3A_612 = arith.index_cast %add3A_607 : i32 to index
          %swap3A_613 = tpu.vector_load %arg17[%swap3A_610, %swap3A_611, %swap3A_612] {strides = array<i32>} : memref<4x2x2048xf32, #tpu.memory_space<vmem>>, vector<16xf32>,
          tpu.vector_store %arg17[%swap3A_610, %swap3A_611, %swap3A_612], %get3A_605 {strides = array<i32>} : memref<4x2x2048xf32, #tpu.memory_space<vmem>>, vector<16xf32>,
        }
        %scan3A_550 = arith.constant 32 : i32
      } else {
      }
      %ge3A_367 = arith.constant 0 : i32
      %ge3A_368 = arith.cmpi sge, %scan3A_267, %ge3A_367 : i32
      %convert_element_type3A_369 = arith.extui %ge3A_368 : i1 to i32
      %cond3A_370 = arith.constant 0 : i32
      %cond3A_371 = arith.cmpi ne, %convert_element_type3A_369, %cond3A_370 : i32
      scf.if %cond3A_371 {
        %scan3A_546 = arith.constant 0 : i32
        %scan3A_547 = arith.constant 32 : i32
        %scan3A_548 = arith.addi %scan3A_546, %scan3A_547 : i32
        %scan3A_549 = arith.constant 1 : i32
        scf.for %scan3A_551 = %scan3A_546 to %scan3A_548 step %scan3A_549  : i32 {
          %mul3A_552 = arith.constant 64 : i32
          %mul3A_553 = arith.muli %scan3A_551, %mul3A_552 : i32
          %add3A_554 = arith.addi %scan3A_267, %mul3A_553 : i32
          %add3A_555 = arith.constant 0 : i32
          %add3A_556 = arith.addi %add3A_554, %add3A_555 : i32
          %get3A_557 = arith.constant 0 : i32
          %get3A_558 = arith.index_cast %get3A_557 : i32 to index
          %get3A_559 = arith.index_cast %add3A_556 : i32 to index
          %get3A_560 = tpu.vector_load %arg21[%get3A_558, %get3A_559] {strides = array<i32>} : memref<1x4096xf32, #tpu.memory_space<vmem>>, vector<16xf32>,
          %add3A_561 = arith.constant 0 : i32
          %add3A_562 = arith.addi %mul3A_553, %add3A_561 : i32
          %swap3A_563 = arith.constant 2 : i32
          %swap3A_564 = arith.constant 0 : i32
          %swap3A_565 = arith.index_cast %swap3A_563 : i32 to index
          %swap3A_566 = arith.index_cast %swap3A_564 : i32 to index
          %swap3A_567 = arith.index_cast %add3A_562 : i32 to index
          %swap3A_568 = tpu.vector_load %arg17[%swap3A_565, %swap3A_566, %swap3A_567] {strides = array<i32>} : memref<4x2x2048xf32, #tpu.memory_space<vmem>>, vector<16xf32>,
          tpu.vector_store %arg17[%swap3A_565, %swap3A_566, %swap3A_567], %get3A_560 {strides = array<i32>} : memref<4x2x2048xf32, #tpu.memory_space<vmem>>, vector<16xf32>,
          %add3A_569 = arith.addi %scan3A_267, %mul3A_553 : i32
          %add3A_570 = arith.constant 16 : i32
          %add3A_571 = arith.addi %add3A_569, %add3A_570 : i32
          %get3A_572 = arith.constant 0 : i32
          %get3A_573 = arith.index_cast %get3A_572 : i32 to index
          %get3A_574 = arith.index_cast %add3A_571 : i32 to index
          %get3A_575 = tpu.vector_load %arg21[%get3A_573, %get3A_574] {strides = array<i32>} : memref<1x4096xf32, #tpu.memory_space<vmem>>, vector<16xf32>,
          %add3A_576 = arith.constant 16 : i32
          %add3A_577 = arith.addi %mul3A_553, %add3A_576 : i32
          %swap3A_578 = arith.constant 2 : i32
          %swap3A_579 = arith.constant 0 : i32
          %swap3A_580 = arith.index_cast %swap3A_578 : i32 to index
          %swap3A_581 = arith.index_cast %swap3A_579 : i32 to index
          %swap3A_582 = arith.index_cast %add3A_577 : i32 to index
          %swap3A_583 = tpu.vector_load %arg17[%swap3A_580, %swap3A_581, %swap3A_582] {strides = array<i32>} : memref<4x2x2048xf32, #tpu.memory_space<vmem>>, vector<16xf32>,
          tpu.vector_store %arg17[%swap3A_580, %swap3A_581, %swap3A_582], %get3A_575 {strides = array<i32>} : memref<4x2x2048xf32, #tpu.memory_space<vmem>>, vector<16xf32>,
          %add3A_584 = arith.addi %scan3A_267, %mul3A_553 : i32
          %add3A_585 = arith.constant 32 : i32
          %add3A_586 = arith.addi %add3A_584, %add3A_585 : i32
          %get3A_587 = arith.constant 0 : i32
          %get3A_588 = arith.index_cast %get3A_587 : i32 to index
          %get3A_589 = arith.index_cast %add3A_586 : i32 to index
          %get3A_590 = tpu.vector_load %arg21[%get3A_588, %get3A_589] {strides = array<i32>} : memref<1x4096xf32, #tpu.memory_space<vmem>>, vector<16xf32>,
          %add3A_591 = arith.constant 32 : i32
          %add3A_592 = arith.addi %mul3A_553, %add3A_591 : i32
          %swap3A_593 = arith.constant 2 : i32
          %swap3A_594 = arith.constant 0 : i32
          %swap3A_595 = arith.index_cast %swap3A_593 : i32 to index
          %swap3A_596 = arith.index_cast %swap3A_594 : i32 to index
          %swap3A_597 = arith.index_cast %add3A_592 : i32 to index
          %swap3A_598 = tpu.vector_load %arg17[%swap3A_595, %swap3A_596, %swap3A_597] {strides = array<i32>} : memref<4x2x2048xf32, #tpu.memory_space<vmem>>, vector<16xf32>,
          tpu.vector_store %arg17[%swap3A_595, %swap3A_596, %swap3A_597], %get3A_590 {strides = array<i32>} : memref<4x2x2048xf32, #tpu.memory_space<vmem>>, vector<16xf32>,
          %add3A_599 = arith.addi %scan3A_267, %mul3A_553 : i32
          %add3A_600 = arith.constant 48 : i32
          %add3A_601 = arith.addi %add3A_599, %add3A_600 : i32
          %get3A_602 = arith.constant 0 : i32
          %get3A_603 = arith.index_cast %get3A_602 : i32 to index
          %get3A_604 = arith.index_cast %add3A_601 : i32 to index
          %get3A_605 = tpu.vector_load %arg21[%get3A_603, %get3A_604] {strides = array<i32>} : memref<1x4096xf32, #tpu.memory_space<vmem>>, vector<16xf32>,
          %add3A_606 = arith.constant 48 : i32
          %add3A_607 = arith.addi %mul3A_553, %add3A_606 : i32
          %swap3A_608 = arith.constant 2 : i32
          %swap3A_609 = arith.constant 0 : i32
          %swap3A_610 = arith.index_cast %swap3A_608 : i32 to index
          %swap3A_611 = arith.index_cast %swap3A_609 : i32 to index
          %swap3A_612 = arith.index_cast %add3A_607 : i32 to index
          %swap3A_613 = tpu.vector_load %arg17[%swap3A_610, %swap3A_611, %swap3A_612] {strides = array<i32>} : memref<4x2x2048xf32, #tpu.memory_space<vmem>>, vector<16xf32>,
          tpu.vector_store %arg17[%swap3A_610, %swap3A_611, %swap3A_612], %get3A_605 {strides = array<i32>} : memref<4x2x2048xf32, #tpu.memory_space<vmem>>, vector<16xf32>,
        }
        %scan3A_550 = arith.constant 32 : i32
      } else {
      }
      %ge3A_372 = arith.constant 0 : i32
      %ge3A_373 = arith.cmpi sge, %scan3A_268, %ge3A_372 : i32
      %convert_element_type3A_374 = arith.extui %ge3A_373 : i1 to i32
      %cond3A_375 = arith.constant 0 : i32
      %cond3A_376 = arith.cmpi ne, %convert_element_type3A_374, %cond3A_375 : i32
      scf.if %cond3A_376 {
        %scan3A_546 = arith.constant 0 : i32
        %scan3A_547 = arith.constant 32 : i32
        %scan3A_548 = arith.addi %scan3A_546, %scan3A_547 : i32
        %scan3A_549 = arith.constant 1 : i32
        scf.for %scan3A_551 = %scan3A_546 to %scan3A_548 step %scan3A_549  : i32 {
          %mul3A_552 = arith.constant 64 : i32
          %mul3A_553 = arith.muli %scan3A_551, %mul3A_552 : i32
          %add3A_554 = arith.addi %scan3A_268, %mul3A_553 : i32
          %add3A_555 = arith.constant 0 : i32
          %add3A_556 = arith.addi %add3A_554, %add3A_555 : i32
          %get3A_557 = arith.constant 0 : i32
          %get3A_558 = arith.index_cast %get3A_557 : i32 to index
          %get3A_559 = arith.index_cast %add3A_556 : i32 to index
          %get3A_560 = tpu.vector_load %arg22[%get3A_558, %get3A_559] {strides = array<i32>} : memref<1x4096xf32, #tpu.memory_space<vmem>>, vector<16xf32>,
          %add3A_561 = arith.constant 0 : i32
          %add3A_562 = arith.addi %mul3A_553, %add3A_561 : i32
          %swap3A_563 = arith.constant 3 : i32
          %swap3A_564 = arith.constant 0 : i32
          %swap3A_565 = arith.index_cast %swap3A_563 : i32 to index
          %swap3A_566 = arith.index_cast %swap3A_564 : i32 to index
          %swap3A_567 = arith.index_cast %add3A_562 : i32 to index
          %swap3A_568 = tpu.vector_load %arg17[%swap3A_565, %swap3A_566, %swap3A_567] {strides = array<i32>} : memref<4x2x2048xf32, #tpu.memory_space<vmem>>, vector<16xf32>,
          tpu.vector_store %arg17[%swap3A_565, %swap3A_566, %swap3A_567], %get3A_560 {strides = array<i32>} : memref<4x2x2048xf32, #tpu.memory_space<vmem>>, vector<16xf32>,
          %add3A_569 = arith.addi %scan3A_268, %mul3A_553 : i32
          %add3A_570 = arith.constant 16 : i32
          %add3A_571 = arith.addi %add3A_569, %add3A_570 : i32
          %get3A_572 = arith.constant 0 : i32
          %get3A_573 = arith.index_cast %get3A_572 : i32 to index
          %get3A_574 = arith.index_cast %add3A_571 : i32 to index
          %get3A_575 = tpu.vector_load %arg22[%get3A_573, %get3A_574] {strides = array<i32>} : memref<1x4096xf32, #tpu.memory_space<vmem>>, vector<16xf32>,
          %add3A_576 = arith.constant 16 : i32
          %add3A_577 = arith.addi %mul3A_553, %add3A_576 : i32
          %swap3A_578 = arith.constant 3 : i32
          %swap3A_579 = arith.constant 0 : i32
          %swap3A_580 = arith.index_cast %swap3A_578 : i32 to index
          %swap3A_581 = arith.index_cast %swap3A_579 : i32 to index
          %swap3A_582 = arith.index_cast %add3A_577 : i32 to index
          %swap3A_583 = tpu.vector_load %arg17[%swap3A_580, %swap3A_581, %swap3A_582] {strides = array<i32>} : memref<4x2x2048xf32, #tpu.memory_space<vmem>>, vector<16xf32>,
          tpu.vector_store %arg17[%swap3A_580, %swap3A_581, %swap3A_582], %get3A_575 {strides = array<i32>} : memref<4x2x2048xf32, #tpu.memory_space<vmem>>, vector<16xf32>,
          %add3A_584 = arith.addi %scan3A_268, %mul3A_553 : i32
          %add3A_585 = arith.constant 32 : i32
          %add3A_586 = arith.addi %add3A_584, %add3A_585 : i32
          %get3A_587 = arith.constant 0 : i32
          %get3A_588 = arith.index_cast %get3A_587 : i32 to index
          %get3A_589 = arith.index_cast %add3A_586 : i32 to index
          %get3A_590 = tpu.vector_load %arg22[%get3A_588, %get3A_589] {strides = array<i32>} : memref<1x4096xf32, #tpu.memory_space<vmem>>, vector<16xf32>,
          %add3A_591 = arith.constant 32 : i32
          %add3A_592 = arith.addi %mul3A_553, %add3A_591 : i32
          %swap3A_593 = arith.constant 3 : i32
          %swap3A_594 = arith.constant 0 : i32
          %swap3A_595 = arith.index_cast %swap3A_593 : i32 to index
          %swap3A_596 = arith.index_cast %swap3A_594 : i32 to index
          %swap3A_597 = arith.index_cast %add3A_592 : i32 to index
          %swap3A_598 = tpu.vector_load %arg17[%swap3A_595, %swap3A_596, %swap3A_597] {strides = array<i32>} : memref<4x2x2048xf32, #tpu.memory_space<vmem>>, vector<16xf32>,
          tpu.vector_store %arg17[%swap3A_595, %swap3A_596, %swap3A_597], %get3A_590 {strides = array<i32>} : memref<4x2x2048xf32, #tpu.memory_space<vmem>>, vector<16xf32>,
          %add3A_599 = arith.addi %scan3A_268, %mul3A_553 : i32
          %add3A_600 = arith.constant 48 : i32
          %add3A_601 = arith.addi %add3A_599, %add3A_600 : i32
          %get3A_602 = arith.constant 0 : i32
          %get3A_603 = arith.index_cast %get3A_602 : i32 to index
          %get3A_604 = arith.index_cast %add3A_601 : i32 to index
          %get3A_605 = tpu.vector_load %arg22[%get3A_603, %get3A_604] {strides = array<i32>} : memref<1x4096xf32, #tpu.memory_space<vmem>>, vector<16xf32>,
          %add3A_606 = arith.constant 48 : i32
          %add3A_607 = arith.addi %mul3A_553, %add3A_606 : i32
          %swap3A_608 = arith.constant 3 : i32
          %swap3A_609 = arith.constant 0 : i32
          %swap3A_610 = arith.index_cast %swap3A_608 : i32 to index
          %swap3A_611 = arith.index_cast %swap3A_609 : i32 to index
          %swap3A_612 = arith.index_cast %add3A_607 : i32 to index
          %swap3A_613 = tpu.vector_load %arg17[%swap3A_610, %swap3A_611, %swap3A_612] {strides = array<i32>} : memref<4x2x2048xf32, #tpu.memory_space<vmem>>, vector<16xf32>,
          tpu.vector_store %arg17[%swap3A_610, %swap3A_611, %swap3A_612], %get3A_605 {strides = array<i32>} : memref<4x2x2048xf32, #tpu.memory_space<vmem>>, vector<16xf32>,
        }
        %scan3A_550 = arith.constant 32 : i32
      } else {
      }
      %ge3A_377 = arith.constant 0 : i32
      %ge3A_378 = arith.cmpi sge, %scan3A_269, %ge3A_377 : i32
      %convert_element_type3A_379 = arith.extui %ge3A_378 : i1 to i32
      %cond3A_380 = arith.constant 0 : i32
      %cond3A_381 = arith.cmpi ne, %convert_element_type3A_379, %cond3A_380 : i32
      scf.if %cond3A_381 {
        %scan3A_546 = arith.constant 0 : i32
        %scan3A_547 = arith.constant 32 : i32
        %scan3A_548 = arith.addi %scan3A_546, %scan3A_547 : i32
        %scan3A_549 = arith.constant 1 : i32
        scf.for %scan3A_551 = %scan3A_546 to %scan3A_548 step %scan3A_549  : i32 {
          %mul3A_552 = arith.constant 64 : i32
          %mul3A_553 = arith.muli %scan3A_551, %mul3A_552 : i32
          %add3A_554 = arith.addi %scan3A_269, %mul3A_553 : i32
          %add3A_555 = arith.constant 0 : i32
          %add3A_556 = arith.addi %add3A_554, %add3A_555 : i32
          %get3A_557 = arith.constant 0 : i32
          %get3A_558 = arith.index_cast %get3A_557 : i32 to index
          %get3A_559 = arith.index_cast %add3A_556 : i32 to index
          %get3A_560 = tpu.vector_load %arg23[%get3A_558, %get3A_559] {strides = array<i32>} : memref<1x4096xf32, #tpu.memory_space<vmem>>, vector<16xf32>,
          %add3A_561 = arith.constant 0 : i32
          %add3A_562 = arith.addi %mul3A_553, %add3A_561 : i32
          %swap3A_563 = arith.constant 0 : i32
          %swap3A_564 = arith.constant 1 : i32
          %swap3A_565 = arith.index_cast %swap3A_563 : i32 to index
          %swap3A_566 = arith.index_cast %swap3A_564 : i32 to index
          %swap3A_567 = arith.index_cast %add3A_562 : i32 to index
          %swap3A_568 = tpu.vector_load %arg17[%swap3A_565, %swap3A_566, %swap3A_567] {strides = array<i32>} : memref<4x2x2048xf32, #tpu.memory_space<vmem>>, vector<16xf32>,
          tpu.vector_store %arg17[%swap3A_565, %swap3A_566, %swap3A_567], %get3A_560 {strides = array<i32>} : memref<4x2x2048xf32, #tpu.memory_space<vmem>>, vector<16xf32>,
          %add3A_569 = arith.addi %scan3A_269, %mul3A_553 : i32
          %add3A_570 = arith.constant 16 : i32
          %add3A_571 = arith.addi %add3A_569, %add3A_570 : i32
          %get3A_572 = arith.constant 0 : i32
          %get3A_573 = arith.index_cast %get3A_572 : i32 to index
          %get3A_574 = arith.index_cast %add3A_571 : i32 to index
          %get3A_575 = tpu.vector_load %arg23[%get3A_573, %get3A_574] {strides = array<i32>} : memref<1x4096xf32, #tpu.memory_space<vmem>>, vector<16xf32>,
          %add3A_576 = arith.constant 16 : i32
          %add3A_577 = arith.addi %mul3A_553, %add3A_576 : i32
          %swap3A_578 = arith.constant 0 : i32
          %swap3A_579 = arith.constant 1 : i32
          %swap3A_580 = arith.index_cast %swap3A_578 : i32 to index
          %swap3A_581 = arith.index_cast %swap3A_579 : i32 to index
          %swap3A_582 = arith.index_cast %add3A_577 : i32 to index
          %swap3A_583 = tpu.vector_load %arg17[%swap3A_580, %swap3A_581, %swap3A_582] {strides = array<i32>} : memref<4x2x2048xf32, #tpu.memory_space<vmem>>, vector<16xf32>,
          tpu.vector_store %arg17[%swap3A_580, %swap3A_581, %swap3A_582], %get3A_575 {strides = array<i32>} : memref<4x2x2048xf32, #tpu.memory_space<vmem>>, vector<16xf32>,
          %add3A_584 = arith.addi %scan3A_269, %mul3A_553 : i32
          %add3A_585 = arith.constant 32 : i32
          %add3A_586 = arith.addi %add3A_584, %add3A_585 : i32
          %get3A_587 = arith.constant 0 : i32
          %get3A_588 = arith.index_cast %get3A_587 : i32 to index
          %get3A_589 = arith.index_cast %add3A_586 : i32 to index
          %get3A_590 = tpu.vector_load %arg23[%get3A_588, %get3A_589] {strides = array<i32>} : memref<1x4096xf32, #tpu.memory_space<vmem>>, vector<16xf32>,
          %add3A_591 = arith.constant 32 : i32
          %add3A_592 = arith.addi %mul3A_553, %add3A_591 : i32
          %swap3A_593 = arith.constant 0 : i32
          %swap3A_594 = arith.constant 1 : i32
          %swap3A_595 = arith.index_cast %swap3A_593 : i32 to index
          %swap3A_596 = arith.index_cast %swap3A_594 : i32 to index
          %swap3A_597 = arith.index_cast %add3A_592 : i32 to index
          %swap3A_598 = tpu.vector_load %arg17[%swap3A_595, %swap3A_596, %swap3A_597] {strides = array<i32>} : memref<4x2x2048xf32, #tpu.memory_space<vmem>>, vector<16xf32>,
          tpu.vector_store %arg17[%swap3A_595, %swap3A_596, %swap3A_597], %get3A_590 {strides = array<i32>} : memref<4x2x2048xf32, #tpu.memory_space<vmem>>, vector<16xf32>,
          %add3A_599 = arith.addi %scan3A_269, %mul3A_553 : i32
          %add3A_600 = arith.constant 48 : i32
          %add3A_601 = arith.addi %add3A_599, %add3A_600 : i32
          %get3A_602 = arith.constant 0 : i32
          %get3A_603 = arith.index_cast %get3A_602 : i32 to index
          %get3A_604 = arith.index_cast %add3A_601 : i32 to index
          %get3A_605 = tpu.vector_load %arg23[%get3A_603, %get3A_604] {strides = array<i32>} : memref<1x4096xf32, #tpu.memory_space<vmem>>, vector<16xf32>,
          %add3A_606 = arith.constant 48 : i32
          %add3A_607 = arith.addi %mul3A_553, %add3A_606 : i32
          %swap3A_608 = arith.constant 0 : i32
          %swap3A_609 = arith.constant 1 : i32
          %swap3A_610 = arith.index_cast %swap3A_608 : i32 to index
          %swap3A_611 = arith.index_cast %swap3A_609 : i32 to index
          %swap3A_612 = arith.index_cast %add3A_607 : i32 to index
          %swap3A_613 = tpu.vector_load %arg17[%swap3A_610, %swap3A_611, %swap3A_612] {strides = array<i32>} : memref<4x2x2048xf32, #tpu.memory_space<vmem>>, vector<16xf32>,
          tpu.vector_store %arg17[%swap3A_610, %swap3A_611, %swap3A_612], %get3A_605 {strides = array<i32>} : memref<4x2x2048xf32, #tpu.memory_space<vmem>>, vector<16xf32>,
        }
        %scan3A_550 = arith.constant 32 : i32
      } else {
      }
      %ge3A_382 = arith.constant 0 : i32
      %ge3A_383 = arith.cmpi sge, %scan3A_270, %ge3A_382 : i32
      %convert_element_type3A_384 = arith.extui %ge3A_383 : i1 to i32
      %cond3A_385 = arith.constant 0 : i32
      %cond3A_386 = arith.cmpi ne, %convert_element_type3A_384, %cond3A_385 : i32
      scf.if %cond3A_386 {
        %scan3A_546 = arith.constant 0 : i32
        %scan3A_547 = arith.constant 32 : i32
        %scan3A_548 = arith.addi %scan3A_546, %scan3A_547 : i32
        %scan3A_549 = arith.constant 1 : i32
        scf.for %scan3A_551 = %scan3A_546 to %scan3A_548 step %scan3A_549  : i32 {
          %mul3A_552 = arith.constant 64 : i32
          %mul3A_553 = arith.muli %scan3A_551, %mul3A_552 : i32
          %add3A_554 = arith.addi %scan3A_270, %mul3A_553 : i32
          %add3A_555 = arith.constant 0 : i32
          %add3A_556 = arith.addi %add3A_554, %add3A_555 : i32
          %get3A_557 = arith.constant 0 : i32
          %get3A_558 = arith.index_cast %get3A_557 : i32 to index
          %get3A_559 = arith.index_cast %add3A_556 : i32 to index
          %get3A_560 = tpu.vector_load %arg24[%get3A_558, %get3A_559] {strides = array<i32>} : memref<1x4096xf32, #tpu.memory_space<vmem>>, vector<16xf32>,
          %add3A_561 = arith.constant 0 : i32
          %add3A_562 = arith.addi %mul3A_553, %add3A_561 : i32
          %swap3A_563 = arith.constant 1 : i32
          %swap3A_564 = arith.constant 1 : i32
          %swap3A_565 = arith.index_cast %swap3A_563 : i32 to index
          %swap3A_566 = arith.index_cast %swap3A_564 : i32 to index
          %swap3A_567 = arith.index_cast %add3A_562 : i32 to index
          %swap3A_568 = tpu.vector_load %arg17[%swap3A_565, %swap3A_566, %swap3A_567] {strides = array<i32>} : memref<4x2x2048xf32, #tpu.memory_space<vmem>>, vector<16xf32>,
          tpu.vector_store %arg17[%swap3A_565, %swap3A_566, %swap3A_567], %get3A_560 {strides = array<i32>} : memref<4x2x2048xf32, #tpu.memory_space<vmem>>, vector<16xf32>,
          %add3A_569 = arith.addi %scan3A_270, %mul3A_553 : i32
          %add3A_570 = arith.constant 16 : i32
          %add3A_571 = arith.addi %add3A_569, %add3A_570 : i32
          %get3A_572 = arith.constant 0 : i32
          %get3A_573 = arith.index_cast %get3A_572 : i32 to index
          %get3A_574 = arith.index_cast %add3A_571 : i32 to index
          %get3A_575 = tpu.vector_load %arg24[%get3A_573, %get3A_574] {strides = array<i32>} : memref<1x4096xf32, #tpu.memory_space<vmem>>, vector<16xf32>,
          %add3A_576 = arith.constant 16 : i32
          %add3A_577 = arith.addi %mul3A_553, %add3A_576 : i32
          %swap3A_578 = arith.constant 1 : i32
          %swap3A_579 = arith.constant 1 : i32
          %swap3A_580 = arith.index_cast %swap3A_578 : i32 to index
          %swap3A_581 = arith.index_cast %swap3A_579 : i32 to index
          %swap3A_582 = arith.index_cast %add3A_577 : i32 to index
          %swap3A_583 = tpu.vector_load %arg17[%swap3A_580, %swap3A_581, %swap3A_582] {strides = array<i32>} : memref<4x2x2048xf32, #tpu.memory_space<vmem>>, vector<16xf32>,
          tpu.vector_store %arg17[%swap3A_580, %swap3A_581, %swap3A_582], %get3A_575 {strides = array<i32>} : memref<4x2x2048xf32, #tpu.memory_space<vmem>>, vector<16xf32>,
          %add3A_584 = arith.addi %scan3A_270, %mul3A_553 : i32
          %add3A_585 = arith.constant 32 : i32
          %add3A_586 = arith.addi %add3A_584, %add3A_585 : i32
          %get3A_587 = arith.constant 0 : i32
          %get3A_588 = arith.index_cast %get3A_587 : i32 to index
          %get3A_589 = arith.index_cast %add3A_586 : i32 to index
          %get3A_590 = tpu.vector_load %arg24[%get3A_588, %get3A_589] {strides = array<i32>} : memref<1x4096xf32, #tpu.memory_space<vmem>>, vector<16xf32>,
          %add3A_591 = arith.constant 32 : i32
          %add3A_592 = arith.addi %mul3A_553, %add3A_591 : i32
          %swap3A_593 = arith.constant 1 : i32
          %swap3A_594 = arith.constant 1 : i32
          %swap3A_595 = arith.index_cast %swap3A_593 : i32 to index
          %swap3A_596 = arith.index_cast %swap3A_594 : i32 to index
          %swap3A_597 = arith.index_cast %add3A_592 : i32 to index
          %swap3A_598 = tpu.vector_load %arg17[%swap3A_595, %swap3A_596, %swap3A_597] {strides = array<i32>} : memref<4x2x2048xf32, #tpu.memory_space<vmem>>, vector<16xf32>,
          tpu.vector_store %arg17[%swap3A_595, %swap3A_596, %swap3A_597], %get3A_590 {strides = array<i32>} : memref<4x2x2048xf32, #tpu.memory_space<vmem>>, vector<16xf32>,
          %add3A_599 = arith.addi %scan3A_270, %mul3A_553 : i32
          %add3A_600 = arith.constant 48 : i32
          %add3A_601 = arith.addi %add3A_599, %add3A_600 : i32
          %get3A_602 = arith.constant 0 : i32
          %get3A_603 = arith.index_cast %get3A_602 : i32 to index
          %get3A_604 = arith.index_cast %add3A_601 : i32 to index
          %get3A_605 = tpu.vector_load %arg24[%get3A_603, %get3A_604] {strides = array<i32>} : memref<1x4096xf32, #tpu.memory_space<vmem>>, vector<16xf32>,
          %add3A_606 = arith.constant 48 : i32
          %add3A_607 = arith.addi %mul3A_553, %add3A_606 : i32
          %swap3A_608 = arith.constant 1 : i32
          %swap3A_609 = arith.constant 1 : i32
          %swap3A_610 = arith.index_cast %swap3A_608 : i32 to index
          %swap3A_611 = arith.index_cast %swap3A_609 : i32 to index
          %swap3A_612 = arith.index_cast %add3A_607 : i32 to index
          %swap3A_613 = tpu.vector_load %arg17[%swap3A_610, %swap3A_611, %swap3A_612] {strides = array<i32>} : memref<4x2x2048xf32, #tpu.memory_space<vmem>>, vector<16xf32>,
          tpu.vector_store %arg17[%swap3A_610, %swap3A_611, %swap3A_612], %get3A_605 {strides = array<i32>} : memref<4x2x2048xf32, #tpu.memory_space<vmem>>, vector<16xf32>,
        }
        %scan3A_550 = arith.constant 32 : i32
      } else {
      }
      %ge3A_387 = arith.constant 0 : i32
      %ge3A_388 = arith.cmpi sge, %scan3A_271, %ge3A_387 : i32
      %convert_element_type3A_389 = arith.extui %ge3A_388 : i1 to i32
      %cond3A_390 = arith.constant 0 : i32
      %cond3A_391 = arith.cmpi ne, %convert_element_type3A_389, %cond3A_390 : i32
      scf.if %cond3A_391 {
        %scan3A_546 = arith.constant 0 : i32
        %scan3A_547 = arith.constant 32 : i32
        %scan3A_548 = arith.addi %scan3A_546, %scan3A_547 : i32
        %scan3A_549 = arith.constant 1 : i32
        scf.for %scan3A_551 = %scan3A_546 to %scan3A_548 step %scan3A_549  : i32 {
          %mul3A_552 = arith.constant 64 : i32
          %mul3A_553 = arith.muli %scan3A_551, %mul3A_552 : i32
          %add3A_554 = arith.addi %scan3A_271, %mul3A_553 : i32
          %add3A_555 = arith.constant 0 : i32
          %add3A_556 = arith.addi %add3A_554, %add3A_555 : i32
          %get3A_557 = arith.constant 0 : i32
          %get3A_558 = arith.index_cast %get3A_557 : i32 to index
          %get3A_559 = arith.index_cast %add3A_556 : i32 to index
          %get3A_560 = tpu.vector_load %arg25[%get3A_558, %get3A_559] {strides = array<i32>} : memref<1x4096xf32, #tpu.memory_space<vmem>>, vector<16xf32>,
          %add3A_561 = arith.constant 0 : i32
          %add3A_562 = arith.addi %mul3A_553, %add3A_561 : i32
          %swap3A_563 = arith.constant 2 : i32
          %swap3A_564 = arith.constant 1 : i32
          %swap3A_565 = arith.index_cast %swap3A_563 : i32 to index
          %swap3A_566 = arith.index_cast %swap3A_564 : i32 to index
          %swap3A_567 = arith.index_cast %add3A_562 : i32 to index
          %swap3A_568 = tpu.vector_load %arg17[%swap3A_565, %swap3A_566, %swap3A_567] {strides = array<i32>} : memref<4x2x2048xf32, #tpu.memory_space<vmem>>, vector<16xf32>,
          tpu.vector_store %arg17[%swap3A_565, %swap3A_566, %swap3A_567], %get3A_560 {strides = array<i32>} : memref<4x2x2048xf32, #tpu.memory_space<vmem>>, vector<16xf32>,
          %add3A_569 = arith.addi %scan3A_271, %mul3A_553 : i32
          %add3A_570 = arith.constant 16 : i32
          %add3A_571 = arith.addi %add3A_569, %add3A_570 : i32
          %get3A_572 = arith.constant 0 : i32
          %get3A_573 = arith.index_cast %get3A_572 : i32 to index
          %get3A_574 = arith.index_cast %add3A_571 : i32 to index
          %get3A_575 = tpu.vector_load %arg25[%get3A_573, %get3A_574] {strides = array<i32>} : memref<1x4096xf32, #tpu.memory_space<vmem>>, vector<16xf32>,
          %add3A_576 = arith.constant 16 : i32
          %add3A_577 = arith.addi %mul3A_553, %add3A_576 : i32
          %swap3A_578 = arith.constant 2 : i32
          %swap3A_579 = arith.constant 1 : i32
          %swap3A_580 = arith.index_cast %swap3A_578 : i32 to index
          %swap3A_581 = arith.index_cast %swap3A_579 : i32 to index
          %swap3A_582 = arith.index_cast %add3A_577 : i32 to index
          %swap3A_583 = tpu.vector_load %arg17[%swap3A_580, %swap3A_581, %swap3A_582] {strides = array<i32>} : memref<4x2x2048xf32, #tpu.memory_space<vmem>>, vector<16xf32>,
          tpu.vector_store %arg17[%swap3A_580, %swap3A_581, %swap3A_582], %get3A_575 {strides = array<i32>} : memref<4x2x2048xf32, #tpu.memory_space<vmem>>, vector<16xf32>,
          %add3A_584 = arith.addi %scan3A_271, %mul3A_553 : i32
          %add3A_585 = arith.constant 32 : i32
          %add3A_586 = arith.addi %add3A_584, %add3A_585 : i32
          %get3A_587 = arith.constant 0 : i32
          %get3A_588 = arith.index_cast %get3A_587 : i32 to index
          %get3A_589 = arith.index_cast %add3A_586 : i32 to index
          %get3A_590 = tpu.vector_load %arg25[%get3A_588, %get3A_589] {strides = array<i32>} : memref<1x4096xf32, #tpu.memory_space<vmem>>, vector<16xf32>,
          %add3A_591 = arith.constant 32 : i32
          %add3A_592 = arith.addi %mul3A_553, %add3A_591 : i32
          %swap3A_593 = arith.constant 2 : i32
          %swap3A_594 = arith.constant 1 : i32
          %swap3A_595 = arith.index_cast %swap3A_593 : i32 to index
          %swap3A_596 = arith.index_cast %swap3A_594 : i32 to index
          %swap3A_597 = arith.index_cast %add3A_592 : i32 to index
          %swap3A_598 = tpu.vector_load %arg17[%swap3A_595, %swap3A_596, %swap3A_597] {strides = array<i32>} : memref<4x2x2048xf32, #tpu.memory_space<vmem>>, vector<16xf32>,
          tpu.vector_store %arg17[%swap3A_595, %swap3A_596, %swap3A_597], %get3A_590 {strides = array<i32>} : memref<4x2x2048xf32, #tpu.memory_space<vmem>>, vector<16xf32>,
          %add3A_599 = arith.addi %scan3A_271, %mul3A_553 : i32
          %add3A_600 = arith.constant 48 : i32
          %add3A_601 = arith.addi %add3A_599, %add3A_600 : i32
          %get3A_602 = arith.constant 0 : i32
          %get3A_603 = arith.index_cast %get3A_602 : i32 to index
          %get3A_604 = arith.index_cast %add3A_601 : i32 to index
          %get3A_605 = tpu.vector_load %arg25[%get3A_603, %get3A_604] {strides = array<i32>} : memref<1x4096xf32, #tpu.memory_space<vmem>>, vector<16xf32>,
          %add3A_606 = arith.constant 48 : i32
          %add3A_607 = arith.addi %mul3A_553, %add3A_606 : i32
          %swap3A_608 = arith.constant 2 : i32
          %swap3A_609 = arith.constant 1 : i32
          %swap3A_610 = arith.index_cast %swap3A_608 : i32 to index
          %swap3A_611 = arith.index_cast %swap3A_609 : i32 to index
          %swap3A_612 = arith.index_cast %add3A_607 : i32 to index
          %swap3A_613 = tpu.vector_load %arg17[%swap3A_610, %swap3A_611, %swap3A_612] {strides = array<i32>} : memref<4x2x2048xf32, #tpu.memory_space<vmem>>, vector<16xf32>,
          tpu.vector_store %arg17[%swap3A_610, %swap3A_611, %swap3A_612], %get3A_605 {strides = array<i32>} : memref<4x2x2048xf32, #tpu.memory_space<vmem>>, vector<16xf32>,
        }
        %scan3A_550 = arith.constant 32 : i32
      } else {
      }
      %ge3A_392 = arith.constant 0 : i32
      %ge3A_393 = arith.cmpi sge, %scan3A_272, %ge3A_392 : i32
      %convert_element_type3A_394 = arith.extui %ge3A_393 : i1 to i32
      %cond3A_395 = arith.constant 0 : i32
      %cond3A_396 = arith.cmpi ne, %convert_element_type3A_394, %cond3A_395 : i32
      scf.if %cond3A_396 {
        %scan3A_546 = arith.constant 0 : i32
        %scan3A_547 = arith.constant 32 : i32
        %scan3A_548 = arith.addi %scan3A_546, %scan3A_547 : i32
        %scan3A_549 = arith.constant 1 : i32
        scf.for %scan3A_551 = %scan3A_546 to %scan3A_548 step %scan3A_549  : i32 {
          %mul3A_552 = arith.constant 64 : i32
          %mul3A_553 = arith.muli %scan3A_551, %mul3A_552 : i32
          %add3A_554 = arith.addi %scan3A_272, %mul3A_553 : i32
          %add3A_555 = arith.constant 0 : i32
          %add3A_556 = arith.addi %add3A_554, %add3A_555 : i32
          %get3A_557 = arith.constant 0 : i32
          %get3A_558 = arith.index_cast %get3A_557 : i32 to index
          %get3A_559 = arith.index_cast %add3A_556 : i32 to index
          %get3A_560 = tpu.vector_load %arg26[%get3A_558, %get3A_559] {strides = array<i32>} : memref<1x4096xf32, #tpu.memory_space<vmem>>, vector<16xf32>,
          %add3A_561 = arith.constant 0 : i32
          %add3A_562 = arith.addi %mul3A_553, %add3A_561 : i32
          %swap3A_563 = arith.constant 3 : i32
          %swap3A_564 = arith.constant 1 : i32
          %swap3A_565 = arith.index_cast %swap3A_563 : i32 to index
          %swap3A_566 = arith.index_cast %swap3A_564 : i32 to index
          %swap3A_567 = arith.index_cast %add3A_562 : i32 to index
          %swap3A_568 = tpu.vector_load %arg17[%swap3A_565, %swap3A_566, %swap3A_567] {strides = array<i32>} : memref<4x2x2048xf32, #tpu.memory_space<vmem>>, vector<16xf32>,
          tpu.vector_store %arg17[%swap3A_565, %swap3A_566, %swap3A_567], %get3A_560 {strides = array<i32>} : memref<4x2x2048xf32, #tpu.memory_space<vmem>>, vector<16xf32>,
          %add3A_569 = arith.addi %scan3A_272, %mul3A_553 : i32
          %add3A_570 = arith.constant 16 : i32
          %add3A_571 = arith.addi %add3A_569, %add3A_570 : i32
          %get3A_572 = arith.constant 0 : i32
          %get3A_573 = arith.index_cast %get3A_572 : i32 to index
          %get3A_574 = arith.index_cast %add3A_571 : i32 to index
          %get3A_575 = tpu.vector_load %arg26[%get3A_573, %get3A_574] {strides = array<i32>} : memref<1x4096xf32, #tpu.memory_space<vmem>>, vector<16xf32>,
          %add3A_576 = arith.constant 16 : i32
          %add3A_577 = arith.addi %mul3A_553, %add3A_576 : i32
          %swap3A_578 = arith.constant 3 : i32
          %swap3A_579 = arith.constant 1 : i32
          %swap3A_580 = arith.index_cast %swap3A_578 : i32 to index
          %swap3A_581 = arith.index_cast %swap3A_579 : i32 to index
          %swap3A_582 = arith.index_cast %add3A_577 : i32 to index
          %swap3A_583 = tpu.vector_load %arg17[%swap3A_580, %swap3A_581, %swap3A_582] {strides = array<i32>} : memref<4x2x2048xf32, #tpu.memory_space<vmem>>, vector<16xf32>,
          tpu.vector_store %arg17[%swap3A_580, %swap3A_581, %swap3A_582], %get3A_575 {strides = array<i32>} : memref<4x2x2048xf32, #tpu.memory_space<vmem>>, vector<16xf32>,
          %add3A_584 = arith.addi %scan3A_272, %mul3A_553 : i32
          %add3A_585 = arith.constant 32 : i32
          %add3A_586 = arith.addi %add3A_584, %add3A_585 : i32
          %get3A_587 = arith.constant 0 : i32
          %get3A_588 = arith.index_cast %get3A_587 : i32 to index
          %get3A_589 = arith.index_cast %add3A_586 : i32 to index
          %get3A_590 = tpu.vector_load %arg26[%get3A_588, %get3A_589] {strides = array<i32>} : memref<1x4096xf32, #tpu.memory_space<vmem>>, vector<16xf32>,
          %add3A_591 = arith.constant 32 : i32
          %add3A_592 = arith.addi %mul3A_553, %add3A_591 : i32
          %swap3A_593 = arith.constant 3 : i32
          %swap3A_594 = arith.constant 1 : i32
          %swap3A_595 = arith.index_cast %swap3A_593 : i32 to index
          %swap3A_596 = arith.index_cast %swap3A_594 : i32 to index
          %swap3A_597 = arith.index_cast %add3A_592 : i32 to index
          %swap3A_598 = tpu.vector_load %arg17[%swap3A_595, %swap3A_596, %swap3A_597] {strides = array<i32>} : memref<4x2x2048xf32, #tpu.memory_space<vmem>>, vector<16xf32>,
          tpu.vector_store %arg17[%swap3A_595, %swap3A_596, %swap3A_597], %get3A_590 {strides = array<i32>} : memref<4x2x2048xf32, #tpu.memory_space<vmem>>, vector<16xf32>,
          %add3A_599 = arith.addi %scan3A_272, %mul3A_553 : i32
          %add3A_600 = arith.constant 48 : i32
          %add3A_601 = arith.addi %add3A_599, %add3A_600 : i32
          %get3A_602 = arith.constant 0 : i32
          %get3A_603 = arith.index_cast %get3A_602 : i32 to index
          %get3A_604 = arith.index_cast %add3A_601 : i32 to index
          %get3A_605 = tpu.vector_load %arg26[%get3A_603, %get3A_604] {strides = array<i32>} : memref<1x4096xf32, #tpu.memory_space<vmem>>, vector<16xf32>,
          %add3A_606 = arith.constant 48 : i32
          %add3A_607 = arith.addi %mul3A_553, %add3A_606 : i32
          %swap3A_608 = arith.constant 3 : i32
          %swap3A_609 = arith.constant 1 : i32
          %swap3A_610 = arith.index_cast %swap3A_608 : i32 to index
          %swap3A_611 = arith.index_cast %swap3A_609 : i32 to index
          %swap3A_612 = arith.index_cast %add3A_607 : i32 to index
          %swap3A_613 = tpu.vector_load %arg17[%swap3A_610, %swap3A_611, %swap3A_612] {strides = array<i32>} : memref<4x2x2048xf32, #tpu.memory_space<vmem>>, vector<16xf32>,
          tpu.vector_store %arg17[%swap3A_610, %swap3A_611, %swap3A_612], %get3A_605 {strides = array<i32>} : memref<4x2x2048xf32, #tpu.memory_space<vmem>>, vector<16xf32>,
        }
        %scan3A_550 = arith.constant 32 : i32
      } else {
      }
      %lt3A_397 = arith.constant 31 : i32
      %lt3A_398 = arith.cmpi slt, %mul3A_275, %lt3A_397 : i32
      %convert_element_type3A_399 = arith.extui %lt3A_398 : i1 to i32
      %cond3A_400 = arith.constant 0 : i32
      %cond3A_401 = arith.cmpi ne, %convert_element_type3A_399, %cond3A_400 : i32
      scf.if %cond3A_401 {
        %add3A_546 = arith.constant 1 : i32
        %add3A_547 = arith.addi %mul3A_275, %add3A_546 : i32
        %mul3A_548 = arith.constant 8 : i32
        %mul3A_549 = arith.muli %add3A_547, %mul3A_548 : i32
        %add3A_550 = arith.constant 0 : i32
        %add3A_551 = arith.addi %mul3A_549, %add3A_550 : i32
        %mul3A_552 = arith.constant 8 : i32
        %mul3A_553 = arith.muli %add3A_551, %mul3A_552 : i32
        %multiple_of3A_554 = tpu.assume_multiple %mul3A_553, 8 : i32
        %ge3A_555 = arith.constant 0 : i32
        %ge3A_556 = arith.cmpi sge, %squeeze3A_285, %ge3A_555 : i32
        %convert_element_type3A_557 = arith.extui %ge3A_556 : i1 to i32
        %cond3A_558 = arith.constant 0 : i32
        %cond3A_559 = arith.cmpi ne, %convert_element_type3A_557, %cond3A_558 : i32
        scf.if %cond3A_559 {
          %dma_start3A_644 = tpu.memref_slice %arg11[%multiple_of3A_554] : memref<2048xi32, #tpu.memory_space<vmem>> -> memref<1xi32, #tpu.memory_space<vmem>>
          %dma_start3A_645 = arith.constant 0 : i32
          %dma_start3A_646 = arith.constant 0 : i32
          %dma_start3A_647 = tpu.memref_slice %arg4[%dma_start3A_645, %dma_start3A_646] : memref<8192x4096xf32, #tpu.memory_space<hbm>> -> memref<8192x4096xf32, #tpu.memory_space<hbm>>
          tpu.enqueue_indirect_dma source(%dma_start3A_647 : memref<8192x4096xf32, #tpu.memory_space<hbm>>) target(%arg19 : memref<1x4096xf32, #tpu.memory_space<vmem>>) offsets(%dma_start3A_644 : memref<1xi32, #tpu.memory_space<vmem>>) semaphore(%arg30 : memref<!tpu.dma_semaphore, #tpu.memory_space<semaphore_mem>>)
        } else {
        }
        %mul3A_560 = arith.constant 8 : i32
        %mul3A_561 = arith.muli %add3A_547, %mul3A_560 : i32
        %add3A_562 = arith.constant 1 : i32
        %add3A_563 = arith.addi %mul3A_561, %add3A_562 : i32
        %mul3A_564 = arith.constant 8 : i32
        %mul3A_565 = arith.muli %add3A_563, %mul3A_564 : i32
        %multiple_of3A_566 = tpu.assume_multiple %mul3A_565, 8 : i32
        %ge3A_567 = arith.constant 0 : i32
        %ge3A_568 = arith.cmpi sge, %squeeze3A_287, %ge3A_567 : i32
        %convert_element_type3A_569 = arith.extui %ge3A_568 : i1 to i32
        %cond3A_570 = arith.constant 0 : i32
        %cond3A_571 = arith.cmpi ne, %convert_element_type3A_569, %cond3A_570 : i32
        scf.if %cond3A_571 {
          %dma_start3A_644 = tpu.memref_slice %arg11[%multiple_of3A_566] : memref<2048xi32, #tpu.memory_space<vmem>> -> memref<1xi32, #tpu.memory_space<vmem>>
          %dma_start3A_645 = arith.constant 0 : i32
          %dma_start3A_646 = arith.constant 0 : i32
          %dma_start3A_647 = tpu.memref_slice %arg4[%dma_start3A_645, %dma_start3A_646] : memref<8192x4096xf32, #tpu.memory_space<hbm>> -> memref<8192x4096xf32, #tpu.memory_space<hbm>>
          tpu.enqueue_indirect_dma source(%dma_start3A_647 : memref<8192x4096xf32, #tpu.memory_space<hbm>>) target(%arg20 : memref<1x4096xf32, #tpu.memory_space<vmem>>) offsets(%dma_start3A_644 : memref<1xi32, #tpu.memory_space<vmem>>) semaphore(%arg30 : memref<!tpu.dma_semaphore, #tpu.memory_space<semaphore_mem>>)
        } else {
        }
        %mul3A_572 = arith.constant 8 : i32
        %mul3A_573 = arith.muli %add3A_547, %mul3A_572 : i32
        %add3A_574 = arith.constant 2 : i32
        %add3A_575 = arith.addi %mul3A_573, %add3A_574 : i32
        %mul3A_576 = arith.constant 8 : i32
        %mul3A_577 = arith.muli %add3A_575, %mul3A_576 : i32
        %multiple_of3A_578 = tpu.assume_multiple %mul3A_577, 8 : i32
        %ge3A_579 = arith.constant 0 : i32
        %ge3A_580 = arith.cmpi sge, %squeeze3A_289, %ge3A_579 : i32
        %convert_element_type3A_581 = arith.extui %ge3A_580 : i1 to i32
        %cond3A_582 = arith.constant 0 : i32
        %cond3A_583 = arith.cmpi ne, %convert_element_type3A_581, %cond3A_582 : i32
        scf.if %cond3A_583 {
          %dma_start3A_644 = tpu.memref_slice %arg11[%multiple_of3A_578] : memref<2048xi32, #tpu.memory_space<vmem>> -> memref<1xi32, #tpu.memory_space<vmem>>
          %dma_start3A_645 = arith.constant 0 : i32
          %dma_start3A_646 = arith.constant 0 : i32
          %dma_start3A_647 = tpu.memref_slice %arg4[%dma_start3A_645, %dma_start3A_646] : memref<8192x4096xf32, #tpu.memory_space<hbm>> -> memref<8192x4096xf32, #tpu.memory_space<hbm>>
          tpu.enqueue_indirect_dma source(%dma_start3A_647 : memref<8192x4096xf32, #tpu.memory_space<hbm>>) target(%arg21 : memref<1x4096xf32, #tpu.memory_space<vmem>>) offsets(%dma_start3A_644 : memref<1xi32, #tpu.memory_space<vmem>>) semaphore(%arg30 : memref<!tpu.dma_semaphore, #tpu.memory_space<semaphore_mem>>)
        } else {
        }
        %mul3A_584 = arith.constant 8 : i32
        %mul3A_585 = arith.muli %add3A_547, %mul3A_584 : i32
        %add3A_586 = arith.constant 3 : i32
        %add3A_587 = arith.addi %mul3A_585, %add3A_586 : i32
        %mul3A_588 = arith.constant 8 : i32
        %mul3A_589 = arith.muli %add3A_587, %mul3A_588 : i32
        %multiple_of3A_590 = tpu.assume_multiple %mul3A_589, 8 : i32
        %ge3A_591 = arith.constant 0 : i32
        %ge3A_592 = arith.cmpi sge, %squeeze3A_291, %ge3A_591 : i32
        %convert_element_type3A_593 = arith.extui %ge3A_592 : i1 to i32
        %cond3A_594 = arith.constant 0 : i32
        %cond3A_595 = arith.cmpi ne, %convert_element_type3A_593, %cond3A_594 : i32
        scf.if %cond3A_595 {
          %dma_start3A_644 = tpu.memref_slice %arg11[%multiple_of3A_590] : memref<2048xi32, #tpu.memory_space<vmem>> -> memref<1xi32, #tpu.memory_space<vmem>>
          %dma_start3A_645 = arith.constant 0 : i32
          %dma_start3A_646 = arith.constant 0 : i32
          %dma_start3A_647 = tpu.memref_slice %arg4[%dma_start3A_645, %dma_start3A_646] : memref<8192x4096xf32, #tpu.memory_space<hbm>> -> memref<8192x4096xf32, #tpu.memory_space<hbm>>
          tpu.enqueue_indirect_dma source(%dma_start3A_647 : memref<8192x4096xf32, #tpu.memory_space<hbm>>) target(%arg22 : memref<1x4096xf32, #tpu.memory_space<vmem>>) offsets(%dma_start3A_644 : memref<1xi32, #tpu.memory_space<vmem>>) semaphore(%arg30 : memref<!tpu.dma_semaphore, #tpu.memory_space<semaphore_mem>>)
        } else {
        }
        %mul3A_596 = arith.constant 8 : i32
        %mul3A_597 = arith.muli %add3A_547, %mul3A_596 : i32
        %add3A_598 = arith.constant 4 : i32
        %add3A_599 = arith.addi %mul3A_597, %add3A_598 : i32
        %mul3A_600 = arith.constant 8 : i32
        %mul3A_601 = arith.muli %add3A_599, %mul3A_600 : i32
        %multiple_of3A_602 = tpu.assume_multiple %mul3A_601, 8 : i32
        %ge3A_603 = arith.constant 0 : i32
        %ge3A_604 = arith.cmpi sge, %squeeze3A_293, %ge3A_603 : i32
        %convert_element_type3A_605 = arith.extui %ge3A_604 : i1 to i32
        %cond3A_606 = arith.constant 0 : i32
        %cond3A_607 = arith.cmpi ne, %convert_element_type3A_605, %cond3A_606 : i32
        scf.if %cond3A_607 {
          %dma_start3A_644 = tpu.memref_slice %arg11[%multiple_of3A_602] : memref<2048xi32, #tpu.memory_space<vmem>> -> memref<1xi32, #tpu.memory_space<vmem>>
          %dma_start3A_645 = arith.constant 0 : i32
          %dma_start3A_646 = arith.constant 0 : i32
          %dma_start3A_647 = tpu.memref_slice %arg5[%dma_start3A_645, %dma_start3A_646] : memref<8192x4096xf32, #tpu.memory_space<hbm>> -> memref<8192x4096xf32, #tpu.memory_space<hbm>>
          tpu.enqueue_indirect_dma source(%dma_start3A_647 : memref<8192x4096xf32, #tpu.memory_space<hbm>>) target(%arg23 : memref<1x4096xf32, #tpu.memory_space<vmem>>) offsets(%dma_start3A_644 : memref<1xi32, #tpu.memory_space<vmem>>) semaphore(%arg30 : memref<!tpu.dma_semaphore, #tpu.memory_space<semaphore_mem>>)
        } else {
        }
        %mul3A_608 = arith.constant 8 : i32
        %mul3A_609 = arith.muli %add3A_547, %mul3A_608 : i32
        %add3A_610 = arith.constant 5 : i32
        %add3A_611 = arith.addi %mul3A_609, %add3A_610 : i32
        %mul3A_612 = arith.constant 8 : i32
        %mul3A_613 = arith.muli %add3A_611, %mul3A_612 : i32
        %multiple_of3A_614 = tpu.assume_multiple %mul3A_613, 8 : i32
        %ge3A_615 = arith.constant 0 : i32
        %ge3A_616 = arith.cmpi sge, %squeeze3A_295, %ge3A_615 : i32
        %convert_element_type3A_617 = arith.extui %ge3A_616 : i1 to i32
        %cond3A_618 = arith.constant 0 : i32
        %cond3A_619 = arith.cmpi ne, %convert_element_type3A_617, %cond3A_618 : i32
        scf.if %cond3A_619 {
          %dma_start3A_644 = tpu.memref_slice %arg11[%multiple_of3A_614] : memref<2048xi32, #tpu.memory_space<vmem>> -> memref<1xi32, #tpu.memory_space<vmem>>
          %dma_start3A_645 = arith.constant 0 : i32
          %dma_start3A_646 = arith.constant 0 : i32
          %dma_start3A_647 = tpu.memref_slice %arg5[%dma_start3A_645, %dma_start3A_646] : memref<8192x4096xf32, #tpu.memory_space<hbm>> -> memref<8192x4096xf32, #tpu.memory_space<hbm>>
          tpu.enqueue_indirect_dma source(%dma_start3A_647 : memref<8192x4096xf32, #tpu.memory_space<hbm>>) target(%arg24 : memref<1x4096xf32, #tpu.memory_space<vmem>>) offsets(%dma_start3A_644 : memref<1xi32, #tpu.memory_space<vmem>>) semaphore(%arg30 : memref<!tpu.dma_semaphore, #tpu.memory_space<semaphore_mem>>)
        } else {
        }
        %mul3A_620 = arith.constant 8 : i32
        %mul3A_621 = arith.muli %add3A_547, %mul3A_620 : i32
        %add3A_622 = arith.constant 6 : i32
        %add3A_623 = arith.addi %mul3A_621, %add3A_622 : i32
        %mul3A_624 = arith.constant 8 : i32
        %mul3A_625 = arith.muli %add3A_623, %mul3A_624 : i32
        %multiple_of3A_626 = tpu.assume_multiple %mul3A_625, 8 : i32
        %ge3A_627 = arith.constant 0 : i32
        %ge3A_628 = arith.cmpi sge, %squeeze3A_297, %ge3A_627 : i32
        %convert_element_type3A_629 = arith.extui %ge3A_628 : i1 to i32
        %cond3A_630 = arith.constant 0 : i32
        %cond3A_631 = arith.cmpi ne, %convert_element_type3A_629, %cond3A_630 : i32
        scf.if %cond3A_631 {
          %dma_start3A_644 = tpu.memref_slice %arg11[%multiple_of3A_626] : memref<2048xi32, #tpu.memory_space<vmem>> -> memref<1xi32, #tpu.memory_space<vmem>>
          %dma_start3A_645 = arith.constant 0 : i32
          %dma_start3A_646 = arith.constant 0 : i32
          %dma_start3A_647 = tpu.memref_slice %arg5[%dma_start3A_645, %dma_start3A_646] : memref<8192x4096xf32, #tpu.memory_space<hbm>> -> memref<8192x4096xf32, #tpu.memory_space<hbm>>
          tpu.enqueue_indirect_dma source(%dma_start3A_647 : memref<8192x4096xf32, #tpu.memory_space<hbm>>) target(%arg25 : memref<1x4096xf32, #tpu.memory_space<vmem>>) offsets(%dma_start3A_644 : memref<1xi32, #tpu.memory_space<vmem>>) semaphore(%arg30 : memref<!tpu.dma_semaphore, #tpu.memory_space<semaphore_mem>>)
        } else {
        }
        %mul3A_632 = arith.constant 8 : i32
        %mul3A_633 = arith.muli %add3A_547, %mul3A_632 : i32
        %add3A_634 = arith.constant 7 : i32
        %add3A_635 = arith.addi %mul3A_633, %add3A_634 : i32
        %mul3A_636 = arith.constant 8 : i32
        %mul3A_637 = arith.muli %add3A_635, %mul3A_636 : i32
        %multiple_of3A_638 = tpu.assume_multiple %mul3A_637, 8 : i32
        %ge3A_639 = arith.constant 0 : i32
        %ge3A_640 = arith.cmpi sge, %squeeze3A_299, %ge3A_639 : i32
        %convert_element_type3A_641 = arith.extui %ge3A_640 : i1 to i32
        %cond3A_642 = arith.constant 0 : i32
        %cond3A_643 = arith.cmpi ne, %convert_element_type3A_641, %cond3A_642 : i32
        scf.if %cond3A_643 {
          %dma_start3A_644 = tpu.memref_slice %arg11[%multiple_of3A_638] : memref<2048xi32, #tpu.memory_space<vmem>> -> memref<1xi32, #tpu.memory_space<vmem>>
          %dma_start3A_645 = arith.constant 0 : i32
          %dma_start3A_646 = arith.constant 0 : i32
          %dma_start3A_647 = tpu.memref_slice %arg5[%dma_start3A_645, %dma_start3A_646] : memref<8192x4096xf32, #tpu.memory_space<hbm>> -> memref<8192x4096xf32, #tpu.memory_space<hbm>>
          tpu.enqueue_indirect_dma source(%dma_start3A_647 : memref<8192x4096xf32, #tpu.memory_space<hbm>>) target(%arg26 : memref<1x4096xf32, #tpu.memory_space<vmem>>) offsets(%dma_start3A_644 : memref<1xi32, #tpu.memory_space<vmem>>) semaphore(%arg30 : memref<!tpu.dma_semaphore, #tpu.memory_space<semaphore_mem>>)
        } else {
        }
      } else {
      }
      %dma_start3A_402 = arith.constant 0 : i32
      %dma_start3A_403 = arith.constant 0 : i32
      %dma_start3A_404 = tpu.memref_slice %arg9[%scan3A_273, %dma_start3A_402, %dma_start3A_403] : memref<4096x2x2048xf32, #tpu.memory_space<hbm>> -> memref<4x2x2048xf32, #tpu.memory_space<hbm>>
      %dma_start3A_405 = arith.constant 0 : i32
      %dma_start3A_406 = arith.constant 0 : i32
      %dma_start3A_407 = tpu.memref_slice %arg9[%scan3A_273, %dma_start3A_405, %dma_start3A_406] : memref<4096x2x2048xf32, #tpu.memory_space<hbm>> -> memref<4x2x2048xf32, #tpu.memory_space<hbm>>
      tpu.enqueue_dma source(%arg17 : memref<4x2x2048xf32, #tpu.memory_space<vmem>>) target(%dma_start3A_407 : memref<4x2x2048xf32, #tpu.memory_space<hbm>>) target_semaphore(%arg29 : memref<!tpu.dma_semaphore, #tpu.memory_space<semaphore_mem>>)
      %mul3A_408 = arith.constant 2 : i32
      %mul3A_409 = arith.muli %mul3A_408, %scan3A_264 : i32
      %add3A_410 = arith.constant 1 : i32
      %add3A_411 = arith.addi %mul3A_409, %add3A_410 : i32
      %add3A_412 = arith.constant 1 : i32
      %add3A_413 = arith.addi %add3A_411, %add3A_412 : i32
      %min3A_414 = arith.constant 31 : i32
      %min3A_415 = arith.minsi %add3A_413, %min3A_414 : i32
      %mul3A_416 = arith.constant 16 : i32
      %mul3A_417 = arith.muli %min3A_415, %mul3A_416 : i32
      %multiple_of3A_418 = tpu.assume_multiple %mul3A_417, 16 : i32
      %get3A_419 = arith.index_cast %multiple_of3A_418 : i32 to index
      %get3A_420 = tpu.vector_load %arg12[%get3A_419] {strides = array<i32>} : memref<512xi32, #tpu.memory_space<vmem>>, vector<16xi32>,
      %slice3A_421 = vector.extract_strided_slice %get3A_420 {offsets = [0], sizes = [1], strides = [1]} : vector<16xi32> to vector<1xi32>
      %squeeze3A_422 = vector.extract %slice3A_421[0] : i32 from vector<1xi32>
      %slice3A_423 = vector.extract_strided_slice %get3A_420 {offsets = [1], sizes = [1], strides = [1]} : vector<16xi32> to vector<1xi32>
      %squeeze3A_424 = vector.extract %slice3A_423[0] : i32 from vector<1xi32>
      %slice3A_425 = vector.extract_strided_slice %get3A_420 {offsets = [2], sizes = [1], strides = [1]} : vector<16xi32> to vector<1xi32>
      %squeeze3A_426 = vector.extract %slice3A_425[0] : i32 from vector<1xi32>
      %slice3A_427 = vector.extract_strided_slice %get3A_420 {offsets = [3], sizes = [1], strides = [1]} : vector<16xi32> to vector<1xi32>
      %squeeze3A_428 = vector.extract %slice3A_427[0] : i32 from vector<1xi32>
      %slice3A_429 = vector.extract_strided_slice %get3A_420 {offsets = [4], sizes = [1], strides = [1]} : vector<16xi32> to vector<1xi32>
      %squeeze3A_430 = vector.extract %slice3A_429[0] : i32 from vector<1xi32>
      %slice3A_431 = vector.extract_strided_slice %get3A_420 {offsets = [5], sizes = [1], strides = [1]} : vector<16xi32> to vector<1xi32>
      %squeeze3A_432 = vector.extract %slice3A_431[0] : i32 from vector<1xi32>
      %slice3A_433 = vector.extract_strided_slice %get3A_420 {offsets = [6], sizes = [1], strides = [1]} : vector<16xi32> to vector<1xi32>
      %squeeze3A_434 = vector.extract %slice3A_433[0] : i32 from vector<1xi32>
      %slice3A_435 = vector.extract_strided_slice %get3A_420 {offsets = [7], sizes = [1], strides = [1]} : vector<16xi32> to vector<1xi32>
      %squeeze3A_436 = vector.extract %slice3A_435[0] : i32 from vector<1xi32>
      %slice3A_437 = vector.extract_strided_slice %get3A_420 {offsets = [8], sizes = [1], strides = [1]} : vector<16xi32> to vector<1xi32>
      %squeeze3A_438 = vector.extract %slice3A_437[0] : i32 from vector<1xi32>
      %ge3A_439 = arith.constant 1 : i32
      %ge3A_440 = arith.cmpi sge, %add3A_411, %ge3A_439 : i32
      %convert_element_type3A_441 = arith.extui %ge3A_440 : i1 to i32
      %cond3A_442 = arith.constant 0 : i32
      %cond3A_443 = arith.cmpi ne, %convert_element_type3A_441, %cond3A_442 : i32
      scf.if %cond3A_443 {
        %dma_wait3A_546 = arith.constant 0 : i32
        %dma_wait3A_547 = arith.constant 0 : i32
        %dma_wait3A_548 = tpu.memref_slice %arg9[%multiple_of3A, %dma_wait3A_546, %dma_wait3A_547] : memref<4096x2x2048xf32, #tpu.memory_space<hbm>> -> memref<4x2x2048xf32, #tpu.memory_space<hbm>>
        %dma_wait3A_549 = arith.constant 0 : i32
        %dma_wait3A_550 = arith.constant 0 : i32
        %dma_wait3A_551 = tpu.memref_slice %arg9[%multiple_of3A, %dma_wait3A_549, %dma_wait3A_550] : memref<4096x2x2048xf32, #tpu.memory_space<hbm>> -> memref<4x2x2048xf32, #tpu.memory_space<hbm>>
        tpu.wait_dma2 semaphore(%arg29 : memref<!tpu.dma_semaphore, #tpu.memory_space<semaphore_mem>>) src(%arg17 : memref<4x2x2048xf32, #tpu.memory_space<vmem>>) dst(%dma_wait3A_551 : memref<4x2x2048xf32, #tpu.memory_space<hbm>>)
      } else {
      }
      %lt3A_444 = arith.constant 31 : i32
      %lt3A_445 = arith.cmpi slt, %add3A_411, %lt3A_444 : i32
      %convert_element_type3A_446 = arith.extui %lt3A_445 : i1 to i32
      %cond3A_447 = arith.constant 0 : i32
      %cond3A_448 = arith.cmpi ne, %convert_element_type3A_446, %cond3A_447 : i32
      scf.if %cond3A_448 {
        %dma_start3A_546 = arith.constant 0 : i32
        %dma_start3A_547 = arith.constant 0 : i32
        %dma_start3A_548 = tpu.memref_slice %arg2[%squeeze3A_438, %dma_start3A_546, %dma_start3A_547] : memref<4096x2x2048xf32, #tpu.memory_space<hbm>> -> memref<4x2x2048xf32, #tpu.memory_space<hbm>>
        %dma_start3A_549 = arith.constant 0 : i32
        %dma_start3A_550 = arith.constant 0 : i32
        %dma_start3A_551 = tpu.memref_slice %arg2[%squeeze3A_438, %dma_start3A_549, %dma_start3A_550] : memref<4096x2x2048xf32, #tpu.memory_space<hbm>> -> memref<4x2x2048xf32, #tpu.memory_space<hbm>>
        tpu.enqueue_dma source(%dma_start3A_551 : memref<4x2x2048xf32, #tpu.memory_space<hbm>>) target(%arg17 : memref<4x2x2048xf32, #tpu.memory_space<vmem>>) target_semaphore(%arg28 : memref<!tpu.dma_semaphore, #tpu.memory_space<semaphore_mem>>)
      } else {
      }
      %dma_wait3A_449 = arith.constant 0 : i32
      %dma_wait3A_450 = arith.constant 0 : i32
      %dma_wait3A_451 = tpu.memref_slice %arg2[%multiple_of3A, %dma_wait3A_449, %dma_wait3A_450] : memref<4096x2x2048xf32, #tpu.memory_space<hbm>> -> memref<4x2x2048xf32, #tpu.memory_space<hbm>>
      %dma_wait3A_452 = arith.constant 0 : i32
      %dma_wait3A_453 = arith.constant 0 : i32
      %dma_wait3A_454 = tpu.memref_slice %arg2[%multiple_of3A, %dma_wait3A_452, %dma_wait3A_453] : memref<4096x2x2048xf32, #tpu.memory_space<hbm>> -> memref<4x2x2048xf32, #tpu.memory_space<hbm>>
      tpu.wait_dma2 semaphore(%arg28 : memref<!tpu.dma_semaphore, #tpu.memory_space<semaphore_mem>>) src(%dma_wait3A_454 : memref<4x2x2048xf32, #tpu.memory_space<hbm>>) dst(%arg18 : memref<4x2x2048xf32, #tpu.memory_space<vmem>>)
      %ge3A_455 = arith.constant 0 : i32
      %ge3A_456 = arith.cmpi sge, %squeeze3A_285, %ge3A_455 : i32
      %convert_element_type3A_457 = arith.extui %ge3A_456 : i1 to i32
      %cond3A_458 = arith.constant 0 : i32
      %cond3A_459 = arith.cmpi ne, %convert_element_type3A_457, %cond3A_458 : i32
      scf.if %cond3A_459 {
        %dma_wait3A_546 = arith.constant 0 : i32
        %dma_wait3A_547 = tpu.memref_slice %arg11[%dma_wait3A_546] : memref<2048xi32, #tpu.memory_space<vmem>> -> memref<1xi32, #tpu.memory_space<vmem>>
        %dma_wait3A_548 = arith.constant 0 : i32
        %dma_wait3A_549 = arith.constant 0 : i32
        %dma_wait3A_550 = tpu.memref_slice %arg4[%dma_wait3A_548, %dma_wait3A_549] : memref<8192x4096xf32, #tpu.memory_space<hbm>> -> memref<8192x4096xf32, #tpu.memory_space<hbm>>
        tpu.wait_indirect_dma semaphore(%arg30 : memref<!tpu.dma_semaphore, #tpu.memory_space<semaphore_mem>>) src(%dma_wait3A_550 : memref<8192x4096xf32, #tpu.memory_space<hbm>>) dst(%arg19 : memref<1x4096xf32, #tpu.memory_space<vmem>>)
      } else {
      }
      %ge3A_460 = arith.constant 0 : i32
      %ge3A_461 = arith.cmpi sge, %squeeze3A_287, %ge3A_460 : i32
      %convert_element_type3A_462 = arith.extui %ge3A_461 : i1 to i32
      %cond3A_463 = arith.constant 0 : i32
      %cond3A_464 = arith.cmpi ne, %convert_element_type3A_462, %cond3A_463 : i32
      scf.if %cond3A_464 {
        %dma_wait3A_546 = arith.constant 0 : i32
        %dma_wait3A_547 = tpu.memref_slice %arg11[%dma_wait3A_546] : memref<2048xi32, #tpu.memory_space<vmem>> -> memref<1xi32, #tpu.memory_space<vmem>>
        %dma_wait3A_548 = arith.constant 0 : i32
        %dma_wait3A_549 = arith.constant 0 : i32
        %dma_wait3A_550 = tpu.memref_slice %arg4[%dma_wait3A_548, %dma_wait3A_549] : memref<8192x4096xf32, #tpu.memory_space<hbm>> -> memref<8192x4096xf32, #tpu.memory_space<hbm>>
        tpu.wait_indirect_dma semaphore(%arg30 : memref<!tpu.dma_semaphore, #tpu.memory_space<semaphore_mem>>) src(%dma_wait3A_550 : memref<8192x4096xf32, #tpu.memory_space<hbm>>) dst(%arg20 : memref<1x4096xf32, #tpu.memory_space<vmem>>)
      } else {
      }
      %ge3A_465 = arith.constant 0 : i32
      %ge3A_466 = arith.cmpi sge, %squeeze3A_289, %ge3A_465 : i32
      %convert_element_type3A_467 = arith.extui %ge3A_466 : i1 to i32
      %cond3A_468 = arith.constant 0 : i32
      %cond3A_469 = arith.cmpi ne, %convert_element_type3A_467, %cond3A_468 : i32
      scf.if %cond3A_469 {
        %dma_wait3A_546 = arith.constant 0 : i32
        %dma_wait3A_547 = tpu.memref_slice %arg11[%dma_wait3A_546] : memref<2048xi32, #tpu.memory_space<vmem>> -> memref<1xi32, #tpu.memory_space<vmem>>
        %dma_wait3A_548 = arith.constant 0 : i32
        %dma_wait3A_549 = arith.constant 0 : i32
        %dma_wait3A_550 = tpu.memref_slice %arg4[%dma_wait3A_548, %dma_wait3A_549] : memref<8192x4096xf32, #tpu.memory_space<hbm>> -> memref<8192x4096xf32, #tpu.memory_space<hbm>>
        tpu.wait_indirect_dma semaphore(%arg30 : memref<!tpu.dma_semaphore, #tpu.memory_space<semaphore_mem>>) src(%dma_wait3A_550 : memref<8192x4096xf32, #tpu.memory_space<hbm>>) dst(%arg21 : memref<1x4096xf32, #tpu.memory_space<vmem>>)
      } else {
      }
      %ge3A_470 = arith.constant 0 : i32
      %ge3A_471 = arith.cmpi sge, %squeeze3A_291, %ge3A_470 : i32
      %convert_element_type3A_472 = arith.extui %ge3A_471 : i1 to i32
      %cond3A_473 = arith.constant 0 : i32
      %cond3A_474 = arith.cmpi ne, %convert_element_type3A_472, %cond3A_473 : i32
      scf.if %cond3A_474 {
        %dma_wait3A_546 = arith.constant 0 : i32
        %dma_wait3A_547 = tpu.memref_slice %arg11[%dma_wait3A_546] : memref<2048xi32, #tpu.memory_space<vmem>> -> memref<1xi32, #tpu.memory_space<vmem>>
        %dma_wait3A_548 = arith.constant 0 : i32
        %dma_wait3A_549 = arith.constant 0 : i32
        %dma_wait3A_550 = tpu.memref_slice %arg4[%dma_wait3A_548, %dma_wait3A_549] : memref<8192x4096xf32, #tpu.memory_space<hbm>> -> memref<8192x4096xf32, #tpu.memory_space<hbm>>
        tpu.wait_indirect_dma semaphore(%arg30 : memref<!tpu.dma_semaphore, #tpu.memory_space<semaphore_mem>>) src(%dma_wait3A_550 : memref<8192x4096xf32, #tpu.memory_space<hbm>>) dst(%arg22 : memref<1x4096xf32, #tpu.memory_space<vmem>>)
      } else {
      }
      %ge3A_475 = arith.constant 0 : i32
      %ge3A_476 = arith.cmpi sge, %squeeze3A_293, %ge3A_475 : i32
      %convert_element_type3A_477 = arith.extui %ge3A_476 : i1 to i32
      %cond3A_478 = arith.constant 0 : i32
      %cond3A_479 = arith.cmpi ne, %convert_element_type3A_477, %cond3A_478 : i32
      scf.if %cond3A_479 {
        %dma_wait3A_546 = arith.constant 0 : i32
        %dma_wait3A_547 = tpu.memref_slice %arg11[%dma_wait3A_546] : memref<2048xi32, #tpu.memory_space<vmem>> -> memref<1xi32, #tpu.memory_space<vmem>>
        %dma_wait3A_548 = arith.constant 0 : i32
        %dma_wait3A_549 = arith.constant 0 : i32
        %dma_wait3A_550 = tpu.memref_slice %arg5[%dma_wait3A_548, %dma_wait3A_549] : memref<8192x4096xf32, #tpu.memory_space<hbm>> -> memref<8192x4096xf32, #tpu.memory_space<hbm>>
        tpu.wait_indirect_dma semaphore(%arg30 : memref<!tpu.dma_semaphore, #tpu.memory_space<semaphore_mem>>) src(%dma_wait3A_550 : memref<8192x4096xf32, #tpu.memory_space<hbm>>) dst(%arg23 : memref<1x4096xf32, #tpu.memory_space<vmem>>)
      } else {
      }
      %ge3A_480 = arith.constant 0 : i32
      %ge3A_481 = arith.cmpi sge, %squeeze3A_295, %ge3A_480 : i32
      %convert_element_type3A_482 = arith.extui %ge3A_481 : i1 to i32
      %cond3A_483 = arith.constant 0 : i32
      %cond3A_484 = arith.cmpi ne, %convert_element_type3A_482, %cond3A_483 : i32
      scf.if %cond3A_484 {
        %dma_wait3A_546 = arith.constant 0 : i32
        %dma_wait3A_547 = tpu.memref_slice %arg11[%dma_wait3A_546] : memref<2048xi32, #tpu.memory_space<vmem>> -> memref<1xi32, #tpu.memory_space<vmem>>
        %dma_wait3A_548 = arith.constant 0 : i32
        %dma_wait3A_549 = arith.constant 0 : i32
        %dma_wait3A_550 = tpu.memref_slice %arg5[%dma_wait3A_548, %dma_wait3A_549] : memref<8192x4096xf32, #tpu.memory_space<hbm>> -> memref<8192x4096xf32, #tpu.memory_space<hbm>>
        tpu.wait_indirect_dma semaphore(%arg30 : memref<!tpu.dma_semaphore, #tpu.memory_space<semaphore_mem>>) src(%dma_wait3A_550 : memref<8192x4096xf32, #tpu.memory_space<hbm>>) dst(%arg24 : memref<1x4096xf32, #tpu.memory_space<vmem>>)
      } else {
      }
      %ge3A_485 = arith.constant 0 : i32
      %ge3A_486 = arith.cmpi sge, %squeeze3A_297, %ge3A_485 : i32
      %convert_element_type3A_487 = arith.extui %ge3A_486 : i1 to i32
      %cond3A_488 = arith.constant 0 : i32
      %cond3A_489 = arith.cmpi ne, %convert_element_type3A_487, %cond3A_488 : i32
      scf.if %cond3A_489 {
        %dma_wait3A_546 = arith.constant 0 : i32
        %dma_wait3A_547 = tpu.memref_slice %arg11[%dma_wait3A_546] : memref<2048xi32, #tpu.memory_space<vmem>> -> memref<1xi32, #tpu.memory_space<vmem>>
        %dma_wait3A_548 = arith.constant 0 : i32
        %dma_wait3A_549 = arith.constant 0 : i32
        %dma_wait3A_550 = tpu.memref_slice %arg5[%dma_wait3A_548, %dma_wait3A_549] : memref<8192x4096xf32, #tpu.memory_space<hbm>> -> memref<8192x4096xf32, #tpu.memory_space<hbm>>
        tpu.wait_indirect_dma semaphore(%arg30 : memref<!tpu.dma_semaphore, #tpu.memory_space<semaphore_mem>>) src(%dma_wait3A_550 : memref<8192x4096xf32, #tpu.memory_space<hbm>>) dst(%arg25 : memref<1x4096xf32, #tpu.memory_space<vmem>>)
      } else {
      }
      %ge3A_490 = arith.constant 0 : i32
      %ge3A_491 = arith.cmpi sge, %squeeze3A_299, %ge3A_490 : i32
      %convert_element_type3A_492 = arith.extui %ge3A_491 : i1 to i32
      %cond3A_493 = arith.constant 0 : i32
      %cond3A_494 = arith.cmpi ne, %convert_element_type3A_492, %cond3A_493 : i32
      scf.if %cond3A_494 {
        %dma_wait3A_546 = arith.constant 0 : i32
        %dma_wait3A_547 = tpu.memref_slice %arg11[%dma_wait3A_546] : memref<2048xi32, #tpu.memory_space<vmem>> -> memref<1xi32, #tpu.memory_space<vmem>>
        %dma_wait3A_548 = arith.constant 0 : i32
        %dma_wait3A_549 = arith.constant 0 : i32
        %dma_wait3A_550 = tpu.memref_slice %arg5[%dma_wait3A_548, %dma_wait3A_549] : memref<8192x4096xf32, #tpu.memory_space<hbm>> -> memref<8192x4096xf32, #tpu.memory_space<hbm>>
        tpu.wait_indirect_dma semaphore(%arg30 : memref<!tpu.dma_semaphore, #tpu.memory_space<semaphore_mem>>) src(%dma_wait3A_550 : memref<8192x4096xf32, #tpu.memory_space<hbm>>) dst(%arg26 : memref<1x4096xf32, #tpu.memory_space<vmem>>)
      } else {
      }
      %ge3A_495 = arith.constant 0 : i32
      %ge3A_496 = arith.cmpi sge, %squeeze3A_285, %ge3A_495 : i32
      %convert_element_type3A_497 = arith.extui %ge3A_496 : i1 to i32
      %cond3A_498 = arith.constant 0 : i32
      %cond3A_499 = arith.cmpi ne, %convert_element_type3A_497, %cond3A_498 : i32
      scf.if %cond3A_499 {
        %scan3A_546 = arith.constant 0 : i32
        %scan3A_547 = arith.constant 32 : i32
        %scan3A_548 = arith.addi %scan3A_546, %scan3A_547 : i32
        %scan3A_549 = arith.constant 1 : i32
        scf.for %scan3A_551 = %scan3A_546 to %scan3A_548 step %scan3A_549  : i32 {
          %mul3A_552 = arith.constant 64 : i32
          %mul3A_553 = arith.muli %scan3A_551, %mul3A_552 : i32
          %add3A_554 = arith.addi %squeeze3A_285, %mul3A_553 : i32
          %add3A_555 = arith.constant 0 : i32
          %add3A_556 = arith.addi %add3A_554, %add3A_555 : i32
          %get3A_557 = arith.constant 0 : i32
          %get3A_558 = arith.index_cast %get3A_557 : i32 to index
          %get3A_559 = arith.index_cast %add3A_556 : i32 to index
          %get3A_560 = tpu.vector_load %arg19[%get3A_558, %get3A_559] {strides = array<i32>} : memref<1x4096xf32, #tpu.memory_space<vmem>>, vector<16xf32>,
          %add3A_561 = arith.constant 0 : i32
          %add3A_562 = arith.addi %mul3A_553, %add3A_561 : i32
          %swap3A_563 = arith.constant 0 : i32
          %swap3A_564 = arith.constant 0 : i32
          %swap3A_565 = arith.index_cast %swap3A_563 : i32 to index
          %swap3A_566 = arith.index_cast %swap3A_564 : i32 to index
          %swap3A_567 = arith.index_cast %add3A_562 : i32 to index
          %swap3A_568 = tpu.vector_load %arg18[%swap3A_565, %swap3A_566, %swap3A_567] {strides = array<i32>} : memref<4x2x2048xf32, #tpu.memory_space<vmem>>, vector<16xf32>,
          tpu.vector_store %arg18[%swap3A_565, %swap3A_566, %swap3A_567], %get3A_560 {strides = array<i32>} : memref<4x2x2048xf32, #tpu.memory_space<vmem>>, vector<16xf32>,
          %add3A_569 = arith.addi %squeeze3A_285, %mul3A_553 : i32
          %add3A_570 = arith.constant 16 : i32
          %add3A_571 = arith.addi %add3A_569, %add3A_570 : i32
          %get3A_572 = arith.constant 0 : i32
          %get3A_573 = arith.index_cast %get3A_572 : i32 to index
          %get3A_574 = arith.index_cast %add3A_571 : i32 to index
          %get3A_575 = tpu.vector_load %arg19[%get3A_573, %get3A_574] {strides = array<i32>} : memref<1x4096xf32, #tpu.memory_space<vmem>>, vector<16xf32>,
          %add3A_576 = arith.constant 16 : i32
          %add3A_577 = arith.addi %mul3A_553, %add3A_576 : i32
          %swap3A_578 = arith.constant 0 : i32
          %swap3A_579 = arith.constant 0 : i32
          %swap3A_580 = arith.index_cast %swap3A_578 : i32 to index
          %swap3A_581 = arith.index_cast %swap3A_579 : i32 to index
          %swap3A_582 = arith.index_cast %add3A_577 : i32 to index
          %swap3A_583 = tpu.vector_load %arg18[%swap3A_580, %swap3A_581, %swap3A_582] {strides = array<i32>} : memref<4x2x2048xf32, #tpu.memory_space<vmem>>, vector<16xf32>,
          tpu.vector_store %arg18[%swap3A_580, %swap3A_581, %swap3A_582], %get3A_575 {strides = array<i32>} : memref<4x2x2048xf32, #tpu.memory_space<vmem>>, vector<16xf32>,
          %add3A_584 = arith.addi %squeeze3A_285, %mul3A_553 : i32
          %add3A_585 = arith.constant 32 : i32
          %add3A_586 = arith.addi %add3A_584, %add3A_585 : i32
          %get3A_587 = arith.constant 0 : i32
          %get3A_588 = arith.index_cast %get3A_587 : i32 to index
          %get3A_589 = arith.index_cast %add3A_586 : i32 to index
          %get3A_590 = tpu.vector_load %arg19[%get3A_588, %get3A_589] {strides = array<i32>} : memref<1x4096xf32, #tpu.memory_space<vmem>>, vector<16xf32>,
          %add3A_591 = arith.constant 32 : i32
          %add3A_592 = arith.addi %mul3A_553, %add3A_591 : i32
          %swap3A_593 = arith.constant 0 : i32
          %swap3A_594 = arith.constant 0 : i32
          %swap3A_595 = arith.index_cast %swap3A_593 : i32 to index
          %swap3A_596 = arith.index_cast %swap3A_594 : i32 to index
          %swap3A_597 = arith.index_cast %add3A_592 : i32 to index
          %swap3A_598 = tpu.vector_load %arg18[%swap3A_595, %swap3A_596, %swap3A_597] {strides = array<i32>} : memref<4x2x2048xf32, #tpu.memory_space<vmem>>, vector<16xf32>,
          tpu.vector_store %arg18[%swap3A_595, %swap3A_596, %swap3A_597], %get3A_590 {strides = array<i32>} : memref<4x2x2048xf32, #tpu.memory_space<vmem>>, vector<16xf32>,
          %add3A_599 = arith.addi %squeeze3A_285, %mul3A_553 : i32
          %add3A_600 = arith.constant 48 : i32
          %add3A_601 = arith.addi %add3A_599, %add3A_600 : i32
          %get3A_602 = arith.constant 0 : i32
          %get3A_603 = arith.index_cast %get3A_602 : i32 to index
          %get3A_604 = arith.index_cast %add3A_601 : i32 to index
          %get3A_605 = tpu.vector_load %arg19[%get3A_603, %get3A_604] {strides = array<i32>} : memref<1x4096xf32, #tpu.memory_space<vmem>>, vector<16xf32>,
          %add3A_606 = arith.constant 48 : i32
          %add3A_607 = arith.addi %mul3A_553, %add3A_606 : i32
          %swap3A_608 = arith.constant 0 : i32
          %swap3A_609 = arith.constant 0 : i32
          %swap3A_610 = arith.index_cast %swap3A_608 : i32 to index
          %swap3A_611 = arith.index_cast %swap3A_609 : i32 to index
          %swap3A_612 = arith.index_cast %add3A_607 : i32 to index
          %swap3A_613 = tpu.vector_load %arg18[%swap3A_610, %swap3A_611, %swap3A_612] {strides = array<i32>} : memref<4x2x2048xf32, #tpu.memory_space<vmem>>, vector<16xf32>,
          tpu.vector_store %arg18[%swap3A_610, %swap3A_611, %swap3A_612], %get3A_605 {strides = array<i32>} : memref<4x2x2048xf32, #tpu.memory_space<vmem>>, vector<16xf32>,
        }
        %scan3A_550 = arith.constant 32 : i32
      } else {
      }
      %ge3A_500 = arith.constant 0 : i32
      %ge3A_501 = arith.cmpi sge, %squeeze3A_287, %ge3A_500 : i32
      %convert_element_type3A_502 = arith.extui %ge3A_501 : i1 to i32
      %cond3A_503 = arith.constant 0 : i32
      %cond3A_504 = arith.cmpi ne, %convert_element_type3A_502, %cond3A_503 : i32
      scf.if %cond3A_504 {
        %scan3A_546 = arith.constant 0 : i32
        %scan3A_547 = arith.constant 32 : i32
        %scan3A_548 = arith.addi %scan3A_546, %scan3A_547 : i32
        %scan3A_549 = arith.constant 1 : i32
        scf.for %scan3A_551 = %scan3A_546 to %scan3A_548 step %scan3A_549  : i32 {
          %mul3A_552 = arith.constant 64 : i32
          %mul3A_553 = arith.muli %scan3A_551, %mul3A_552 : i32
          %add3A_554 = arith.addi %squeeze3A_287, %mul3A_553 : i32
          %add3A_555 = arith.constant 0 : i32
          %add3A_556 = arith.addi %add3A_554, %add3A_555 : i32
          %get3A_557 = arith.constant 0 : i32
          %get3A_558 = arith.index_cast %get3A_557 : i32 to index
          %get3A_559 = arith.index_cast %add3A_556 : i32 to index
          %get3A_560 = tpu.vector_load %arg20[%get3A_558, %get3A_559] {strides = array<i32>} : memref<1x4096xf32, #tpu.memory_space<vmem>>, vector<16xf32>,
          %add3A_561 = arith.constant 0 : i32
          %add3A_562 = arith.addi %mul3A_553, %add3A_561 : i32
          %swap3A_563 = arith.constant 1 : i32
          %swap3A_564 = arith.constant 0 : i32
          %swap3A_565 = arith.index_cast %swap3A_563 : i32 to index
          %swap3A_566 = arith.index_cast %swap3A_564 : i32 to index
          %swap3A_567 = arith.index_cast %add3A_562 : i32 to index
          %swap3A_568 = tpu.vector_load %arg18[%swap3A_565, %swap3A_566, %swap3A_567] {strides = array<i32>} : memref<4x2x2048xf32, #tpu.memory_space<vmem>>, vector<16xf32>,
          tpu.vector_store %arg18[%swap3A_565, %swap3A_566, %swap3A_567], %get3A_560 {strides = array<i32>} : memref<4x2x2048xf32, #tpu.memory_space<vmem>>, vector<16xf32>,
          %add3A_569 = arith.addi %squeeze3A_287, %mul3A_553 : i32
          %add3A_570 = arith.constant 16 : i32
          %add3A_571 = arith.addi %add3A_569, %add3A_570 : i32
          %get3A_572 = arith.constant 0 : i32
          %get3A_573 = arith.index_cast %get3A_572 : i32 to index
          %get3A_574 = arith.index_cast %add3A_571 : i32 to index
          %get3A_575 = tpu.vector_load %arg20[%get3A_573, %get3A_574] {strides = array<i32>} : memref<1x4096xf32, #tpu.memory_space<vmem>>, vector<16xf32>,
          %add3A_576 = arith.constant 16 : i32
          %add3A_577 = arith.addi %mul3A_553, %add3A_576 : i32
          %swap3A_578 = arith.constant 1 : i32
          %swap3A_579 = arith.constant 0 : i32
          %swap3A_580 = arith.index_cast %swap3A_578 : i32 to index
          %swap3A_581 = arith.index_cast %swap3A_579 : i32 to index
          %swap3A_582 = arith.index_cast %add3A_577 : i32 to index
          %swap3A_583 = tpu.vector_load %arg18[%swap3A_580, %swap3A_581, %swap3A_582] {strides = array<i32>} : memref<4x2x2048xf32, #tpu.memory_space<vmem>>, vector<16xf32>,
          tpu.vector_store %arg18[%swap3A_580, %swap3A_581, %swap3A_582], %get3A_575 {strides = array<i32>} : memref<4x2x2048xf32, #tpu.memory_space<vmem>>, vector<16xf32>,
          %add3A_584 = arith.addi %squeeze3A_287, %mul3A_553 : i32
          %add3A_585 = arith.constant 32 : i32
          %add3A_586 = arith.addi %add3A_584, %add3A_585 : i32
          %get3A_587 = arith.constant 0 : i32
          %get3A_588 = arith.index_cast %get3A_587 : i32 to index
          %get3A_589 = arith.index_cast %add3A_586 : i32 to index
          %get3A_590 = tpu.vector_load %arg20[%get3A_588, %get3A_589] {strides = array<i32>} : memref<1x4096xf32, #tpu.memory_space<vmem>>, vector<16xf32>,
          %add3A_591 = arith.constant 32 : i32
          %add3A_592 = arith.addi %mul3A_553, %add3A_591 : i32
          %swap3A_593 = arith.constant 1 : i32
          %swap3A_594 = arith.constant 0 : i32
          %swap3A_595 = arith.index_cast %swap3A_593 : i32 to index
          %swap3A_596 = arith.index_cast %swap3A_594 : i32 to index
          %swap3A_597 = arith.index_cast %add3A_592 : i32 to index
          %swap3A_598 = tpu.vector_load %arg18[%swap3A_595, %swap3A_596, %swap3A_597] {strides = array<i32>} : memref<4x2x2048xf32, #tpu.memory_space<vmem>>, vector<16xf32>,
          tpu.vector_store %arg18[%swap3A_595, %swap3A_596, %swap3A_597], %get3A_590 {strides = array<i32>} : memref<4x2x2048xf32, #tpu.memory_space<vmem>>, vector<16xf32>,
          %add3A_599 = arith.addi %squeeze3A_287, %mul3A_553 : i32
          %add3A_600 = arith.constant 48 : i32
          %add3A_601 = arith.addi %add3A_599, %add3A_600 : i32
          %get3A_602 = arith.constant 0 : i32
          %get3A_603 = arith.index_cast %get3A_602 : i32 to index
          %get3A_604 = arith.index_cast %add3A_601 : i32 to index
          %get3A_605 = tpu.vector_load %arg20[%get3A_603, %get3A_604] {strides = array<i32>} : memref<1x4096xf32, #tpu.memory_space<vmem>>, vector<16xf32>,
          %add3A_606 = arith.constant 48 : i32
          %add3A_607 = arith.addi %mul3A_553, %add3A_606 : i32
          %swap3A_608 = arith.constant 1 : i32
          %swap3A_609 = arith.constant 0 : i32
          %swap3A_610 = arith.index_cast %swap3A_608 : i32 to index
          %swap3A_611 = arith.index_cast %swap3A_609 : i32 to index
          %swap3A_612 = arith.index_cast %add3A_607 : i32 to index
          %swap3A_613 = tpu.vector_load %arg18[%swap3A_610, %swap3A_611, %swap3A_612] {strides = array<i32>} : memref<4x2x2048xf32, #tpu.memory_space<vmem>>, vector<16xf32>,
          tpu.vector_store %arg18[%swap3A_610, %swap3A_611, %swap3A_612], %get3A_605 {strides = array<i32>} : memref<4x2x2048xf32, #tpu.memory_space<vmem>>, vector<16xf32>,
        }
        %scan3A_550 = arith.constant 32 : i32
      } else {
      }
      %ge3A_505 = arith.constant 0 : i32
      %ge3A_506 = arith.cmpi sge, %squeeze3A_289, %ge3A_505 : i32
      %convert_element_type3A_507 = arith.extui %ge3A_506 : i1 to i32
      %cond3A_508 = arith.constant 0 : i32
      %cond3A_509 = arith.cmpi ne, %convert_element_type3A_507, %cond3A_508 : i32
      scf.if %cond3A_509 {
        %scan3A_546 = arith.constant 0 : i32
        %scan3A_547 = arith.constant 32 : i32
        %scan3A_548 = arith.addi %scan3A_546, %scan3A_547 : i32
        %scan3A_549 = arith.constant 1 : i32
        scf.for %scan3A_551 = %scan3A_546 to %scan3A_548 step %scan3A_549  : i32 {
          %mul3A_552 = arith.constant 64 : i32
          %mul3A_553 = arith.muli %scan3A_551, %mul3A_552 : i32
          %add3A_554 = arith.addi %squeeze3A_289, %mul3A_553 : i32
          %add3A_555 = arith.constant 0 : i32
          %add3A_556 = arith.addi %add3A_554, %add3A_555 : i32
          %get3A_557 = arith.constant 0 : i32
          %get3A_558 = arith.index_cast %get3A_557 : i32 to index
          %get3A_559 = arith.index_cast %add3A_556 : i32 to index
          %get3A_560 = tpu.vector_load %arg21[%get3A_558, %get3A_559] {strides = array<i32>} : memref<1x4096xf32, #tpu.memory_space<vmem>>, vector<16xf32>,
          %add3A_561 = arith.constant 0 : i32
          %add3A_562 = arith.addi %mul3A_553, %add3A_561 : i32
          %swap3A_563 = arith.constant 2 : i32
          %swap3A_564 = arith.constant 0 : i32
          %swap3A_565 = arith.index_cast %swap3A_563 : i32 to index
          %swap3A_566 = arith.index_cast %swap3A_564 : i32 to index
          %swap3A_567 = arith.index_cast %add3A_562 : i32 to index
          %swap3A_568 = tpu.vector_load %arg18[%swap3A_565, %swap3A_566, %swap3A_567] {strides = array<i32>} : memref<4x2x2048xf32, #tpu.memory_space<vmem>>, vector<16xf32>,
          tpu.vector_store %arg18[%swap3A_565, %swap3A_566, %swap3A_567], %get3A_560 {strides = array<i32>} : memref<4x2x2048xf32, #tpu.memory_space<vmem>>, vector<16xf32>,
          %add3A_569 = arith.addi %squeeze3A_289, %mul3A_553 : i32
          %add3A_570 = arith.constant 16 : i32
          %add3A_571 = arith.addi %add3A_569, %add3A_570 : i32
          %get3A_572 = arith.constant 0 : i32
          %get3A_573 = arith.index_cast %get3A_572 : i32 to index
          %get3A_574 = arith.index_cast %add3A_571 : i32 to index
          %get3A_575 = tpu.vector_load %arg21[%get3A_573, %get3A_574] {strides = array<i32>} : memref<1x4096xf32, #tpu.memory_space<vmem>>, vector<16xf32>,
          %add3A_576 = arith.constant 16 : i32
          %add3A_577 = arith.addi %mul3A_553, %add3A_576 : i32
          %swap3A_578 = arith.constant 2 : i32
          %swap3A_579 = arith.constant 0 : i32
          %swap3A_580 = arith.index_cast %swap3A_578 : i32 to index
          %swap3A_581 = arith.index_cast %swap3A_579 : i32 to index
          %swap3A_582 = arith.index_cast %add3A_577 : i32 to index
          %swap3A_583 = tpu.vector_load %arg18[%swap3A_580, %swap3A_581, %swap3A_582] {strides = array<i32>} : memref<4x2x2048xf32, #tpu.memory_space<vmem>>, vector<16xf32>,
          tpu.vector_store %arg18[%swap3A_580, %swap3A_581, %swap3A_582], %get3A_575 {strides = array<i32>} : memref<4x2x2048xf32, #tpu.memory_space<vmem>>, vector<16xf32>,
          %add3A_584 = arith.addi %squeeze3A_289, %mul3A_553 : i32
          %add3A_585 = arith.constant 32 : i32
          %add3A_586 = arith.addi %add3A_584, %add3A_585 : i32
          %get3A_587 = arith.constant 0 : i32
          %get3A_588 = arith.index_cast %get3A_587 : i32 to index
          %get3A_589 = arith.index_cast %add3A_586 : i32 to index
          %get3A_590 = tpu.vector_load %arg21[%get3A_588, %get3A_589] {strides = array<i32>} : memref<1x4096xf32, #tpu.memory_space<vmem>>, vector<16xf32>,
          %add3A_591 = arith.constant 32 : i32
          %add3A_592 = arith.addi %mul3A_553, %add3A_591 : i32
          %swap3A_593 = arith.constant 2 : i32
          %swap3A_594 = arith.constant 0 : i32
          %swap3A_595 = arith.index_cast %swap3A_593 : i32 to index
          %swap3A_596 = arith.index_cast %swap3A_594 : i32 to index
          %swap3A_597 = arith.index_cast %add3A_592 : i32 to index
          %swap3A_598 = tpu.vector_load %arg18[%swap3A_595, %swap3A_596, %swap3A_597] {strides = array<i32>} : memref<4x2x2048xf32, #tpu.memory_space<vmem>>, vector<16xf32>,
          tpu.vector_store %arg18[%swap3A_595, %swap3A_596, %swap3A_597], %get3A_590 {strides = array<i32>} : memref<4x2x2048xf32, #tpu.memory_space<vmem>>, vector<16xf32>,
          %add3A_599 = arith.addi %squeeze3A_289, %mul3A_553 : i32
          %add3A_600 = arith.constant 48 : i32
          %add3A_601 = arith.addi %add3A_599, %add3A_600 : i32
          %get3A_602 = arith.constant 0 : i32
          %get3A_603 = arith.index_cast %get3A_602 : i32 to index
          %get3A_604 = arith.index_cast %add3A_601 : i32 to index
          %get3A_605 = tpu.vector_load %arg21[%get3A_603, %get3A_604] {strides = array<i32>} : memref<1x4096xf32, #tpu.memory_space<vmem>>, vector<16xf32>,
          %add3A_606 = arith.constant 48 : i32
          %add3A_607 = arith.addi %mul3A_553, %add3A_606 : i32
          %swap3A_608 = arith.constant 2 : i32
          %swap3A_609 = arith.constant 0 : i32
          %swap3A_610 = arith.index_cast %swap3A_608 : i32 to index
          %swap3A_611 = arith.index_cast %swap3A_609 : i32 to index
          %swap3A_612 = arith.index_cast %add3A_607 : i32 to index
          %swap3A_613 = tpu.vector_load %arg18[%swap3A_610, %swap3A_611, %swap3A_612] {strides = array<i32>} : memref<4x2x2048xf32, #tpu.memory_space<vmem>>, vector<16xf32>,
          tpu.vector_store %arg18[%swap3A_610, %swap3A_611, %swap3A_612], %get3A_605 {strides = array<i32>} : memref<4x2x2048xf32, #tpu.memory_space<vmem>>, vector<16xf32>,
        }
        %scan3A_550 = arith.constant 32 : i32
      } else {
      }
      %ge3A_510 = arith.constant 0 : i32
      %ge3A_511 = arith.cmpi sge, %squeeze3A_291, %ge3A_510 : i32
      %convert_element_type3A_512 = arith.extui %ge3A_511 : i1 to i32
      %cond3A_513 = arith.constant 0 : i32
      %cond3A_514 = arith.cmpi ne, %convert_element_type3A_512, %cond3A_513 : i32
      scf.if %cond3A_514 {
        %scan3A_546 = arith.constant 0 : i32
        %scan3A_547 = arith.constant 32 : i32
        %scan3A_548 = arith.addi %scan3A_546, %scan3A_547 : i32
        %scan3A_549 = arith.constant 1 : i32
        scf.for %scan3A_551 = %scan3A_546 to %scan3A_548 step %scan3A_549  : i32 {
          %mul3A_552 = arith.constant 64 : i32
          %mul3A_553 = arith.muli %scan3A_551, %mul3A_552 : i32
          %add3A_554 = arith.addi %squeeze3A_291, %mul3A_553 : i32
          %add3A_555 = arith.constant 0 : i32
          %add3A_556 = arith.addi %add3A_554, %add3A_555 : i32
          %get3A_557 = arith.constant 0 : i32
          %get3A_558 = arith.index_cast %get3A_557 : i32 to index
          %get3A_559 = arith.index_cast %add3A_556 : i32 to index
          %get3A_560 = tpu.vector_load %arg22[%get3A_558, %get3A_559] {strides = array<i32>} : memref<1x4096xf32, #tpu.memory_space<vmem>>, vector<16xf32>,
          %add3A_561 = arith.constant 0 : i32
          %add3A_562 = arith.addi %mul3A_553, %add3A_561 : i32
          %swap3A_563 = arith.constant 3 : i32
          %swap3A_564 = arith.constant 0 : i32
          %swap3A_565 = arith.index_cast %swap3A_563 : i32 to index
          %swap3A_566 = arith.index_cast %swap3A_564 : i32 to index
          %swap3A_567 = arith.index_cast %add3A_562 : i32 to index
          %swap3A_568 = tpu.vector_load %arg18[%swap3A_565, %swap3A_566, %swap3A_567] {strides = array<i32>} : memref<4x2x2048xf32, #tpu.memory_space<vmem>>, vector<16xf32>,
          tpu.vector_store %arg18[%swap3A_565, %swap3A_566, %swap3A_567], %get3A_560 {strides = array<i32>} : memref<4x2x2048xf32, #tpu.memory_space<vmem>>, vector<16xf32>,
          %add3A_569 = arith.addi %squeeze3A_291, %mul3A_553 : i32
          %add3A_570 = arith.constant 16 : i32
          %add3A_571 = arith.addi %add3A_569, %add3A_570 : i32
          %get3A_572 = arith.constant 0 : i32
          %get3A_573 = arith.index_cast %get3A_572 : i32 to index
          %get3A_574 = arith.index_cast %add3A_571 : i32 to index
          %get3A_575 = tpu.vector_load %arg22[%get3A_573, %get3A_574] {strides = array<i32>} : memref<1x4096xf32, #tpu.memory_space<vmem>>, vector<16xf32>,
          %add3A_576 = arith.constant 16 : i32
          %add3A_577 = arith.addi %mul3A_553, %add3A_576 : i32
          %swap3A_578 = arith.constant 3 : i32
          %swap3A_579 = arith.constant 0 : i32
          %swap3A_580 = arith.index_cast %swap3A_578 : i32 to index
          %swap3A_581 = arith.index_cast %swap3A_579 : i32 to index
          %swap3A_582 = arith.index_cast %add3A_577 : i32 to index
          %swap3A_583 = tpu.vector_load %arg18[%swap3A_580, %swap3A_581, %swap3A_582] {strides = array<i32>} : memref<4x2x2048xf32, #tpu.memory_space<vmem>>, vector<16xf32>,
          tpu.vector_store %arg18[%swap3A_580, %swap3A_581, %swap3A_582], %get3A_575 {strides = array<i32>} : memref<4x2x2048xf32, #tpu.memory_space<vmem>>, vector<16xf32>,
          %add3A_584 = arith.addi %squeeze3A_291, %mul3A_553 : i32
          %add3A_585 = arith.constant 32 : i32
          %add3A_586 = arith.addi %add3A_584, %add3A_585 : i32
          %get3A_587 = arith.constant 0 : i32
          %get3A_588 = arith.index_cast %get3A_587 : i32 to index
          %get3A_589 = arith.index_cast %add3A_586 : i32 to index
          %get3A_590 = tpu.vector_load %arg22[%get3A_588, %get3A_589] {strides = array<i32>} : memref<1x4096xf32, #tpu.memory_space<vmem>>, vector<16xf32>,
          %add3A_591 = arith.constant 32 : i32
          %add3A_592 = arith.addi %mul3A_553, %add3A_591 : i32
          %swap3A_593 = arith.constant 3 : i32
          %swap3A_594 = arith.constant 0 : i32
          %swap3A_595 = arith.index_cast %swap3A_593 : i32 to index
          %swap3A_596 = arith.index_cast %swap3A_594 : i32 to index
          %swap3A_597 = arith.index_cast %add3A_592 : i32 to index
          %swap3A_598 = tpu.vector_load %arg18[%swap3A_595, %swap3A_596, %swap3A_597] {strides = array<i32>} : memref<4x2x2048xf32, #tpu.memory_space<vmem>>, vector<16xf32>,
          tpu.vector_store %arg18[%swap3A_595, %swap3A_596, %swap3A_597], %get3A_590 {strides = array<i32>} : memref<4x2x2048xf32, #tpu.memory_space<vmem>>, vector<16xf32>,
          %add3A_599 = arith.addi %squeeze3A_291, %mul3A_553 : i32
          %add3A_600 = arith.constant 48 : i32
          %add3A_601 = arith.addi %add3A_599, %add3A_600 : i32
          %get3A_602 = arith.constant 0 : i32
          %get3A_603 = arith.index_cast %get3A_602 : i32 to index
          %get3A_604 = arith.index_cast %add3A_601 : i32 to index
          %get3A_605 = tpu.vector_load %arg22[%get3A_603, %get3A_604] {strides = array<i32>} : memref<1x4096xf32, #tpu.memory_space<vmem>>, vector<16xf32>,
          %add3A_606 = arith.constant 48 : i32
          %add3A_607 = arith.addi %mul3A_553, %add3A_606 : i32
          %swap3A_608 = arith.constant 3 : i32
          %swap3A_609 = arith.constant 0 : i32
          %swap3A_610 = arith.index_cast %swap3A_608 : i32 to index
          %swap3A_611 = arith.index_cast %swap3A_609 : i32 to index
          %swap3A_612 = arith.index_cast %add3A_607 : i32 to index
          %swap3A_613 = tpu.vector_load %arg18[%swap3A_610, %swap3A_611, %swap3A_612] {strides = array<i32>} : memref<4x2x2048xf32, #tpu.memory_space<vmem>>, vector<16xf32>,
          tpu.vector_store %arg18[%swap3A_610, %swap3A_611, %swap3A_612], %get3A_605 {strides = array<i32>} : memref<4x2x2048xf32, #tpu.memory_space<vmem>>, vector<16xf32>,
        }
        %scan3A_550 = arith.constant 32 : i32
      } else {
      }
      %ge3A_515 = arith.constant 0 : i32
      %ge3A_516 = arith.cmpi sge, %squeeze3A_293, %ge3A_515 : i32
      %convert_element_type3A_517 = arith.extui %ge3A_516 : i1 to i32
      %cond3A_518 = arith.constant 0 : i32
      %cond3A_519 = arith.cmpi ne, %convert_element_type3A_517, %cond3A_518 : i32
      scf.if %cond3A_519 {
        %scan3A_546 = arith.constant 0 : i32
        %scan3A_547 = arith.constant 32 : i32
        %scan3A_548 = arith.addi %scan3A_546, %scan3A_547 : i32
        %scan3A_549 = arith.constant 1 : i32
        scf.for %scan3A_551 = %scan3A_546 to %scan3A_548 step %scan3A_549  : i32 {
          %mul3A_552 = arith.constant 64 : i32
          %mul3A_553 = arith.muli %scan3A_551, %mul3A_552 : i32
          %add3A_554 = arith.addi %squeeze3A_293, %mul3A_553 : i32
          %add3A_555 = arith.constant 0 : i32
          %add3A_556 = arith.addi %add3A_554, %add3A_555 : i32
          %get3A_557 = arith.constant 0 : i32
          %get3A_558 = arith.index_cast %get3A_557 : i32 to index
          %get3A_559 = arith.index_cast %add3A_556 : i32 to index
          %get3A_560 = tpu.vector_load %arg23[%get3A_558, %get3A_559] {strides = array<i32>} : memref<1x4096xf32, #tpu.memory_space<vmem>>, vector<16xf32>,
          %add3A_561 = arith.constant 0 : i32
          %add3A_562 = arith.addi %mul3A_553, %add3A_561 : i32
          %swap3A_563 = arith.constant 0 : i32
          %swap3A_564 = arith.constant 1 : i32
          %swap3A_565 = arith.index_cast %swap3A_563 : i32 to index
          %swap3A_566 = arith.index_cast %swap3A_564 : i32 to index
          %swap3A_567 = arith.index_cast %add3A_562 : i32 to index
          %swap3A_568 = tpu.vector_load %arg18[%swap3A_565, %swap3A_566, %swap3A_567] {strides = array<i32>} : memref<4x2x2048xf32, #tpu.memory_space<vmem>>, vector<16xf32>,
          tpu.vector_store %arg18[%swap3A_565, %swap3A_566, %swap3A_567], %get3A_560 {strides = array<i32>} : memref<4x2x2048xf32, #tpu.memory_space<vmem>>, vector<16xf32>,
          %add3A_569 = arith.addi %squeeze3A_293, %mul3A_553 : i32
          %add3A_570 = arith.constant 16 : i32
          %add3A_571 = arith.addi %add3A_569, %add3A_570 : i32
          %get3A_572 = arith.constant 0 : i32
          %get3A_573 = arith.index_cast %get3A_572 : i32 to index
          %get3A_574 = arith.index_cast %add3A_571 : i32 to index
          %get3A_575 = tpu.vector_load %arg23[%get3A_573, %get3A_574] {strides = array<i32>} : memref<1x4096xf32, #tpu.memory_space<vmem>>, vector<16xf32>,
          %add3A_576 = arith.constant 16 : i32
          %add3A_577 = arith.addi %mul3A_553, %add3A_576 : i32
          %swap3A_578 = arith.constant 0 : i32
          %swap3A_579 = arith.constant 1 : i32
          %swap3A_580 = arith.index_cast %swap3A_578 : i32 to index
          %swap3A_581 = arith.index_cast %swap3A_579 : i32 to index
          %swap3A_582 = arith.index_cast %add3A_577 : i32 to index
          %swap3A_583 = tpu.vector_load %arg18[%swap3A_580, %swap3A_581, %swap3A_582] {strides = array<i32>} : memref<4x2x2048xf32, #tpu.memory_space<vmem>>, vector<16xf32>,
          tpu.vector_store %arg18[%swap3A_580, %swap3A_581, %swap3A_582], %get3A_575 {strides = array<i32>} : memref<4x2x2048xf32, #tpu.memory_space<vmem>>, vector<16xf32>,
          %add3A_584 = arith.addi %squeeze3A_293, %mul3A_553 : i32
          %add3A_585 = arith.constant 32 : i32
          %add3A_586 = arith.addi %add3A_584, %add3A_585 : i32
          %get3A_587 = arith.constant 0 : i32
          %get3A_588 = arith.index_cast %get3A_587 : i32 to index
          %get3A_589 = arith.index_cast %add3A_586 : i32 to index
          %get3A_590 = tpu.vector_load %arg23[%get3A_588, %get3A_589] {strides = array<i32>} : memref<1x4096xf32, #tpu.memory_space<vmem>>, vector<16xf32>,
          %add3A_591 = arith.constant 32 : i32
          %add3A_592 = arith.addi %mul3A_553, %add3A_591 : i32
          %swap3A_593 = arith.constant 0 : i32
          %swap3A_594 = arith.constant 1 : i32
          %swap3A_595 = arith.index_cast %swap3A_593 : i32 to index
          %swap3A_596 = arith.index_cast %swap3A_594 : i32 to index
          %swap3A_597 = arith.index_cast %add3A_592 : i32 to index
          %swap3A_598 = tpu.vector_load %arg18[%swap3A_595, %swap3A_596, %swap3A_597] {strides = array<i32>} : memref<4x2x2048xf32, #tpu.memory_space<vmem>>, vector<16xf32>,
          tpu.vector_store %arg18[%swap3A_595, %swap3A_596, %swap3A_597], %get3A_590 {strides = array<i32>} : memref<4x2x2048xf32, #tpu.memory_space<vmem>>, vector<16xf32>,
          %add3A_599 = arith.addi %squeeze3A_293, %mul3A_553 : i32
          %add3A_600 = arith.constant 48 : i32
          %add3A_601 = arith.addi %add3A_599, %add3A_600 : i32
          %get3A_602 = arith.constant 0 : i32
          %get3A_603 = arith.index_cast %get3A_602 : i32 to index
          %get3A_604 = arith.index_cast %add3A_601 : i32 to index
          %get3A_605 = tpu.vector_load %arg23[%get3A_603, %get3A_604] {strides = array<i32>} : memref<1x4096xf32, #tpu.memory_space<vmem>>, vector<16xf32>,
          %add3A_606 = arith.constant 48 : i32
          %add3A_607 = arith.addi %mul3A_553, %add3A_606 : i32
          %swap3A_608 = arith.constant 0 : i32
          %swap3A_609 = arith.constant 1 : i32
          %swap3A_610 = arith.index_cast %swap3A_608 : i32 to index
          %swap3A_611 = arith.index_cast %swap3A_609 : i32 to index
          %swap3A_612 = arith.index_cast %add3A_607 : i32 to index
          %swap3A_613 = tpu.vector_load %arg18[%swap3A_610, %swap3A_611, %swap3A_612] {strides = array<i32>} : memref<4x2x2048xf32, #tpu.memory_space<vmem>>, vector<16xf32>,
          tpu.vector_store %arg18[%swap3A_610, %swap3A_611, %swap3A_612], %get3A_605 {strides = array<i32>} : memref<4x2x2048xf32, #tpu.memory_space<vmem>>, vector<16xf32>,
        }
        %scan3A_550 = arith.constant 32 : i32
      } else {
      }
      %ge3A_520 = arith.constant 0 : i32
      %ge3A_521 = arith.cmpi sge, %squeeze3A_295, %ge3A_520 : i32
      %convert_element_type3A_522 = arith.extui %ge3A_521 : i1 to i32
      %cond3A_523 = arith.constant 0 : i32
      %cond3A_524 = arith.cmpi ne, %convert_element_type3A_522, %cond3A_523 : i32
      scf.if %cond3A_524 {
        %scan3A_546 = arith.constant 0 : i32
        %scan3A_547 = arith.constant 32 : i32
        %scan3A_548 = arith.addi %scan3A_546, %scan3A_547 : i32
        %scan3A_549 = arith.constant 1 : i32
        scf.for %scan3A_551 = %scan3A_546 to %scan3A_548 step %scan3A_549  : i32 {
          %mul3A_552 = arith.constant 64 : i32
          %mul3A_553 = arith.muli %scan3A_551, %mul3A_552 : i32
          %add3A_554 = arith.addi %squeeze3A_295, %mul3A_553 : i32
          %add3A_555 = arith.constant 0 : i32
          %add3A_556 = arith.addi %add3A_554, %add3A_555 : i32
          %get3A_557 = arith.constant 0 : i32
          %get3A_558 = arith.index_cast %get3A_557 : i32 to index
          %get3A_559 = arith.index_cast %add3A_556 : i32 to index
          %get3A_560 = tpu.vector_load %arg24[%get3A_558, %get3A_559] {strides = array<i32>} : memref<1x4096xf32, #tpu.memory_space<vmem>>, vector<16xf32>,
          %add3A_561 = arith.constant 0 : i32
          %add3A_562 = arith.addi %mul3A_553, %add3A_561 : i32
          %swap3A_563 = arith.constant 1 : i32
          %swap3A_564 = arith.constant 1 : i32
          %swap3A_565 = arith.index_cast %swap3A_563 : i32 to index
          %swap3A_566 = arith.index_cast %swap3A_564 : i32 to index
          %swap3A_567 = arith.index_cast %add3A_562 : i32 to index
          %swap3A_568 = tpu.vector_load %arg18[%swap3A_565, %swap3A_566, %swap3A_567] {strides = array<i32>} : memref<4x2x2048xf32, #tpu.memory_space<vmem>>, vector<16xf32>,
          tpu.vector_store %arg18[%swap3A_565, %swap3A_566, %swap3A_567], %get3A_560 {strides = array<i32>} : memref<4x2x2048xf32, #tpu.memory_space<vmem>>, vector<16xf32>,
          %add3A_569 = arith.addi %squeeze3A_295, %mul3A_553 : i32
          %add3A_570 = arith.constant 16 : i32
          %add3A_571 = arith.addi %add3A_569, %add3A_570 : i32
          %get3A_572 = arith.constant 0 : i32
          %get3A_573 = arith.index_cast %get3A_572 : i32 to index
          %get3A_574 = arith.index_cast %add3A_571 : i32 to index
          %get3A_575 = tpu.vector_load %arg24[%get3A_573, %get3A_574] {strides = array<i32>} : memref<1x4096xf32, #tpu.memory_space<vmem>>, vector<16xf32>,
          %add3A_576 = arith.constant 16 : i32
          %add3A_577 = arith.addi %mul3A_553, %add3A_576 : i32
          %swap3A_578 = arith.constant 1 : i32
          %swap3A_579 = arith.constant 1 : i32
          %swap3A_580 = arith.index_cast %swap3A_578 : i32 to index
          %swap3A_581 = arith.index_cast %swap3A_579 : i32 to index
          %swap3A_582 = arith.index_cast %add3A_577 : i32 to index
          %swap3A_583 = tpu.vector_load %arg18[%swap3A_580, %swap3A_581, %swap3A_582] {strides = array<i32>} : memref<4x2x2048xf32, #tpu.memory_space<vmem>>, vector<16xf32>,
          tpu.vector_store %arg18[%swap3A_580, %swap3A_581, %swap3A_582], %get3A_575 {strides = array<i32>} : memref<4x2x2048xf32, #tpu.memory_space<vmem>>, vector<16xf32>,
          %add3A_584 = arith.addi %squeeze3A_295, %mul3A_553 : i32
          %add3A_585 = arith.constant 32 : i32
          %add3A_586 = arith.addi %add3A_584, %add3A_585 : i32
          %get3A_587 = arith.constant 0 : i32
          %get3A_588 = arith.index_cast %get3A_587 : i32 to index
          %get3A_589 = arith.index_cast %add3A_586 : i32 to index
          %get3A_590 = tpu.vector_load %arg24[%get3A_588, %get3A_589] {strides = array<i32>} : memref<1x4096xf32, #tpu.memory_space<vmem>>, vector<16xf32>,
          %add3A_591 = arith.constant 32 : i32
          %add3A_592 = arith.addi %mul3A_553, %add3A_591 : i32
          %swap3A_593 = arith.constant 1 : i32
          %swap3A_594 = arith.constant 1 : i32
          %swap3A_595 = arith.index_cast %swap3A_593 : i32 to index
          %swap3A_596 = arith.index_cast %swap3A_594 : i32 to index
          %swap3A_597 = arith.index_cast %add3A_592 : i32 to index
          %swap3A_598 = tpu.vector_load %arg18[%swap3A_595, %swap3A_596, %swap3A_597] {strides = array<i32>} : memref<4x2x2048xf32, #tpu.memory_space<vmem>>, vector<16xf32>,
          tpu.vector_store %arg18[%swap3A_595, %swap3A_596, %swap3A_597], %get3A_590 {strides = array<i32>} : memref<4x2x2048xf32, #tpu.memory_space<vmem>>, vector<16xf32>,
          %add3A_599 = arith.addi %squeeze3A_295, %mul3A_553 : i32
          %add3A_600 = arith.constant 48 : i32
          %add3A_601 = arith.addi %add3A_599, %add3A_600 : i32
          %get3A_602 = arith.constant 0 : i32
          %get3A_603 = arith.index_cast %get3A_602 : i32 to index
          %get3A_604 = arith.index_cast %add3A_601 : i32 to index
          %get3A_605 = tpu.vector_load %arg24[%get3A_603, %get3A_604] {strides = array<i32>} : memref<1x4096xf32, #tpu.memory_space<vmem>>, vector<16xf32>,
          %add3A_606 = arith.constant 48 : i32
          %add3A_607 = arith.addi %mul3A_553, %add3A_606 : i32
          %swap3A_608 = arith.constant 1 : i32
          %swap3A_609 = arith.constant 1 : i32
          %swap3A_610 = arith.index_cast %swap3A_608 : i32 to index
          %swap3A_611 = arith.index_cast %swap3A_609 : i32 to index
          %swap3A_612 = arith.index_cast %add3A_607 : i32 to index
          %swap3A_613 = tpu.vector_load %arg18[%swap3A_610, %swap3A_611, %swap3A_612] {strides = array<i32>} : memref<4x2x2048xf32, #tpu.memory_space<vmem>>, vector<16xf32>,
          tpu.vector_store %arg18[%swap3A_610, %swap3A_611, %swap3A_612], %get3A_605 {strides = array<i32>} : memref<4x2x2048xf32, #tpu.memory_space<vmem>>, vector<16xf32>,
        }
        %scan3A_550 = arith.constant 32 : i32
      } else {
      }
      %ge3A_525 = arith.constant 0 : i32
      %ge3A_526 = arith.cmpi sge, %squeeze3A_297, %ge3A_525 : i32
      %convert_element_type3A_527 = arith.extui %ge3A_526 : i1 to i32
      %cond3A_528 = arith.constant 0 : i32
      %cond3A_529 = arith.cmpi ne, %convert_element_type3A_527, %cond3A_528 : i32
      scf.if %cond3A_529 {
        %scan3A_546 = arith.constant 0 : i32
        %scan3A_547 = arith.constant 32 : i32
        %scan3A_548 = arith.addi %scan3A_546, %scan3A_547 : i32
        %scan3A_549 = arith.constant 1 : i32
        scf.for %scan3A_551 = %scan3A_546 to %scan3A_548 step %scan3A_549  : i32 {
          %mul3A_552 = arith.constant 64 : i32
          %mul3A_553 = arith.muli %scan3A_551, %mul3A_552 : i32
          %add3A_554 = arith.addi %squeeze3A_297, %mul3A_553 : i32
          %add3A_555 = arith.constant 0 : i32
          %add3A_556 = arith.addi %add3A_554, %add3A_555 : i32
          %get3A_557 = arith.constant 0 : i32
          %get3A_558 = arith.index_cast %get3A_557 : i32 to index
          %get3A_559 = arith.index_cast %add3A_556 : i32 to index
          %get3A_560 = tpu.vector_load %arg25[%get3A_558, %get3A_559] {strides = array<i32>} : memref<1x4096xf32, #tpu.memory_space<vmem>>, vector<16xf32>,
          %add3A_561 = arith.constant 0 : i32
          %add3A_562 = arith.addi %mul3A_553, %add3A_561 : i32
          %swap3A_563 = arith.constant 2 : i32
          %swap3A_564 = arith.constant 1 : i32
          %swap3A_565 = arith.index_cast %swap3A_563 : i32 to index
          %swap3A_566 = arith.index_cast %swap3A_564 : i32 to index
          %swap3A_567 = arith.index_cast %add3A_562 : i32 to index
          %swap3A_568 = tpu.vector_load %arg18[%swap3A_565, %swap3A_566, %swap3A_567] {strides = array<i32>} : memref<4x2x2048xf32, #tpu.memory_space<vmem>>, vector<16xf32>,
          tpu.vector_store %arg18[%swap3A_565, %swap3A_566, %swap3A_567], %get3A_560 {strides = array<i32>} : memref<4x2x2048xf32, #tpu.memory_space<vmem>>, vector<16xf32>,
          %add3A_569 = arith.addi %squeeze3A_297, %mul3A_553 : i32
          %add3A_570 = arith.constant 16 : i32
          %add3A_571 = arith.addi %add3A_569, %add3A_570 : i32
          %get3A_572 = arith.constant 0 : i32
          %get3A_573 = arith.index_cast %get3A_572 : i32 to index
          %get3A_574 = arith.index_cast %add3A_571 : i32 to index
          %get3A_575 = tpu.vector_load %arg25[%get3A_573, %get3A_574] {strides = array<i32>} : memref<1x4096xf32, #tpu.memory_space<vmem>>, vector<16xf32>,
          %add3A_576 = arith.constant 16 : i32
          %add3A_577 = arith.addi %mul3A_553, %add3A_576 : i32
          %swap3A_578 = arith.constant 2 : i32
          %swap3A_579 = arith.constant 1 : i32
          %swap3A_580 = arith.index_cast %swap3A_578 : i32 to index
          %swap3A_581 = arith.index_cast %swap3A_579 : i32 to index
          %swap3A_582 = arith.index_cast %add3A_577 : i32 to index
          %swap3A_583 = tpu.vector_load %arg18[%swap3A_580, %swap3A_581, %swap3A_582] {strides = array<i32>} : memref<4x2x2048xf32, #tpu.memory_space<vmem>>, vector<16xf32>,
          tpu.vector_store %arg18[%swap3A_580, %swap3A_581, %swap3A_582], %get3A_575 {strides = array<i32>} : memref<4x2x2048xf32, #tpu.memory_space<vmem>>, vector<16xf32>,
          %add3A_584 = arith.addi %squeeze3A_297, %mul3A_553 : i32
          %add3A_585 = arith.constant 32 : i32
          %add3A_586 = arith.addi %add3A_584, %add3A_585 : i32
          %get3A_587 = arith.constant 0 : i32
          %get3A_588 = arith.index_cast %get3A_587 : i32 to index
          %get3A_589 = arith.index_cast %add3A_586 : i32 to index
          %get3A_590 = tpu.vector_load %arg25[%get3A_588, %get3A_589] {strides = array<i32>} : memref<1x4096xf32, #tpu.memory_space<vmem>>, vector<16xf32>,
          %add3A_591 = arith.constant 32 : i32
          %add3A_592 = arith.addi %mul3A_553, %add3A_591 : i32
          %swap3A_593 = arith.constant 2 : i32
          %swap3A_594 = arith.constant 1 : i32
          %swap3A_595 = arith.index_cast %swap3A_593 : i32 to index
          %swap3A_596 = arith.index_cast %swap3A_594 : i32 to index
          %swap3A_597 = arith.index_cast %add3A_592 : i32 to index
          %swap3A_598 = tpu.vector_load %arg18[%swap3A_595, %swap3A_596, %swap3A_597] {strides = array<i32>} : memref<4x2x2048xf32, #tpu.memory_space<vmem>>, vector<16xf32>,
          tpu.vector_store %arg18[%swap3A_595, %swap3A_596, %swap3A_597], %get3A_590 {strides = array<i32>} : memref<4x2x2048xf32, #tpu.memory_space<vmem>>, vector<16xf32>,
          %add3A_599 = arith.addi %squeeze3A_297, %mul3A_553 : i32
          %add3A_600 = arith.constant 48 : i32
          %add3A_601 = arith.addi %add3A_599, %add3A_600 : i32
          %get3A_602 = arith.constant 0 : i32
          %get3A_603 = arith.index_cast %get3A_602 : i32 to index
          %get3A_604 = arith.index_cast %add3A_601 : i32 to index
          %get3A_605 = tpu.vector_load %arg25[%get3A_603, %get3A_604] {strides = array<i32>} : memref<1x4096xf32, #tpu.memory_space<vmem>>, vector<16xf32>,
          %add3A_606 = arith.constant 48 : i32
          %add3A_607 = arith.addi %mul3A_553, %add3A_606 : i32
          %swap3A_608 = arith.constant 2 : i32
          %swap3A_609 = arith.constant 1 : i32
          %swap3A_610 = arith.index_cast %swap3A_608 : i32 to index
          %swap3A_611 = arith.index_cast %swap3A_609 : i32 to index
          %swap3A_612 = arith.index_cast %add3A_607 : i32 to index
          %swap3A_613 = tpu.vector_load %arg18[%swap3A_610, %swap3A_611, %swap3A_612] {strides = array<i32>} : memref<4x2x2048xf32, #tpu.memory_space<vmem>>, vector<16xf32>,
          tpu.vector_store %arg18[%swap3A_610, %swap3A_611, %swap3A_612], %get3A_605 {strides = array<i32>} : memref<4x2x2048xf32, #tpu.memory_space<vmem>>, vector<16xf32>,
        }
        %scan3A_550 = arith.constant 32 : i32
      } else {
      }
      %ge3A_530 = arith.constant 0 : i32
      %ge3A_531 = arith.cmpi sge, %squeeze3A_299, %ge3A_530 : i32
      %convert_element_type3A_532 = arith.extui %ge3A_531 : i1 to i32
      %cond3A_533 = arith.constant 0 : i32
      %cond3A_534 = arith.cmpi ne, %convert_element_type3A_532, %cond3A_533 : i32
      scf.if %cond3A_534 {
        %scan3A_546 = arith.constant 0 : i32
        %scan3A_547 = arith.constant 32 : i32
        %scan3A_548 = arith.addi %scan3A_546, %scan3A_547 : i32
        %scan3A_549 = arith.constant 1 : i32
        scf.for %scan3A_551 = %scan3A_546 to %scan3A_548 step %scan3A_549  : i32 {
          %mul3A_552 = arith.constant 64 : i32
          %mul3A_553 = arith.muli %scan3A_551, %mul3A_552 : i32
          %add3A_554 = arith.addi %squeeze3A_299, %mul3A_553 : i32
          %add3A_555 = arith.constant 0 : i32
          %add3A_556 = arith.addi %add3A_554, %add3A_555 : i32
          %get3A_557 = arith.constant 0 : i32
          %get3A_558 = arith.index_cast %get3A_557 : i32 to index
          %get3A_559 = arith.index_cast %add3A_556 : i32 to index
          %get3A_560 = tpu.vector_load %arg26[%get3A_558, %get3A_559] {strides = array<i32>} : memref<1x4096xf32, #tpu.memory_space<vmem>>, vector<16xf32>,
          %add3A_561 = arith.constant 0 : i32
          %add3A_562 = arith.addi %mul3A_553, %add3A_561 : i32
          %swap3A_563 = arith.constant 3 : i32
          %swap3A_564 = arith.constant 1 : i32
          %swap3A_565 = arith.index_cast %swap3A_563 : i32 to index
          %swap3A_566 = arith.index_cast %swap3A_564 : i32 to index
          %swap3A_567 = arith.index_cast %add3A_562 : i32 to index
          %swap3A_568 = tpu.vector_load %arg18[%swap3A_565, %swap3A_566, %swap3A_567] {strides = array<i32>} : memref<4x2x2048xf32, #tpu.memory_space<vmem>>, vector<16xf32>,
          tpu.vector_store %arg18[%swap3A_565, %swap3A_566, %swap3A_567], %get3A_560 {strides = array<i32>} : memref<4x2x2048xf32, #tpu.memory_space<vmem>>, vector<16xf32>,
          %add3A_569 = arith.addi %squeeze3A_299, %mul3A_553 : i32
          %add3A_570 = arith.constant 16 : i32
          %add3A_571 = arith.addi %add3A_569, %add3A_570 : i32
          %get3A_572 = arith.constant 0 : i32
          %get3A_573 = arith.index_cast %get3A_572 : i32 to index
          %get3A_574 = arith.index_cast %add3A_571 : i32 to index
          %get3A_575 = tpu.vector_load %arg26[%get3A_573, %get3A_574] {strides = array<i32>} : memref<1x4096xf32, #tpu.memory_space<vmem>>, vector<16xf32>,
          %add3A_576 = arith.constant 16 : i32
          %add3A_577 = arith.addi %mul3A_553, %add3A_576 : i32
          %swap3A_578 = arith.constant 3 : i32
          %swap3A_579 = arith.constant 1 : i32
          %swap3A_580 = arith.index_cast %swap3A_578 : i32 to index
          %swap3A_581 = arith.index_cast %swap3A_579 : i32 to index
          %swap3A_582 = arith.index_cast %add3A_577 : i32 to index
          %swap3A_583 = tpu.vector_load %arg18[%swap3A_580, %swap3A_581, %swap3A_582] {strides = array<i32>} : memref<4x2x2048xf32, #tpu.memory_space<vmem>>, vector<16xf32>,
          tpu.vector_store %arg18[%swap3A_580, %swap3A_581, %swap3A_582], %get3A_575 {strides = array<i32>} : memref<4x2x2048xf32, #tpu.memory_space<vmem>>, vector<16xf32>,
          %add3A_584 = arith.addi %squeeze3A_299, %mul3A_553 : i32
          %add3A_585 = arith.constant 32 : i32
          %add3A_586 = arith.addi %add3A_584, %add3A_585 : i32
          %get3A_587 = arith.constant 0 : i32
          %get3A_588 = arith.index_cast %get3A_587 : i32 to index
          %get3A_589 = arith.index_cast %add3A_586 : i32 to index
          %get3A_590 = tpu.vector_load %arg26[%get3A_588, %get3A_589] {strides = array<i32>} : memref<1x4096xf32, #tpu.memory_space<vmem>>, vector<16xf32>,
          %add3A_591 = arith.constant 32 : i32
          %add3A_592 = arith.addi %mul3A_553, %add3A_591 : i32
          %swap3A_593 = arith.constant 3 : i32
          %swap3A_594 = arith.constant 1 : i32
          %swap3A_595 = arith.index_cast %swap3A_593 : i32 to index
          %swap3A_596 = arith.index_cast %swap3A_594 : i32 to index
          %swap3A_597 = arith.index_cast %add3A_592 : i32 to index
          %swap3A_598 = tpu.vector_load %arg18[%swap3A_595, %swap3A_596, %swap3A_597] {strides = array<i32>} : memref<4x2x2048xf32, #tpu.memory_space<vmem>>, vector<16xf32>,
          tpu.vector_store %arg18[%swap3A_595, %swap3A_596, %swap3A_597], %get3A_590 {strides = array<i32>} : memref<4x2x2048xf32, #tpu.memory_space<vmem>>, vector<16xf32>,
          %add3A_599 = arith.addi %squeeze3A_299, %mul3A_553 : i32
          %add3A_600 = arith.constant 48 : i32
          %add3A_601 = arith.addi %add3A_599, %add3A_600 : i32
          %get3A_602 = arith.constant 0 : i32
          %get3A_603 = arith.index_cast %get3A_602 : i32 to index
          %get3A_604 = arith.index_cast %add3A_601 : i32 to index
          %get3A_605 = tpu.vector_load %arg26[%get3A_603, %get3A_604] {strides = array<i32>} : memref<1x4096xf32, #tpu.memory_space<vmem>>, vector<16xf32>,
          %add3A_606 = arith.constant 48 : i32
          %add3A_607 = arith.addi %mul3A_553, %add3A_606 : i32
          %swap3A_608 = arith.constant 3 : i32
          %swap3A_609 = arith.constant 1 : i32
          %swap3A_610 = arith.index_cast %swap3A_608 : i32 to index
          %swap3A_611 = arith.index_cast %swap3A_609 : i32 to index
          %swap3A_612 = arith.index_cast %add3A_607 : i32 to index
          %swap3A_613 = tpu.vector_load %arg18[%swap3A_610, %swap3A_611, %swap3A_612] {strides = array<i32>} : memref<4x2x2048xf32, #tpu.memory_space<vmem>>, vector<16xf32>,
          tpu.vector_store %arg18[%swap3A_610, %swap3A_611, %swap3A_612], %get3A_605 {strides = array<i32>} : memref<4x2x2048xf32, #tpu.memory_space<vmem>>, vector<16xf32>,
        }
        %scan3A_550 = arith.constant 32 : i32
      } else {
      }
      %lt3A_535 = arith.constant 31 : i32
      %lt3A_536 = arith.cmpi slt, %add3A_411, %lt3A_535 : i32
      %convert_element_type3A_537 = arith.extui %lt3A_536 : i1 to i32
      %cond3A_538 = arith.constant 0 : i32
      %cond3A_539 = arith.cmpi ne, %convert_element_type3A_537, %cond3A_538 : i32
      scf.if %cond3A_539 {
        %add3A_546 = arith.constant 1 : i32
        %add3A_547 = arith.addi %add3A_411, %add3A_546 : i32
        %mul3A_548 = arith.constant 8 : i32
        %mul3A_549 = arith.muli %add3A_547, %mul3A_548 : i32
        %add3A_550 = arith.constant 0 : i32
        %add3A_551 = arith.addi %mul3A_549, %add3A_550 : i32
        %mul3A_552 = arith.constant 8 : i32
        %mul3A_553 = arith.muli %add3A_551, %mul3A_552 : i32
        %multiple_of3A_554 = tpu.assume_multiple %mul3A_553, 8 : i32
        %ge3A_555 = arith.constant 0 : i32
        %ge3A_556 = arith.cmpi sge, %squeeze3A_422, %ge3A_555 : i32
        %convert_element_type3A_557 = arith.extui %ge3A_556 : i1 to i32
        %cond3A_558 = arith.constant 0 : i32
        %cond3A_559 = arith.cmpi ne, %convert_element_type3A_557, %cond3A_558 : i32
        scf.if %cond3A_559 {
          %dma_start3A_644 = tpu.memref_slice %arg11[%multiple_of3A_554] : memref<2048xi32, #tpu.memory_space<vmem>> -> memref<1xi32, #tpu.memory_space<vmem>>
          %dma_start3A_645 = arith.constant 0 : i32
          %dma_start3A_646 = arith.constant 0 : i32
          %dma_start3A_647 = tpu.memref_slice %arg4[%dma_start3A_645, %dma_start3A_646] : memref<8192x4096xf32, #tpu.memory_space<hbm>> -> memref<8192x4096xf32, #tpu.memory_space<hbm>>
          tpu.enqueue_indirect_dma source(%dma_start3A_647 : memref<8192x4096xf32, #tpu.memory_space<hbm>>) target(%arg19 : memref<1x4096xf32, #tpu.memory_space<vmem>>) offsets(%dma_start3A_644 : memref<1xi32, #tpu.memory_space<vmem>>) semaphore(%arg30 : memref<!tpu.dma_semaphore, #tpu.memory_space<semaphore_mem>>)
        } else {
        }
        %mul3A_560 = arith.constant 8 : i32
        %mul3A_561 = arith.muli %add3A_547, %mul3A_560 : i32
        %add3A_562 = arith.constant 1 : i32
        %add3A_563 = arith.addi %mul3A_561, %add3A_562 : i32
        %mul3A_564 = arith.constant 8 : i32
        %mul3A_565 = arith.muli %add3A_563, %mul3A_564 : i32
        %multiple_of3A_566 = tpu.assume_multiple %mul3A_565, 8 : i32
        %ge3A_567 = arith.constant 0 : i32
        %ge3A_568 = arith.cmpi sge, %squeeze3A_424, %ge3A_567 : i32
        %convert_element_type3A_569 = arith.extui %ge3A_568 : i1 to i32
        %cond3A_570 = arith.constant 0 : i32
        %cond3A_571 = arith.cmpi ne, %convert_element_type3A_569, %cond3A_570 : i32
        scf.if %cond3A_571 {
          %dma_start3A_644 = tpu.memref_slice %arg11[%multiple_of3A_566] : memref<2048xi32, #tpu.memory_space<vmem>> -> memref<1xi32, #tpu.memory_space<vmem>>
          %dma_start3A_645 = arith.constant 0 : i32
          %dma_start3A_646 = arith.constant 0 : i32
          %dma_start3A_647 = tpu.memref_slice %arg4[%dma_start3A_645, %dma_start3A_646] : memref<8192x4096xf32, #tpu.memory_space<hbm>> -> memref<8192x4096xf32, #tpu.memory_space<hbm>>
          tpu.enqueue_indirect_dma source(%dma_start3A_647 : memref<8192x4096xf32, #tpu.memory_space<hbm>>) target(%arg20 : memref<1x4096xf32, #tpu.memory_space<vmem>>) offsets(%dma_start3A_644 : memref<1xi32, #tpu.memory_space<vmem>>) semaphore(%arg30 : memref<!tpu.dma_semaphore, #tpu.memory_space<semaphore_mem>>)
        } else {
        }
        %mul3A_572 = arith.constant 8 : i32
        %mul3A_573 = arith.muli %add3A_547, %mul3A_572 : i32
        %add3A_574 = arith.constant 2 : i32
        %add3A_575 = arith.addi %mul3A_573, %add3A_574 : i32
        %mul3A_576 = arith.constant 8 : i32
        %mul3A_577 = arith.muli %add3A_575, %mul3A_576 : i32
        %multiple_of3A_578 = tpu.assume_multiple %mul3A_577, 8 : i32
        %ge3A_579 = arith.constant 0 : i32
        %ge3A_580 = arith.cmpi sge, %squeeze3A_426, %ge3A_579 : i32
        %convert_element_type3A_581 = arith.extui %ge3A_580 : i1 to i32
        %cond3A_582 = arith.constant 0 : i32
        %cond3A_583 = arith.cmpi ne, %convert_element_type3A_581, %cond3A_582 : i32
        scf.if %cond3A_583 {
          %dma_start3A_644 = tpu.memref_slice %arg11[%multiple_of3A_578] : memref<2048xi32, #tpu.memory_space<vmem>> -> memref<1xi32, #tpu.memory_space<vmem>>
          %dma_start3A_645 = arith.constant 0 : i32
          %dma_start3A_646 = arith.constant 0 : i32
          %dma_start3A_647 = tpu.memref_slice %arg4[%dma_start3A_645, %dma_start3A_646] : memref<8192x4096xf32, #tpu.memory_space<hbm>> -> memref<8192x4096xf32, #tpu.memory_space<hbm>>
          tpu.enqueue_indirect_dma source(%dma_start3A_647 : memref<8192x4096xf32, #tpu.memory_space<hbm>>) target(%arg21 : memref<1x4096xf32, #tpu.memory_space<vmem>>) offsets(%dma_start3A_644 : memref<1xi32, #tpu.memory_space<vmem>>) semaphore(%arg30 : memref<!tpu.dma_semaphore, #tpu.memory_space<semaphore_mem>>)
        } else {
        }
        %mul3A_584 = arith.constant 8 : i32
        %mul3A_585 = arith.muli %add3A_547, %mul3A_584 : i32
        %add3A_586 = arith.constant 3 : i32
        %add3A_587 = arith.addi %mul3A_585, %add3A_586 : i32
        %mul3A_588 = arith.constant 8 : i32
        %mul3A_589 = arith.muli %add3A_587, %mul3A_588 : i32
        %multiple_of3A_590 = tpu.assume_multiple %mul3A_589, 8 : i32
        %ge3A_591 = arith.constant 0 : i32
        %ge3A_592 = arith.cmpi sge, %squeeze3A_428, %ge3A_591 : i32
        %convert_element_type3A_593 = arith.extui %ge3A_592 : i1 to i32
        %cond3A_594 = arith.constant 0 : i32
        %cond3A_595 = arith.cmpi ne, %convert_element_type3A_593, %cond3A_594 : i32
        scf.if %cond3A_595 {
          %dma_start3A_644 = tpu.memref_slice %arg11[%multiple_of3A_590] : memref<2048xi32, #tpu.memory_space<vmem>> -> memref<1xi32, #tpu.memory_space<vmem>>
          %dma_start3A_645 = arith.constant 0 : i32
          %dma_start3A_646 = arith.constant 0 : i32
          %dma_start3A_647 = tpu.memref_slice %arg4[%dma_start3A_645, %dma_start3A_646] : memref<8192x4096xf32, #tpu.memory_space<hbm>> -> memref<8192x4096xf32, #tpu.memory_space<hbm>>
          tpu.enqueue_indirect_dma source(%dma_start3A_647 : memref<8192x4096xf32, #tpu.memory_space<hbm>>) target(%arg22 : memref<1x4096xf32, #tpu.memory_space<vmem>>) offsets(%dma_start3A_644 : memref<1xi32, #tpu.memory_space<vmem>>) semaphore(%arg30 : memref<!tpu.dma_semaphore, #tpu.memory_space<semaphore_mem>>)
        } else {
        }
        %mul3A_596 = arith.constant 8 : i32
        %mul3A_597 = arith.muli %add3A_547, %mul3A_596 : i32
        %add3A_598 = arith.constant 4 : i32
        %add3A_599 = arith.addi %mul3A_597, %add3A_598 : i32
        %mul3A_600 = arith.constant 8 : i32
        %mul3A_601 = arith.muli %add3A_599, %mul3A_600 : i32
        %multiple_of3A_602 = tpu.assume_multiple %mul3A_601, 8 : i32
        %ge3A_603 = arith.constant 0 : i32
        %ge3A_604 = arith.cmpi sge, %squeeze3A_430, %ge3A_603 : i32
        %convert_element_type3A_605 = arith.extui %ge3A_604 : i1 to i32
        %cond3A_606 = arith.constant 0 : i32
        %cond3A_607 = arith.cmpi ne, %convert_element_type3A_605, %cond3A_606 : i32
        scf.if %cond3A_607 {
          %dma_start3A_644 = tpu.memref_slice %arg11[%multiple_of3A_602] : memref<2048xi32, #tpu.memory_space<vmem>> -> memref<1xi32, #tpu.memory_space<vmem>>
          %dma_start3A_645 = arith.constant 0 : i32
          %dma_start3A_646 = arith.constant 0 : i32
          %dma_start3A_647 = tpu.memref_slice %arg5[%dma_start3A_645, %dma_start3A_646] : memref<8192x4096xf32, #tpu.memory_space<hbm>> -> memref<8192x4096xf32, #tpu.memory_space<hbm>>
          tpu.enqueue_indirect_dma source(%dma_start3A_647 : memref<8192x4096xf32, #tpu.memory_space<hbm>>) target(%arg23 : memref<1x4096xf32, #tpu.memory_space<vmem>>) offsets(%dma_start3A_644 : memref<1xi32, #tpu.memory_space<vmem>>) semaphore(%arg30 : memref<!tpu.dma_semaphore, #tpu.memory_space<semaphore_mem>>)
        } else {
        }
        %mul3A_608 = arith.constant 8 : i32
        %mul3A_609 = arith.muli %add3A_547, %mul3A_608 : i32
        %add3A_610 = arith.constant 5 : i32
        %add3A_611 = arith.addi %mul3A_609, %add3A_610 : i32
        %mul3A_612 = arith.constant 8 : i32
        %mul3A_613 = arith.muli %add3A_611, %mul3A_612 : i32
        %multiple_of3A_614 = tpu.assume_multiple %mul3A_613, 8 : i32
        %ge3A_615 = arith.constant 0 : i32
        %ge3A_616 = arith.cmpi sge, %squeeze3A_432, %ge3A_615 : i32
        %convert_element_type3A_617 = arith.extui %ge3A_616 : i1 to i32
        %cond3A_618 = arith.constant 0 : i32
        %cond3A_619 = arith.cmpi ne, %convert_element_type3A_617, %cond3A_618 : i32
        scf.if %cond3A_619 {
          %dma_start3A_644 = tpu.memref_slice %arg11[%multiple_of3A_614] : memref<2048xi32, #tpu.memory_space<vmem>> -> memref<1xi32, #tpu.memory_space<vmem>>
          %dma_start3A_645 = arith.constant 0 : i32
          %dma_start3A_646 = arith.constant 0 : i32
          %dma_start3A_647 = tpu.memref_slice %arg5[%dma_start3A_645, %dma_start3A_646] : memref<8192x4096xf32, #tpu.memory_space<hbm>> -> memref<8192x4096xf32, #tpu.memory_space<hbm>>
          tpu.enqueue_indirect_dma source(%dma_start3A_647 : memref<8192x4096xf32, #tpu.memory_space<hbm>>) target(%arg24 : memref<1x4096xf32, #tpu.memory_space<vmem>>) offsets(%dma_start3A_644 : memref<1xi32, #tpu.memory_space<vmem>>) semaphore(%arg30 : memref<!tpu.dma_semaphore, #tpu.memory_space<semaphore_mem>>)
        } else {
        }
        %mul3A_620 = arith.constant 8 : i32
        %mul3A_621 = arith.muli %add3A_547, %mul3A_620 : i32
        %add3A_622 = arith.constant 6 : i32
        %add3A_623 = arith.addi %mul3A_621, %add3A_622 : i32
        %mul3A_624 = arith.constant 8 : i32
        %mul3A_625 = arith.muli %add3A_623, %mul3A_624 : i32
        %multiple_of3A_626 = tpu.assume_multiple %mul3A_625, 8 : i32
        %ge3A_627 = arith.constant 0 : i32
        %ge3A_628 = arith.cmpi sge, %squeeze3A_434, %ge3A_627 : i32
        %convert_element_type3A_629 = arith.extui %ge3A_628 : i1 to i32
        %cond3A_630 = arith.constant 0 : i32
        %cond3A_631 = arith.cmpi ne, %convert_element_type3A_629, %cond3A_630 : i32
        scf.if %cond3A_631 {
          %dma_start3A_644 = tpu.memref_slice %arg11[%multiple_of3A_626] : memref<2048xi32, #tpu.memory_space<vmem>> -> memref<1xi32, #tpu.memory_space<vmem>>
          %dma_start3A_645 = arith.constant 0 : i32
          %dma_start3A_646 = arith.constant 0 : i32
          %dma_start3A_647 = tpu.memref_slice %arg5[%dma_start3A_645, %dma_start3A_646] : memref<8192x4096xf32, #tpu.memory_space<hbm>> -> memref<8192x4096xf32, #tpu.memory_space<hbm>>
          tpu.enqueue_indirect_dma source(%dma_start3A_647 : memref<8192x4096xf32, #tpu.memory_space<hbm>>) target(%arg25 : memref<1x4096xf32, #tpu.memory_space<vmem>>) offsets(%dma_start3A_644 : memref<1xi32, #tpu.memory_space<vmem>>) semaphore(%arg30 : memref<!tpu.dma_semaphore, #tpu.memory_space<semaphore_mem>>)
        } else {
        }
        %mul3A_632 = arith.constant 8 : i32
        %mul3A_633 = arith.muli %add3A_547, %mul3A_632 : i32
        %add3A_634 = arith.constant 7 : i32
        %add3A_635 = arith.addi %mul3A_633, %add3A_634 : i32
        %mul3A_636 = arith.constant 8 : i32
        %mul3A_637 = arith.muli %add3A_635, %mul3A_636 : i32
        %multiple_of3A_638 = tpu.assume_multiple %mul3A_637, 8 : i32
        %ge3A_639 = arith.constant 0 : i32
        %ge3A_640 = arith.cmpi sge, %squeeze3A_436, %ge3A_639 : i32
        %convert_element_type3A_641 = arith.extui %ge3A_640 : i1 to i32
        %cond3A_642 = arith.constant 0 : i32
        %cond3A_643 = arith.cmpi ne, %convert_element_type3A_641, %cond3A_642 : i32
        scf.if %cond3A_643 {
          %dma_start3A_644 = tpu.memref_slice %arg11[%multiple_of3A_638] : memref<2048xi32, #tpu.memory_space<vmem>> -> memref<1xi32, #tpu.memory_space<vmem>>
          %dma_start3A_645 = arith.constant 0 : i32
          %dma_start3A_646 = arith.constant 0 : i32
          %dma_start3A_647 = tpu.memref_slice %arg5[%dma_start3A_645, %dma_start3A_646] : memref<8192x4096xf32, #tpu.memory_space<hbm>> -> memref<8192x4096xf32, #tpu.memory_space<hbm>>
          tpu.enqueue_indirect_dma source(%dma_start3A_647 : memref<8192x4096xf32, #tpu.memory_space<hbm>>) target(%arg26 : memref<1x4096xf32, #tpu.memory_space<vmem>>) offsets(%dma_start3A_644 : memref<1xi32, #tpu.memory_space<vmem>>) semaphore(%arg30 : memref<!tpu.dma_semaphore, #tpu.memory_space<semaphore_mem>>)
        } else {
        }
      } else {
      }
      %dma_start3A_540 = arith.constant 0 : i32
      %dma_start3A_541 = arith.constant 0 : i32
      %dma_start3A_542 = tpu.memref_slice %arg9[%squeeze3A_301, %dma_start3A_540, %dma_start3A_541] : memref<4096x2x2048xf32, #tpu.memory_space<hbm>> -> memref<4x2x2048xf32, #tpu.memory_space<hbm>>
      %dma_start3A_543 = arith.constant 0 : i32
      %dma_start3A_544 = arith.constant 0 : i32
      %dma_start3A_545 = tpu.memref_slice %arg9[%squeeze3A_301, %dma_start3A_543, %dma_start3A_544] : memref<4096x2x2048xf32, #tpu.memory_space<hbm>> -> memref<4x2x2048xf32, #tpu.memory_space<hbm>>
      tpu.enqueue_dma source(%arg18 : memref<4x2x2048xf32, #tpu.memory_space<vmem>>) target(%dma_start3A_545 : memref<4x2x2048xf32, #tpu.memory_space<hbm>>) target_semaphore(%arg29 : memref<!tpu.dma_semaphore, #tpu.memory_space<semaphore_mem>>)
      scf.yield %squeeze3A_422, %squeeze3A_424, %squeeze3A_426, %squeeze3A_428, %squeeze3A_430, %squeeze3A_432, %squeeze3A_434, %squeeze3A_436, %squeeze3A_438 : i32, i32, i32, i32, i32, i32, i32, i32, i32
    }
    %scan3A_255 = arith.constant 16 : i32
    %dma_wait3A_256 = arith.constant 0 : i32
    %dma_wait3A_257 = arith.constant 0 : i32
    %dma_wait3A_258 = tpu.memref_slice %arg9[%multiple_of3A, %dma_wait3A_256, %dma_wait3A_257] : memref<4096x2x2048xf32, #tpu.memory_space<hbm>> -> memref<4x2x2048xf32, #tpu.memory_space<hbm>>
    %dma_wait3A_259 = arith.constant 0 : i32
    %dma_wait3A_260 = arith.constant 0 : i32
    %dma_wait3A_261 = tpu.memref_slice %arg9[%multiple_of3A, %dma_wait3A_259, %dma_wait3A_260] : memref<4096x2x2048xf32, #tpu.memory_space<hbm>> -> memref<4x2x2048xf32, #tpu.memory_space<hbm>>
    tpu.wait_dma2 semaphore(%arg29 : memref<!tpu.dma_semaphore, #tpu.memory_space<semaphore_mem>>) src(%arg18 : memref<4x2x2048xf32, #tpu.memory_space<vmem>>) dst(%dma_wait3A_261 : memref<4x2x2048xf32, #tpu.memory_space<hbm>>)
    %dma_wait3A_262 = tpu.memref_slice %arg10[%multiple_of3A] : memref<4096xf32, #tpu.memory_space<hbm>> -> memref<128xf32, #tpu.memory_space<hbm>>
    %dma_wait3A_263 = tpu.memref_slice %arg10[%multiple_of3A] : memref<4096xf32, #tpu.memory_space<hbm>> -> memref<128xf32, #tpu.memory_space<hbm>>
    tpu.wait_dma2 semaphore(%arg27 : memref<!tpu.dma_semaphore, #tpu.memory_space<semaphore_mem>>) src(%arg16 : memref<128xf32, #tpu.memory_space<vmem>>) dst(%dma_wait3A_263 : memref<128xf32, #tpu.memory_space<hbm>>)
    return
  }
}

</mosaic_0001>

<sc_bundles>
// kernel: kernel.3.cloned.1.call-start
scs
__scs_entry_jumppad:
0x0: {  	(pc) =	sbr.rel $0x88, $3  }
0x1: {  	(tag) =	ssettag $0x0;
	lr =	simm.s32 $0x1  }
0x2: {  	[smem:$0x3F9D] =	sst lr;
	_ =	strace $0xD0000000  }
0x3: {  	_ = 	snop  }
0x4: {  	_ = 	snop  }
0x5: {  	_ = 	snop  }
0x6: {  	_ = 	snop  }
0x7: {  	_ = 	snop  }
__scs_overlays_trampoline_lowered:
0x8: {  	[smem:$0x3FAC] =	sst s0  }
0x9: {  	[smem:$0x3FAD] =	sst s1  }
0xa: {  	[smem:$0x3FAE] =	sst s2  }
0xb: {  	[smem:$0x3FAF] =	sst s3  }
0xc: {  	[smem:$0x3FB0] =	sst s4  }
0xd: {  	[smem:$0x3FB1] =	sst s5  }
0xe: {  	[smem:$0x3FB2] =	sst s6  }
0xf: {  	[smem:$0x3FB3] =	sst s7  }
0x10: {  	[smem:$0x3FB4] =	sst s8  }
0x11: {  	[smem:$0x3FB5] =	sst s9;
	s0 =	simm.s32 @!p0 $0x0  }
0x12: {  	s1 =	sld [smem:$0x3F9B];
	s0 =	simm.s32 @p0 $0x1  }
0x13: {  	[smem:$0x3FB6] =	sst s0;
	s0 =	simm.s32 @!p1 $0x0  }
0x14: {  	s2 =	sld [smem:$0x3F9A];
	s0 =	simm.s32 @p1 $0x1  }
0x15: {  	[smem:$0x3FB7] =	sst s0;
	s0 =	simm.s32 @!p2 $0x0  }
0x16: {  	s3 =	sld [smem:$0x3FDB];
	s0 =	simm.s32 @p2 $0x1  }
0x17: {  	s4 =	simm.s32 $0x1BF5;
	[smem:$0x3FB9] =	sst s0  }
0x18: {  	s0 =	sld [smem:$0x3F9C];
	_ =	swait.ge [sflag:s4], $0x0  }
0x19: {  	s7 =	sld [smem:$0x3F9D]  }
0x1a: {  	s8 =	sadd.s32 $0xFFFFE003, lr  }
0x1b: {  	s9 =	sadd.s32 $0xFFFFFEF7, lr;
	s5 =	simm.s32 $0xFFFFFFFF;
	p2 =	slt.u32 s8, $0xFFFFF086  }
0x1c: {  	p1 =	slt.u32 s9, $0xF7A;
	s5 =	simm.s32 @!p2 $0x0  }
0x1d: {  	s5 =	simm.s32 @p1 $0x1;
	p0 =	seq.s32 s7, s2  }
0x1e: {  	s7 =	smul.u32 @!p0 $0xF7A, s2;
	p2 =	seq.s32 @!p0 s5, $0x0  }
0x1f: {  	s9 =	smul.u32 $0xF7A, s1;
	s8 =	simm.s32 @!p0 $0x1BF5;
	p2 =	por !p2, p0  }
0x20: {  	[sflag:s8] =	ssyncset.s32 @!p0 $0xFFFFF086;
	s6 =	sadd.s32 @!p0 s3, s7;
	s7 =	simm.s32 @!p0 $0x108  }
0x21: {  	s3 =	sadd.s32 s3, s9;
	s6 =	sadd.s32 @!p0 $0x88, s6;
	s7 =	simm.s32 @p2 $0x1082  }
0x22: {  	[simem:s7], [sflag:s8] =	dma.local @!p0 [hbm:s6], $0xF7A  }
0x23: {  	s9 =	sor.u32 $0xD0000000, s2;
	s6 =	simm.s32 $0x108;
	_ =	swait.ge @!p0 [sflag:s8], $0x0  }
0x24: {  	s3 =	sadd.s32 $0x88, s3;
	s6 =	simm.s32 @!p1 $0x1082;
	[sflag:s4] =	ssyncset.s32 $0xFFFFF086  }
0x25: {  	[simem:s6], [sflag:s4] =	dma.local [hbm:s3], $0xF7A  }
0x26: {  	[smem:$0x3F9D] =	sst s1;
	(tag) =	ssettag s2;
	_ =	strace s9  }
0x27: {  	s1 =	sld [smem:$0x3FAD]  }
0x28: {  	s2 =	sld [smem:$0x3FAE]  }
0x29: {  	s4 =	sld [smem:$0x3FB0]  }
0x2a: {  	p0 =	seq.s32 s5, $0x0;
	s5 =	sld [smem:$0x3FB1]  }
0x2b: {  	s6 =	sld [smem:$0x3FB2]  }
0x2c: {  	s7 =	sld [smem:$0x3FB3]  }
0x2d: {  	s3 =	simm.s32 $0x108;
	s8 =	sld [smem:$0x3FB4]  }
0x2e: {  	s3 =	simm.s32 @!p0 $0x1082;
	s9 =	sld [smem:$0x3FB5]  }
0x2f: {  	lr =	sadd.s32 s0, s3;
	s0 =	sld [smem:$0x3FAC]  }
0x30: {  	s3 =	sld [smem:$0x3FAF]  }
0x31: {  	[smem:$0x3FB8] =	sst s10  }
0x32: {  	s10 =	sld [smem:$0x3FB6];
	_ =	sdelay $0x3  }
0x33: {  	p0 =	seq.s32 s10, $0x1;
	s10 =	sld [smem:$0x3FB8];
	_ =	sdelay $0x3  }
0x34: {  	[smem:$0x3FB8] =	sst s10  }
0x35: {  	s10 =	sld [smem:$0x3FB7];
	_ =	sdelay $0x3  }
0x36: {  	p1 =	seq.s32 s10, $0x1;
	s10 =	sld [smem:$0x3FB8];
	_ =	sdelay $0x3  }
0x37: {  	[smem:$0x3FB8] =	sst s10  }
0x38: {  	s10 =	sld [smem:$0x3FB9]  }
0x39: {  	_ = 	snop;
	(pc) =	sbr.ind lr, $3  }
0x3a: {  	_ = 	snop  }
0x3b: {  	_ = 	snop  }
0x3c: {  	p2 =	seq.s32 s10, $0x1;
	s10 =	sld [smem:$0x3FB8]  }
0x3d: {  	_ =	shalt  }
0x3e: {  	_ =	shalt  }
0x3f: {  	_ =	shalt  }
0x40: {  	_ =	shalt  }
0x41: {  	_ =	shalt  }
0x42: {  	_ =	shalt  }
0x43: {  	_ =	shalt  }
0x44: {  	_ =	shalt  }
0x45: {  	_ =	shalt  }
0x46: {  	_ =	shalt  }
0x47: {  	_ =	shalt  }
0x48: {  	_ =	shalt  }
0x49: {  	_ =	shalt  }
0x4a: {  	_ =	shalt  }
0x4b: {  	_ =	shalt  }
0x4c: {  	_ =	shalt  }
0x4d: {  	_ =	shalt  }
0x4e: {  	_ =	shalt  }
0x4f: {  	_ =	shalt  }
0x50: {  	_ =	shalt  }
0x51: {  	_ =	shalt  }
0x52: {  	_ =	shalt  }
0x53: {  	_ =	shalt  }
0x54: {  	_ =	shalt  }
0x55: {  	_ =	shalt  }
0x56: {  	_ =	shalt  }
0x57: {  	_ =	shalt  }
0x58: {  	_ =	shalt  }
0x59: {  	_ =	shalt  }
0x5a: {  	_ =	shalt  }
0x5b: {  	_ =	shalt  }
0x5c: {  	_ =	shalt  }
0x5d: {  	_ =	shalt  }
0x5e: {  	_ =	shalt  }
0x5f: {  	_ =	shalt  }
0x60: {  	_ =	shalt  }
0x61: {  	_ =	shalt  }
0x62: {  	_ =	shalt  }
0x63: {  	_ =	shalt  }
0x64: {  	_ =	shalt  }
0x65: {  	_ =	shalt  }
0x66: {  	_ =	shalt  }
0x67: {  	_ =	shalt  }
0x68: {  	_ =	shalt  }
0x69: {  	_ =	shalt  }
0x6a: {  	_ =	shalt  }
0x6b: {  	_ =	shalt  }
0x6c: {  	_ =	shalt  }
0x6d: {  	_ =	shalt  }
0x6e: {  	_ =	shalt  }
0x6f: {  	_ =	shalt  }
0x70: {  	_ =	shalt  }
0x71: {  	_ =	shalt  }
0x72: {  	_ =	shalt  }
0x73: {  	_ =	shalt  }
0x74: {  	_ =	shalt  }
0x75: {  	_ =	shalt  }
0x76: {  	_ =	shalt  }
0x77: {  	_ =	shalt  }
0x78: {  	_ =	shalt  }
0x79: {  	_ =	shalt  }
0x7a: {  	_ =	shalt  }
0x7b: {  	_ =	shalt  }
0x7c: {  	_ =	shalt  }
0x7d: {  	_ =	shalt  }
0x7e: {  	_ =	shalt  }
0x7f: {  	_ =	shalt  }
0x80: {  	_ =	shalt  }
0x81: {  	_ =	shalt  }
0x82: {  	_ =	shalt  }
0x83: {  	_ =	shalt  }
0x84: {  	_ =	shalt  }
0x85: {  	_ =	shalt  }
0x86: {  	_ =	shalt  }
0x87: {  	_ =	shalt  }
.Lfunc_end0:
.L_simem_size_0:
called_computation_lowered:
.L_overlay_start_0:
0x88: {  	s2 =	sld [smem:$0x3FD9]  }
0x89: {  	s3 =	sld [smem:$0x3FFE];
	_ =	sdelay $0x1  }
0x8a: {  	s1 =	srdreg.scid  }
0x8b: {  	s0 =	sand.u32 $0x1, s1  }
0x8c: {  	s14 =	sshll.u32 s0, $0xA;
	s2 =	sadd.s32 s3, s2  }
0x8d: {  	s2 =	sadd.s32 s2, s14  }
0x8e: {  	[smem:$0x3FC4] =	sst s2  }
0x8f: {  	_ = 	snop  }
0x90: {  	s2 =	sld [smem:$0x3FC9]  }
0x91: {  	s15 =	sld [smem:$0x3FD0]  }
0x92: {  	s4 =	sld [smem:$0x3FC8]  }
0x93: {  	s5 =	sld [smem:$0x3FC7]  }
0x94: {  	s7 =	simm.s32 $0xA;
	s8 =	simm.s32 $0x10;
	s6 =	sld [smem:$0x3FC6]  }
0x95: {  	[smem:s8], [sflag:s7] =	dma.local [hbm:s15], $0x1  }
0x96: {  	_ =	swait.eq [sflag:s7], $0x1  }
0x97: {  	[sflag:s7] =	ssyncset.done $0x0  }
0x98: {  	s16 =	sld [smem:$0x10];
	[sflag:s7] =	ssyncadd.s32 $0xFFFFFFFF  }
0x99: {  	s17 =	sld [smem:$0x11];
	(tm) =	ssettm $0x1  }
0x9a: {  	s18 =	sld [smem:$0x3FFB];
	_ =	sdelay $0x3  }
0x9b: {  	_ =	strace s18  }
0x9c: {  	s8 =	sld [smem:$0x3FFC];
	_ =	sdelay $0x3  }
0x9d: {  	_ =	strace s8  }
0x9e: {  	s8 =	sld [smem:$0x3FFD];
	_ =	sdelay $0x3  }
0x9f: {  	_ =	strace s8  }
0xa0: {  	_ =	strace $0x8FFFFFFF  }
0xa1: {  	s19 =	sld [smem:$0x3FDB];
	_ =	sdelay $0x1  }
0xa2: {  	s9 =	simm.s32 $_scs_section_size  }
0xa3: {  	s10 =	simm.s32 $_size__tile_overlayer_lowered;
	s11 =	simm.s32 $_tile_overlayer_lowered  }
0xa4: {  	s22 =	simm.s32 $0x1BFF;
	s21 =	sshll.u32 s11, $0x1;
	s8 =	sadd.s32 s9, s19  }
0xa5: {  	s12 =	simm.s32 $0x0;
	s20 =	sshll.u32 s10, $0x1;
	s10 =	sadd.s32 s21, s8  }
0xa6: {  	[timem:s12], [sflag:s22] =	dma.local [hbm:s10], s20  }
0xa7: {  	_ =	swait.ge [sflag:s22], s20  }
0xa8: {  	s9 =	ssub.s32 $0x0, s20;
	[sflag:s22] =	ssyncset.done $0x0  }
0xa9: {  	[sflag:s22] =	ssyncadd.s32 s9;
	_ =	sdelay $0x1  }
0xaa: {  	s23 =	simm.s32 $0x1B8B  }
0xab: {  	_ =	swait.ge [sflag:s23], $0x1  }
0xac: {  	[sflag:s23] =	ssyncset.done $0x0  }
0xad: {  	s25 =	simm.s32 $0x1B8E;
	s24 =	sld [smem:$0x3FFE];
	[sflag:s23] =	ssyncadd.s32 $0xFFFFFFFF  }
0xae: {  	s26 =	simm.s32 $execute0_lowered;
	[smem:$0x3FD2] =	sst s25  }
0xaf: {  	s10 =	sshll.u32 s26, $0x1;
	_ =	strace $0x80000046;
	[dreg:$0x1] =	wrdreg $0xFFFFFFFF  }
0xb0: {  	s28 =	simm.s32 $_size_execute0_lowered;
	s8 =	sadd.s32 s8, s10;
	[dreg:$0x0] =	wrdreg $0x0  }
0xb1: {  	s10 =	sshll.u32 s28, $0x1;
	[dreg:$0x2] =	wrdreg s8  }
0xb2: {  	[dreg:$0x3] =	wrdreg s10  }
0xb3: {  	[dreg:$0x4] =	wrdreg $0xC0  }
0xb4: {  	_ =	task [dreg:s12], $0x5FFFF  }
0xb5: {  	[dreg:$0x1] =	wrdreg $0xFFFFFFFF  }
0xb6: {  	[dreg:$0x0] =	wrdreg $0x60  }
0xb7: {  	[dreg:$0x2] =	wrdreg s2  }
0xb8: {  	[dreg:$0x3] =	wrdreg s4  }
0xb9: {  	[dreg:$0x4] =	wrdreg s5  }
0xba: {  	[dreg:$0x5] =	wrdreg s6  }
0xbb: {  	[dreg:$0x6] =	wrdreg s24  }
0xbc: {  	[dreg:$0x7] =	wrdreg s16  }
0xbd: {  	[dreg:$0x8] =	wrdreg s17  }
0xbe: {  	[dreg:$0x9] =	wrdreg $0x9  }
0xbf: {  	_ =	task.clear_ibuf [dreg:s12], $0xAFFFF;
	_ =	strace $0x90000046  }
0xc0: {  	s29 =	simm.s32 $0x9;
	_ =	strace $0x80000048  }
0xc1: {  	_ =	swait.ge [sflag:s29], $0x1  }
0xc2: {  	[sflag:s29] =	ssyncadd.s32 $0xFFFFFFFF  }
0xc3: {  	_ =	strace $0x90000048  }
0xc4: {  	_ =	sfence  }
0xc5: {  	s30 =	sld [smem:$0x0];
	_ =	sdelay $0x2  }
0xc6: {  	s31 =	sshll.u32 s1, $0xD;
	s1 =	sshrl.u32 s1, $0x2  }
0xc7: {  	s3 =	sand.u32 $0x4000, s31;
	s1 =	sadd.s32 s1, s30  }
0xc8: {  	s0 =	sor.u32 s3, s0;
	s1 =	sshll.u32 s1, $0x11  }
0xc9: {  	s0 =	sor.u32 s1, s0  }
0xca: {  	s0 =	sadd.s32 $0x8F2B, s0  }
0xcb: {  	[sflag:s0] =	ssyncadd.remote.s32 $0x1  }
0xcc: {  	_ =	sfence.sel $0xFFFF  }
0xcd: {  	[dreg:$0x0] =	wrdreg $0xFFFFFFFF;
	(pc) =	sbr.abs _section_cstart, $3  }
0xce: {  	[dreg:$0x1] =	wrdreg $0xFFFFFFFF  }
0xcf: {  	_ =	task.clear_ibuf [dreg:s12], $0x2FFFF;
	_ =	strace $0x9FFFFFFF  }
0xd0: {  	(tm) =	ssettm $0x7FFFFFFF  }
0xd1: {  	_ =	shalt  }
tec
execute0_lowered:
.L_overlay_start_1:
0x0: {  	(tag) =	ssettag $0x1  }
0x1: {  	s0 =	rddreg [dreg:$0x1]  }
0x2: {  	s1 =	rddreg [dreg:$0x2]  }
0x3: {  	s3 =	rddreg [dreg:$0x3]  }
0x4: {  	s2 =	rddreg [dreg:$0x4];
	s4 =	srdreg.scid  }
0x5: {  	s6 =	stileid.u32;
	s5 =	rddreg [dreg:$0x6]  }
0x6: {  	s24 =	simm.s32 $0x2;
	s4 =	sand.u32 $0x1, s4;
	s7 =	sshll.u32 s6, $0x1  }
0x7: {  	s6 =	simm.s32 $0x0;
	s13 =	sadd.s32 $0x800, s1;
	s14 =	sadd.s32 $0x800, s3  }
0x8: {  	s7 =	sor.u32 s4, s7;
	[smem:$0x7FF] =	sst s6;
	s4 =	ssub.s32 $0x2, s4  }
0x9: {  	s8 =	sshll.u32 s7, $0x4;
	_ =	strace $0x80000047;
	s10 =	sshll.u32 s7, $0x8  }
0xa: {  	s7 =	sshll.u32 s7, $0x6;
	s9 =	sadd.s32 s8, s2;
	s0 =	sadd.s32 s0, s8  }
0xb: {  	s10 =	sadd.s32 s10, s2;
	s30 =	sadd.s32 s5, s8;
	[dreg:$0xc] =	wrdreg s0  }
0xc: {  	s2 =	sadd.s32 s7, s2;
	s26 =	sadd.s32 $0xE00, s10;
	[dreg:$0xd] =	wrdreg s30  }
.Ltmp0:
0xd: {  	s2 =	sadd.s32 $0x600, s2;
	[dreg:$0x8] =	wrdreg s26;
	(pc) =	sbr.rel .LBB2_1-.Ltmp0, $4  }
0xe: {  	s25 =	sshrl.u32 s4, $0x1;
	s28 =	sadd.s32 $0x2E00, s9;
	[dreg:$0x9] =	wrdreg s2  }
0xf: {  	s4 =	ssub.s32 s4, s25;
	s29 =	sadd.s32 $0x3000, s9;
	[dreg:$0xa] =	wrdreg s28  }
0x10: {  	s25 =	simm.s32 $0x4C00;
	s31 =	smax.u32 s4, $0x1;
	[dreg:$0xb] =	wrdreg s29  }
0x11: {  	s4 =	simm.s32 $0x1;
	[dreg:$0xe] =	wrdreg s31;
	s2 =	simm.s32 $0x0  }
.LBB2_69:
0x12: {  	s0 =	simm.s32 $0x3  }
0x13: {  	_ =	swait.ge [sflag:s0], $0x4000  }
0x14: {  	[sflag:s0] =	ssyncset.done $0x0  }
0x15: {  	s4 =	simm.s32 $0x1;
	[sflag:s0] =	ssyncadd.s32 $0xFFFFC000  }
0x16: {  	_ =	swait.ge [sflag:s4], $0x80  }
0x17: {  	s2 =	rddreg [dreg:$0xf]  }
0x18: {  	s31 =	rddreg [dreg:$0xe];
	s2 =	sadd.s32 $0x1, s2  }
0x19: {  	p0 =	sne.s32 s2, s31  }
.Ltmp1:
0x1a: {  	_ = 	snop;
	(pc) =	sbr.rel @!p0 .LBB2_70-.Ltmp1, $3  }
0x1b: {  	_ =	sdelay $0x1  }
0x1c: {  	[sflag:s4] =	ssyncset.done $0x0  }
0x1d: {  	[sflag:s4] =	ssyncadd.s32 $0xFFFFFF80  }
.LBB2_1:
0x1e: {  	[dreg:$0xf] =	wrdreg s2  }
0x1f: {  	s0 =	rddreg [dreg:$0x8]  }
0x20: {  	[tilespmem:s6], [sflag:$0x1] =	stream.linear.gather [hbm4b:s0+s6], $0x800, $0x38;
	[tilespmem:$0x10C00] =	vst v63  }
0x21: {  	s11 =	rddreg [dreg:$0x9];
	s12 =	simm.s32 $0x800  }
0x22: {  	[tilespmem:s12], [sflag:$0x1] =	stream.linear.gather [hbm4b:s11+s6], $0x200, $0x38;
	[tilespmem:$0x10C00] =	vst v63  }
0x23: {  	s15 =	rddreg [dreg:$0xa];
	s16 =	simm.s32 $0xA00  }
0x24: {  	[tilespmem:s16], [sflag:$0x1] =	stream.linear.gather [hbm4b:s15+s6], $0x80, $0x38;
	[tilespmem:$0x10C00] =	vst v63  }
0x25: {  	s17 =	rddreg [dreg:$0xb];
	s18 =	simm.s32 $0xA80  }
0x26: {  	[tilespmem:s18], [sflag:$0x1] =	stream.linear.gather [hbm4b:s17+s6], $0x80, $0x38;
	[tilespmem:$0x10C00] =	vst v63  }
0x27: {  	s19 =	rddreg [dreg:$0xc];
	s20 =	simm.s32 $0xB00  }
0x28: {  	[tilespmem:s20], [sflag:$0x1] =	stream.linear.gather [hbm4b:s19+s6], $0x80, $0x38;
	[tilespmem:$0x10C00] =	vst v63  }
0x29: {  	_ =	swait.ge [sflag:s4], $0x200  }
0x2a: {  	[sflag:s4] =	ssyncset.done $0x0  }
0x2b: {  	[sflag:s4] =	ssyncadd.s32 $0xFFFFFE00  }
0x2c: {  	_ =	swait.ge [sflag:s4], $0x800  }
0x2d: {  	[sflag:s4] =	ssyncset.done $0x0  }
0x2e: {  	[sflag:s4] =	ssyncadd.s32 $0xFFFFF800  }
0x2f: {  	_ =	swait.ge [sflag:s4], $0x80  }
0x30: {  	[sflag:s4] =	ssyncset.done $0x0  }
0x31: {  	[sflag:s4] =	ssyncadd.s32 $0xFFFFFF80  }
0x32: {  	_ =	swait.ge [sflag:s4], $0x80  }
0x33: {  	[sflag:s4] =	ssyncset.done $0x0  }
0x34: {  	[sflag:s4] =	ssyncadd.s32 $0xFFFFFF80  }
0x35: {  	_ =	swait.ge [sflag:s4], $0x80  }
0x36: {  	[sflag:s4] =	ssyncset.done $0x0  }
0x37: {  	[sflag:s4] =	ssyncadd.s32 $0xFFFFFF80  }
0x38: {  	v0 =	vld [tilespmem:$0xA00]  }
0x39: {  	v1 =	vld [tilespmem:$0xA80]  }
0x3a: {  	v3 =	vld [tilespmem:$0xA10]  }
0x3b: {  	v4 =	vld [tilespmem:$0xA90]  }
0x3c: {  	v6 =	vld [tilespmem:$0xA20]  }
0x3d: {  	v7 =	vld [tilespmem:$0xAA0]  }
0x3e: {  	v9 =	vld [tilespmem:$0xA30]  }
0x3f: {  	v10 =	vld [tilespmem:$0xAB0]  }
0x40: {  	v12 =	vld [tilespmem:$0xA40]  }
0x41: {  	v13 =	vld [tilespmem:$0xAC0]  }
0x42: {  	v36 =	vld [tilespmem:$0xA50]  }
0x43: {  	v38 =	vld [tilespmem:$0xAD0];
	v0 =	vcvt.s32.f32 v0  }
0x44: {  	v42 =	vld [tilespmem:$0xA60];
	v3 =	vcvt.s32.f32 v3;
	v1 =	vcvt.s32.f32 v1  }
0x45: {  	v44 =	vld [tilespmem:$0xA70];
	v4 =	vcvt.s32.f32 v4;
	v35 =	vcvt.s32.f32 v6  }
0x46: {  	v47 =	vld [tilespmem:$0xAF0];
	v37 =	vcvt.s32.f32 v9;
	v39 =	vcvt.s32.f32 v7  }
0x47: {  	v2 =	vld [tilespmem:$0xB00];
	v41 =	vcvt.s32.f32 v10;
	v43 =	vcvt.s32.f32 v12  }
0x48: {  	v5 =	vld [tilespmem:$0xB10];
	v6 =	vcvt.s32.f32 v36;
	v13 =	vcvt.s32.f32 v13  }
0x49: {  	v8 =	vld [tilespmem:$0xB20];
	v10 =	vcvt.s32.f32 v42;
	v51 =	vcvt.s32.f32 v38  }
0x4a: {  	v50 =	vld [tilespmem:$0xB70];
	v52 =	vcvt.s32.f32 v44;
	v0 =	vadd.f32 v0, v0;
	v3 =	vadd.f32 v3, v3  }
0x4b: {  	v11 =	vld [tilespmem:$0xB30];
	v55 =	vcvt.s32.f32 v47;
	v46 =	vadd.f32 v43, v43;
	v48 =	vadd.f32 v6, v6  }
0x4c: {  	v14 =	vld [tilespmem:$0xB40];
	v1 =	vmul.f32 $4.000000000e+00, v1;
	v10 =	vadd.f32 v10, v10;
	v56 =	vadd.f32 v52, v52  }
0x4d: {  	v45 =	vld [tilespmem:$0xAE0];
	v4 =	vmul.f32 $4.000000000e+00, v4;
	v0 =	vsub.f32 v2, v0;
	v3 =	vsub.f32 v5, v3  }
0x4e: {  	v40 =	vld [tilespmem:$0xB50];
	v53 =	vmul.f32 $4.000000000e+00, v13;
	v2 =	vadd.f32 v35, v35;
	v5 =	vadd.f32 v37, v37  }
0x4f: {  	v49 =	vld [tilespmem:$0xB60];
	v60 =	vmul.f32 $4.000000000e+00, v55;
	v59 =	vsub.f32 v50, v56;
	v0 =	vsub.f32 v0, v1  }
0x50: {  	v3 =	vsub.f32 v3, v4;
	v2 =	vsub.f32 v8, v2;
	v1 =	vmul.f32 $4.000000000e+00, v39  }
0x51: {  	v5 =	vsub.f32 v11, v5;
	v4 =	vmul.f32 $4.000000000e+00, v41;
	v62 =	vsub.f32 v59, v60;
	[tilespmem:$0xB80] =	vst v0  }
0x52: {  	v11 =	vcvt.s32.f32 v45;
	v1 =	vsub.f32 v2, v1;
	v2 =	vsub.f32 v14, v46;
	[tilespmem:$0xB90] =	vst v3  }
0x53: {  	v54 =	vmul.f32 $4.000000000e+00, v51;
	v4 =	vsub.f32 v5, v4;
	v5 =	vsub.f32 v40, v48;
	[tilespmem:$0xBF0] =	vst v62  }
0x54: {  	v57 =	vsub.f32 v49, v10;
	v58 =	vmul.f32 $4.000000000e+00, v11;
	[tilespmem:$0xBA0] =	vst v1;
	v0 =	vsub.f32 v2, v53  }
0x55: {  	[tilespmem:$0xBB0] =	vst v4;
	v3 =	vsub.f32 v5, v54  }
0x56: {  	v61 =	vsub.f32 v57, v58;
	[tilespmem:$0xBC0] =	vst v0  }
0x57: {  	[tilespmem:$0xBD0] =	vst v3  }
0x58: {  	s22 =	simm.s32 $0xB80;
	s21 =	rddreg [dreg:$0xd];
	[tilespmem:$0xBE0] =	vst v61  }
0x59: {  	[hbm4b:s21+s6] =	stream.linear.scatter [tilespmem:s22], [sflag:$0x1], $0x80, $0x38;
	[tilespmem:$0x10C00] =	vst v63  }
0x5a: {  	v63 =	vld [tilespmem:$0x800];
	_ =	sdelay $0x4  }
0x5b: {  	(v2sf) =	vpush v63, $0x0  }
0x5c: {  	(v2sf) =	vpush v63, $0x1  }
0x5d: {  	(v2sf) =	vpush v63, $0x2  }
0x5e: {  	(v2sf) =	vpush v63, $0x3  }
0x5f: {  	(v2sf) =	vpush v63, $0x4  }
0x60: {  	(v2sf) =	vpush v63, $0x5  }
0x61: {  	(v2sf) =	vpush v63, $0x6  }
0x62: {  	(v2sf) =	vpush v63, $0x7  }
0x63: {  	(v2sf) =	vpush v63, $0x8;
	_ =	sdelay $0x6  }
0x64: {  	s11 =	spop (v2sf)  }
0x65: {  	s10 =	spop (v2sf)  }
0x66: {  	s8 =	spop (v2sf)  }
0x67: {  	s21 =	spop (v2sf)  }
0x68: {  	s18 =	spop (v2sf)  }
0x69: {  	s16 =	spop (v2sf)  }
0x6a: {  	s4 =	spop (v2sf)  }
0x6b: {  	s31 =	spop (v2sf)  }
0x6c: {  	s28 =	spop (v2sf)  }
0x6d: {  	s23 =	sshll.u32 s28, $0x9  }
0x6e: {  	s26 =	rddreg [dreg:$0x0];
	s0 =	sand.u32 $0x1FFFFE00, s23  }
0x6f: {  	s30 =	simm.s32 $0xC00;
	p0 =	slt.s32 s11, $0x0;
	s0 =	sadd.s32 s26, s0  }
0x70: {  	[tilespmem:s30], [sflag:$0x2] =	stream.linear.gather [hbm4b:s0+s6], $0x4000, $0x38;
	[tilespmem:$0x10C00] =	vst v63  }
0x71: {  	v0 =	vld.msk @!p0 [tilespmem:$0x0], $0x1;
	_ =	sdelay $0x4  }
0x72: {  	v1 =	vshll.u32 @!p0 v0, $0x5  }
0x73: {  	v0 =	vand.u32 @!p0 $0x7, v0;
	v1 =	vand.u32 @!p0 $0xFFFFFF00, v1  }
0x74: {  	v2 =	vlaneseq.u32 @!p0;
	v0 =	vor.u32 @!p0 v0, v1;
	v1 =	vimm.s32 @!p0 $0x0  }
0x75: {  	v0 =	vperm.xlane @!p0 v0, v1;
	v1 =	vmul.u32 @!p0 $0x8, v2;
	_ =	sdelay $0x1  }
0x76: {  	v0 =	vadd.s32 @!p0 v1, v0;
	_ =	sdelay $0x3  }
0x77: {  	vm0 =	vmmov @!p0 $0xffff;
	s2 =	simm.s32 @!p0 $0x8C00;
	s0 =	simm.s32 @!p0 $0x0  }
0x78: {  	[tilespmem:s2], [sflag:$0x4] =	stream.indirect_vreg.gather @!p0 [hbm4b:s1+s0], $0x80, v0, vm0, $0xb8;
	[tilespmem:$0x10C00] =	vst v63  }
0x79: {  	s2 =	simm.s32 @!p0 $0x9400  }
0x7a: {  	[tilespmem:s2], [sflag:$0x4] =	stream.indirect_vreg.gather @!p0 [hbm4b:s13+s0], $0x80, v0, vm0, $0xb8;
	[tilespmem:$0x10C00] =	vst v63  }
0x7b: {  	p0 =	slt.s32 s10, $0x0  }
0x7c: {  	v0 =	vld.msk @!p0 [tilespmem:$0x8], $0x1;
	_ =	sdelay $0x4  }
0x7d: {  	v1 =	vshll.u32 @!p0 v0, $0x5  }
0x7e: {  	v0 =	vand.u32 @!p0 $0x7, v0;
	v1 =	vand.u32 @!p0 $0xFFFFFF00, v1  }
0x7f: {  	v2 =	vlaneseq.u32 @!p0;
	v0 =	vor.u32 @!p0 v0, v1;
	v1 =	vimm.s32 @!p0 $0x0  }
0x80: {  	v0 =	vperm.xlane @!p0 v0, v1;
	v1 =	vmul.u32 @!p0 $0x8, v2;
	_ =	sdelay $0x1  }
0x81: {  	v0 =	vadd.s32 @!p0 v1, v0;
	_ =	sdelay $0x3  }
0x82: {  	vm0 =	vmmov @!p0 $0xffff;
	s0 =	simm.s32 @!p0 $0x0;
	s2 =	simm.s32 @!p0 $0x9C00  }
0x83: {  	[tilespmem:s2], [sflag:$0x4] =	stream.indirect_vreg.gather @!p0 [hbm4b:s1+s0], $0x80, v0, vm0, $0xb8;
	[tilespmem:$0x10C00] =	vst v63  }
0x84: {  	s2 =	simm.s32 @!p0 $0xA400  }
0x85: {  	[tilespmem:s2], [sflag:$0x4] =	stream.indirect_vreg.gather @!p0 [hbm4b:s13+s0], $0x80, v0, vm0, $0xb8;
	[tilespmem:$0x10C00] =	vst v63  }
0x86: {  	p0 =	slt.s32 s8, $0x0  }
0x87: {  	v0 =	vld.msk @!p0 [tilespmem:$0x10], $0x1;
	_ =	sdelay $0x4  }
0x88: {  	v1 =	vshll.u32 @!p0 v0, $0x5  }
0x89: {  	v0 =	vand.u32 @!p0 $0x7, v0;
	v1 =	vand.u32 @!p0 $0xFFFFFF00, v1  }
0x8a: {  	v2 =	vlaneseq.u32 @!p0;
	v0 =	vor.u32 @!p0 v0, v1;
	v1 =	vimm.s32 @!p0 $0x0  }
0x8b: {  	v0 =	vperm.xlane @!p0 v0, v1;
	v1 =	vmul.u32 @!p0 $0x8, v2;
	_ =	sdelay $0x1  }
0x8c: {  	v0 =	vadd.s32 @!p0 v1, v0;
	_ =	sdelay $0x3  }
0x8d: {  	vm0 =	vmmov @!p0 $0xffff;
	s0 =	simm.s32 @!p0 $0x0;
	s2 =	simm.s32 @!p0 $0xAC00  }
0x8e: {  	[tilespmem:s2], [sflag:$0x4] =	stream.indirect_vreg.gather @!p0 [hbm4b:s1+s0], $0x80, v0, vm0, $0xb8;
	[tilespmem:$0x10C00] =	vst v63  }
0x8f: {  	s2 =	simm.s32 @!p0 $0xB400  }
0x90: {  	[tilespmem:s2], [sflag:$0x4] =	stream.indirect_vreg.gather @!p0 [hbm4b:s13+s0], $0x80, v0, vm0, $0xb8;
	[tilespmem:$0x10C00] =	vst v63  }
0x91: {  	p0 =	slt.s32 s21, $0x0  }
0x92: {  	v0 =	vld.msk @!p0 [tilespmem:$0x18], $0x1;
	_ =	sdelay $0x4  }
0x93: {  	v1 =	vshll.u32 @!p0 v0, $0x5  }
0x94: {  	v0 =	vand.u32 @!p0 $0x7, v0;
	v1 =	vand.u32 @!p0 $0xFFFFFF00, v1  }
0x95: {  	v2 =	vlaneseq.u32 @!p0;
	v0 =	vor.u32 @!p0 v0, v1;
	v1 =	vimm.s32 @!p0 $0x0  }
0x96: {  	v0 =	vperm.xlane @!p0 v0, v1;
	v1 =	vmul.u32 @!p0 $0x8, v2;
	_ =	sdelay $0x1  }
0x97: {  	v0 =	vadd.s32 @!p0 v1, v0;
	_ =	sdelay $0x3  }
0x98: {  	vm0 =	vmmov @!p0 $0xffff;
	s0 =	simm.s32 @!p0 $0x0;
	s2 =	simm.s32 @!p0 $0xBC00  }
0x99: {  	[tilespmem:s2], [sflag:$0x4] =	stream.indirect_vreg.gather @!p0 [hbm4b:s1+s0], $0x80, v0, vm0, $0xb8;
	[tilespmem:$0x10C00] =	vst v63  }
0x9a: {  	s2 =	simm.s32 @!p0 $0xC400  }
0x9b: {  	[tilespmem:s2], [sflag:$0x4] =	stream.indirect_vreg.gather @!p0 [hbm4b:s13+s0], $0x80, v0, vm0, $0xb8;
	[tilespmem:$0x10C00] =	vst v63  }
0x9c: {  	p0 =	slt.s32 s18, $0x0  }
0x9d: {  	v0 =	vld.msk @!p0 [tilespmem:$0x20], $0x1;
	_ =	sdelay $0x4  }
0x9e: {  	v1 =	vshll.u32 @!p0 v0, $0x5  }
0x9f: {  	v0 =	vand.u32 @!p0 $0x7, v0;
	v1 =	vand.u32 @!p0 $0xFFFFFF00, v1  }
0xa0: {  	v2 =	vlaneseq.u32 @!p0;
	v0 =	vor.u32 @!p0 v0, v1;
	v1 =	vimm.s32 @!p0 $0x0  }
0xa1: {  	v0 =	vperm.xlane @!p0 v0, v1;
	v1 =	vmul.u32 @!p0 $0x8, v2;
	_ =	sdelay $0x1  }
0xa2: {  	v0 =	vadd.s32 @!p0 v1, v0;
	_ =	sdelay $0x3  }
0xa3: {  	vm0 =	vmmov @!p0 $0xffff;
	s0 =	simm.s32 @!p0 $0x0;
	s2 =	simm.s32 @!p0 $0xCC00  }
0xa4: {  	[tilespmem:s2], [sflag:$0x4] =	stream.indirect_vreg.gather @!p0 [hbm4b:s3+s0], $0x80, v0, vm0, $0xb8;
	[tilespmem:$0x10C00] =	vst v63  }
0xa5: {  	s2 =	simm.s32 @!p0 $0xD400  }
0xa6: {  	[tilespmem:s2], [sflag:$0x4] =	stream.indirect_vreg.gather @!p0 [hbm4b:s14+s0], $0x80, v0, vm0, $0xb8;
	[tilespmem:$0x10C00] =	vst v63  }
0xa7: {  	p0 =	slt.s32 s16, $0x0  }
0xa8: {  	v0 =	vld.msk @!p0 [tilespmem:$0x28], $0x1;
	_ =	sdelay $0x4  }
0xa9: {  	v1 =	vshll.u32 @!p0 v0, $0x5  }
0xaa: {  	v0 =	vand.u32 @!p0 $0x7, v0;
	v1 =	vand.u32 @!p0 $0xFFFFFF00, v1  }
0xab: {  	v2 =	vlaneseq.u32 @!p0;
	v0 =	vor.u32 @!p0 v0, v1;
	v1 =	vimm.s32 @!p0 $0x0  }
0xac: {  	v0 =	vperm.xlane @!p0 v0, v1;
	v1 =	vmul.u32 @!p0 $0x8, v2;
	_ =	sdelay $0x1  }
0xad: {  	v0 =	vadd.s32 @!p0 v1, v0;
	_ =	sdelay $0x3  }
0xae: {  	vm0 =	vmmov @!p0 $0xffff;
	s0 =	simm.s32 @!p0 $0x0;
	s2 =	simm.s32 @!p0 $0xDC00  }
0xaf: {  	[tilespmem:s2], [sflag:$0x4] =	stream.indirect_vreg.gather @!p0 [hbm4b:s3+s0], $0x80, v0, vm0, $0xb8;
	[tilespmem:$0x10C00] =	vst v63  }
0xb0: {  	s2 =	simm.s32 @!p0 $0xE400  }
0xb1: {  	[tilespmem:s2], [sflag:$0x4] =	stream.indirect_vreg.gather @!p0 [hbm4b:s14+s0], $0x80, v0, vm0, $0xb8;
	[tilespmem:$0x10C00] =	vst v63  }
0xb2: {  	p0 =	slt.s32 s4, $0x0  }
0xb3: {  	v0 =	vld.msk @!p0 [tilespmem:$0x30], $0x1;
	_ =	sdelay $0x4  }
0xb4: {  	v1 =	vshll.u32 @!p0 v0, $0x5  }
0xb5: {  	v0 =	vand.u32 @!p0 $0x7, v0;
	v1 =	vand.u32 @!p0 $0xFFFFFF00, v1  }
0xb6: {  	v2 =	vlaneseq.u32 @!p0;
	v0 =	vor.u32 @!p0 v0, v1;
	v1 =	vimm.s32 @!p0 $0x0  }
0xb7: {  	v0 =	vperm.xlane @!p0 v0, v1;
	v1 =	vmul.u32 @!p0 $0x8, v2;
	_ =	sdelay $0x1  }
0xb8: {  	v0 =	vadd.s32 @!p0 v1, v0;
	_ =	sdelay $0x3  }
0xb9: {  	vm0 =	vmmov @!p0 $0xffff;
	s0 =	simm.s32 @!p0 $0x0;
	s2 =	simm.s32 @!p0 $0xEC00  }
0xba: {  	[tilespmem:s2], [sflag:$0x4] =	stream.indirect_vreg.gather @!p0 [hbm4b:s3+s0], $0x80, v0, vm0, $0xb8;
	[tilespmem:$0x10C00] =	vst v63  }
0xbb: {  	s2 =	simm.s32 @!p0 $0xF400  }
0xbc: {  	[tilespmem:s2], [sflag:$0x4] =	stream.indirect_vreg.gather @!p0 [hbm4b:s14+s0], $0x80, v0, vm0, $0xb8;
	[tilespmem:$0x10C00] =	vst v63  }
0xbd: {  	p0 =	slt.s32 s31, $0x0  }
0xbe: {  	v0 =	vld.msk @!p0 [tilespmem:$0x38], $0x1;
	_ =	sdelay $0x4  }
0xbf: {  	v1 =	vshll.u32 @!p0 v0, $0x5  }
0xc0: {  	v0 =	vand.u32 @!p0 $0x7, v0;
	v1 =	vand.u32 @!p0 $0xFFFFFF00, v1  }
0xc1: {  	v2 =	vlaneseq.u32 @!p0;
	v0 =	vor.u32 @!p0 v0, v1;
	v1 =	vimm.s32 @!p0 $0x0  }
0xc2: {  	v0 =	vperm.xlane @!p0 v0, v1;
	v1 =	vmul.u32 @!p0 $0x8, v2;
	_ =	sdelay $0x1  }
0xc3: {  	v0 =	vadd.s32 @!p0 v1, v0;
	_ =	sdelay $0x2  }
.Ltmp2:
0xc4: {  	_ = 	snop;
	(pc) =	sbr.rel .LBB2_2-.Ltmp2, $4  }
0xc5: {  	vm0 =	vmmov @!p0 $0xffff;
	s0 =	simm.s32 @!p0 $0x0;
	s2 =	simm.s32 @!p0 $0xFC00  }
0xc6: {  	[tilespmem:s2], [sflag:$0x4] =	stream.indirect_vreg.gather @!p0 [hbm4b:s3+s0], $0x80, v0, vm0, $0xb8;
	[tilespmem:$0x10C00] =	vst v63  }
0xc7: {  	s29 =	simm.s32 $0x0;
	s2 =	simm.s32 @!p0 $0x10400  }
0xc8: {  	[tilespmem:s2], [sflag:$0x4] =	stream.indirect_vreg.gather @!p0 [hbm4b:s14+s0], $0x80, v0, vm0, $0xb8;
	[tilespmem:$0x10C00] =	vst v63  }
.LBB2_68:
0xc9: {  	s29 =	sadd.s32 $0x1, s29  }
0xca: {  	p0 =	sne.s32 s29, $0x10  }
.Ltmp3:
0xcb: {  	_ = 	snop;
	(pc) =	sbr.rel @!p0 .LBB2_69-.Ltmp3, $4  }
0xcc: {  	_ = 	snop  }
0xcd: {  	s0 =	rddreg [dreg:$0x5]  }
0xce: {  	s0 =	sadd.s32 s0, s30  }
0xcf: {  	[hbm4b:s0+s6] =	stream.linear.scatter [tilespmem:s25], [sflag:$0x3], $0x4000, $0x38;
	[tilespmem:$0x10C00] =	vst v63  }
.LBB2_2:
0xd0: {  	s20 =	sshllo.u32 s29, $0x1  }
0xd1: {  	s0 =	sshll.u32 s20, $0x4  }
0xd2: {  	s0 =	sand.u32 $0x3FFFFFF0, s0  }
0xd3: {  	v0 =	vld [tilespmem:s0+$0x800];
	_ =	sdelay $0x4  }
0xd4: {  	(v2sf) =	vpush v0, $0x0  }
0xd5: {  	(v2sf) =	vpush v0, $0x1  }
0xd6: {  	(v2sf) =	vpush v0, $0x2  }
0xd7: {  	(v2sf) =	vpush v0, $0x3  }
0xd8: {  	(v2sf) =	vpush v0, $0x4  }
0xd9: {  	(v2sf) =	vpush v0, $0x5  }
0xda: {  	(v2sf) =	vpush v0, $0x6  }
0xdb: {  	(v2sf) =	vpush v0, $0x7  }
0xdc: {  	(v2sf) =	vpush v0, $0x8;
	_ =	sdelay $0x6  }
0xdd: {  	s26 =	spop (v2sf)  }
0xde: {  	s15 =	spop (v2sf)  }
0xdf: {  	s12 =	spop (v2sf)  }
0xe0: {  	s9 =	spop (v2sf)  }
0xe1: {  	s7 =	spop (v2sf)  }
0xe2: {  	s19 =	spop (v2sf)  }
0xe3: {  	s17 =	spop (v2sf)  }
0xe4: {  	p0 =	seq.s32 s29, $0x0;
	s2 =	spop (v2sf)  }
0xe5: {  	s5 =	simm.s32 @!p0 $0x3;
	s22 =	spop (v2sf)  }
0xe6: {  	_ =	swait.ge @!p0 [sflag:s5], $0x4000  }
0xe7: {  	[sflag:s5] =	ssyncset.done @!p0 $0x0  }
0xe8: {  	s0 =	sshll.u32 s22, $0x9;
	[sflag:s5] =	ssyncadd.s32 @!p0 $0xFFFFC000  }
0xe9: {  	s30 =	sand.u32 $0x1FFFFE00, s0;
	s23 =	rddreg [dreg:$0x0]  }
0xea: {  	s0 =	sadd.s32 s23, s30  }
0xeb: {  	[tilespmem:s25], [sflag:$0x2] =	stream.linear.gather [hbm4b:s0+s6], $0x4000, $0x38;
	[tilespmem:$0x10C00] =	vst v63  }
0xec: {  	_ =	swait.ge [sflag:s24], $0x4000  }
0xed: {  	p0 =	slt.s32 s11, $0x0;
	[sflag:s24] =	ssyncset.done $0x0  }
0xee: {  	s0 =	simm.s32 @!p0 $0x4;
	[sflag:s24] =	ssyncadd.s32 $0xFFFFC000  }
0xef: {  	_ =	swait.ge @!p0 [sflag:s0], $0x1000  }
0xf0: {  	p6 =	slt.s32 s10, $0x0;
	[sflag:s0] =	ssyncset.done @!p0 $0x0  }
0xf1: {  	[sflag:s0] =	ssyncadd.s32 @!p0 $0xFFFFF000;
	s0 =	simm.s32 @!p6 $0x4  }
0xf2: {  	_ =	swait.ge @!p6 [sflag:s0], $0x1000  }
0xf3: {  	p5 =	slt.s32 s8, $0x0;
	[sflag:s0] =	ssyncset.done @!p6 $0x0  }
0xf4: {  	[sflag:s0] =	ssyncadd.s32 @!p6 $0xFFFFF000;
	s0 =	simm.s32 @!p5 $0x4  }
0xf5: {  	_ =	swait.ge @!p5 [sflag:s0], $0x1000  }
0xf6: {  	p4 =	slt.s32 s21, $0x0;
	[sflag:s0] =	ssyncset.done @!p5 $0x0  }
0xf7: {  	[sflag:s0] =	ssyncadd.s32 @!p5 $0xFFFFF000;
	s0 =	simm.s32 @!p4 $0x4  }
0xf8: {  	_ =	swait.ge @!p4 [sflag:s0], $0x1000  }
0xf9: {  	p3 =	slt.s32 s18, $0x0;
	[sflag:s0] =	ssyncset.done @!p4 $0x0  }
0xfa: {  	[sflag:s0] =	ssyncadd.s32 @!p4 $0xFFFFF000;
	s0 =	simm.s32 @!p3 $0x4  }
0xfb: {  	_ =	swait.ge @!p3 [sflag:s0], $0x1000  }
0xfc: {  	p1 =	slt.s32 s16, $0x0;
	[sflag:s0] =	ssyncset.done @!p3 $0x0  }
0xfd: {  	[sflag:s0] =	ssyncadd.s32 @!p3 $0xFFFFF000;
	s0 =	simm.s32 @!p1 $0x4  }
0xfe: {  	s5 =	simm.s32 @!p1 $0x0;
	_ =	swait.ge @!p1 [sflag:s0], $0x1000  }
0xff: {  	p2 =	slt.s32 s4, $0x0;
	s5 =	simm.s32 @p1 $0x1;
	[sflag:s0] =	ssyncset.done @!p1 $0x0  }
0x100: {  	[smem:$0x7FB] =	sst s5;
	[sflag:s0] =	ssyncadd.s32 @!p1 $0xFFFFF000;
	s0 =	simm.s32 @!p2 $0x4  }
0x101: {  	s5 =	simm.s32 @!p2 $0x0;
	p1 =	slt.s32 s31, $0x0;
	_ =	swait.ge @!p2 [sflag:s0], $0x1000  }
.Ltmp4:
0x102: {  	s5 =	simm.s32 @p2 $0x1;
	[sflag:s0] =	ssyncset.done @!p2 $0x0;
	(pc) =	sbr.rel @p0 .LBB2_6-.Ltmp4, $4  }
0x103: {  	[smem:$0x7FC] =	sst s5;
	[sflag:s0] =	ssyncadd.s32 @!p2 $0xFFFFF000;
	s0 =	simm.s32 @!p1 $0x4  }
0x104: {  	s5 =	simm.s32 @!p1 $0x0;
	_ =	swait.ge @!p1 [sflag:s0], $0x1000  }
0x105: {  	s5 =	simm.s32 @p1 $0x1;
	[sflag:s0] =	ssyncset.done @!p1 $0x0  }
0x106: {  	[smem:$0x7FD] =	sst s5;
	[sflag:s0] =	ssyncadd.s32 @!p1 $0xFFFFF000  }
0x107: {  	s0 =	sshll.u32 s11, $0x2  }
0x108: {  	s0 =	sshra.s32 s0, $0x2  }
0x109: {  	s0 =	sadd.s32 $0x8C20, s0  }
0x10a: {  	v0 =	vld [tilespmem:s0+$0xFFFFFFE0];
	_ =	sdelay $0x1  }
0x10b: {  	s11 =	simm.s32 $0x0  }
0x10c: {  	s5 =	sand.u32 $0x40, s11;
	s22 =	sand.u32 $0xF00, s11  }
0x10d: {  	s5 =	sor.u32 s5, s22  }
0x10e: {  	[tilespmem:s5+$0xC00] =	vst v0  }
0x10f: {  	v0 =	vld [tilespmem:s0+$0xFFFFFFF0];
	_ =	sdelay $0x4  }
0x110: {  	[tilespmem:s5+$0xC10] =	vst v0  }
0x111: {  	v0 =	vld [tilespmem:s0+$0x0];
	_ =	sdelay $0x4  }
0x112: {  	[tilespmem:s5+$0xC20] =	vst v0  }
0x113: {  	v0 =	vld [tilespmem:s0+$0x10];
	_ =	sdelay $0x4  }
0x114: {  	s22 =	sadd.s32 $0x40, s0;
	[tilespmem:s5+$0xC30] =	vst v0  }
0x115: {  	s0 =	simm.s32 $0x80;
	s5 =	simm.s32 $0x40;
	v0 =	vld [tilespmem:s22+$0xFFFFFFE0]  }
.LBB2_4:
0x116: {  	p0 =	sne.s32 s0, $0x7C0  }
0x117: {  	s11 =	sadd.s32 $0x80, s11  }
0x118: {  	s23 =	sand.u32 $0x40, s5;
	s5 =	smov.u32 s0;
	s25 =	sand.u32 $0xF00, s11  }
0x119: {  	s23 =	sor.u32 s23, s25  }
0x11a: {  	[tilespmem:s23+$0xC00] =	vst v0  }
0x11b: {  	v0 =	vld [tilespmem:s22+$0xFFFFFFF0];
	_ =	sdelay $0x4  }
0x11c: {  	[tilespmem:s23+$0xC10] =	vst v0  }
0x11d: {  	v0 =	vld [tilespmem:s22+$0x0];
	_ =	sdelay $0x4  }
0x11e: {  	[tilespmem:s23+$0xC20] =	vst v0  }
0x11f: {  	v0 =	vld [tilespmem:s22+$0x10];
	_ =	sdelay $0x1  }
.Ltmp5:
0x120: {  	(pc) =	sbr.rel @p0 .LBB2_4-.Ltmp5, $3  }
0x121: {  	_ =	sdelay $0x1  }
0x122: {  	s22 =	sadd.s32 $0x40, s22;
	[tilespmem:s23+$0xC30] =	vst v0  }
0x123: {  	s0 =	sadd.s32 $0x40, s0;
	v0 =	vld [tilespmem:s22+$0xFFFFFFE0]  }
0x124: {  	_ = 	snop  }
0x125: {  	s0 =	sadd.s32 $0x80, s11  }
0x126: {  	s5 =	sand.u32 $0x40, s5;
	s0 =	sand.u32 $0xF00, s0  }
0x127: {  	s0 =	sor.u32 s5, s0  }
0x128: {  	[tilespmem:s0+$0xC00] =	vst v0  }
0x129: {  	v0 =	vld [tilespmem:s22+$0xFFFFFFF0];
	_ =	sdelay $0x4  }
0x12a: {  	[tilespmem:s0+$0xC10] =	vst v0  }
0x12b: {  	v0 =	vld [tilespmem:s22+$0x0];
	_ =	sdelay $0x4  }
0x12c: {  	[tilespmem:s0+$0xC20] =	vst v0  }
0x12d: {  	v0 =	vld [tilespmem:s22+$0x10];
	_ =	sdelay $0x4  }
0x12e: {  	s25 =	simm.s32 $0x4C00;
	[tilespmem:s0+$0xC30] =	vst v0  }
.LBB2_6:
.Ltmp6:
0x12f: {  	(pc) =	sbr.rel @p6 .LBB2_10-.Ltmp6, $1  }
0x130: {  	_ =	sdelay $0x3  }
0x131: {  	s0 =	sshll.u32 s10, $0x2  }
0x132: {  	s0 =	sshra.s32 s0, $0x2  }
0x133: {  	s0 =	sadd.s32 $0x9C20, s0  }
0x134: {  	v0 =	vld [tilespmem:s0+$0xFFFFFFE0];
	_ =	sdelay $0x1  }
0x135: {  	s10 =	simm.s32 $0x0  }
0x136: {  	s5 =	sand.u32 $0x40, s10;
	s11 =	sand.u32 $0xF00, s10  }
0x137: {  	s5 =	sor.u32 s5, s11  }
0x138: {  	[tilespmem:s5+$0x1C00] =	vst v0  }
0x139: {  	v0 =	vld [tilespmem:s0+$0xFFFFFFF0];
	_ =	sdelay $0x4  }
0x13a: {  	[tilespmem:s5+$0x1C10] =	vst v0  }
0x13b: {  	v0 =	vld [tilespmem:s0+$0x0];
	_ =	sdelay $0x4  }
0x13c: {  	[tilespmem:s5+$0x1C20] =	vst v0  }
0x13d: {  	v0 =	vld [tilespmem:s0+$0x10];
	_ =	sdelay $0x4  }
0x13e: {  	s11 =	sadd.s32 $0x40, s0;
	[tilespmem:s5+$0x1C30] =	vst v0  }
0x13f: {  	s0 =	simm.s32 $0x80;
	s5 =	simm.s32 $0x40;
	v0 =	vld [tilespmem:s11+$0xFFFFFFE0]  }
.LBB2_8:
0x140: {  	p0 =	sne.s32 s0, $0x7C0  }
0x141: {  	s10 =	sadd.s32 $0x80, s10  }
0x142: {  	s22 =	sand.u32 $0x40, s5;
	s5 =	smov.u32 s0;
	s23 =	sand.u32 $0xF00, s10  }
0x143: {  	s22 =	sor.u32 s22, s23  }
0x144: {  	[tilespmem:s22+$0x1C00] =	vst v0  }
0x145: {  	v0 =	vld [tilespmem:s11+$0xFFFFFFF0];
	_ =	sdelay $0x4  }
0x146: {  	[tilespmem:s22+$0x1C10] =	vst v0  }
0x147: {  	v0 =	vld [tilespmem:s11+$0x0];
	_ =	sdelay $0x4  }
0x148: {  	[tilespmem:s22+$0x1C20] =	vst v0  }
0x149: {  	v0 =	vld [tilespmem:s11+$0x10];
	_ =	sdelay $0x1  }
.Ltmp7:
0x14a: {  	(pc) =	sbr.rel @p0 .LBB2_8-.Ltmp7, $3  }
0x14b: {  	_ =	sdelay $0x1  }
0x14c: {  	s11 =	sadd.s32 $0x40, s11;
	[tilespmem:s22+$0x1C30] =	vst v0  }
0x14d: {  	s0 =	sadd.s32 $0x40, s0;
	v0 =	vld [tilespmem:s11+$0xFFFFFFE0]  }
0x14e: {  	_ = 	snop  }
0x14f: {  	s0 =	sadd.s32 $0x80, s10  }
0x150: {  	s5 =	sand.u32 $0x40, s5;
	s0 =	sand.u32 $0xF00, s0  }
0x151: {  	s0 =	sor.u32 s5, s0  }
0x152: {  	[tilespmem:s0+$0x1C00] =	vst v0  }
0x153: {  	v0 =	vld [tilespmem:s11+$0xFFFFFFF0];
	_ =	sdelay $0x4  }
0x154: {  	[tilespmem:s0+$0x1C10] =	vst v0  }
0x155: {  	v0 =	vld [tilespmem:s11+$0x0];
	_ =	sdelay $0x4  }
0x156: {  	[tilespmem:s0+$0x1C20] =	vst v0  }
0x157: {  	v0 =	vld [tilespmem:s11+$0x10];
	_ =	sdelay $0x4  }
0x158: {  	[tilespmem:s0+$0x1C30] =	vst v0  }
.LBB2_10:
.Ltmp8:
0x159: {  	(pc) =	sbr.rel @p5 .LBB2_14-.Ltmp8, $1  }
0x15a: {  	_ =	sdelay $0x3  }
0x15b: {  	s0 =	sshll.u32 s8, $0x2  }
0x15c: {  	s0 =	sshra.s32 s0, $0x2  }
0x15d: {  	s0 =	sadd.s32 $0xAC20, s0  }
0x15e: {  	v0 =	vld [tilespmem:s0+$0xFFFFFFE0];
	_ =	sdelay $0x1  }
0x15f: {  	s8 =	simm.s32 $0x0  }
0x160: {  	s5 =	sand.u32 $0x40, s8;
	s10 =	sand.u32 $0xF00, s8  }
0x161: {  	s5 =	sor.u32 s5, s10  }
0x162: {  	[tilespmem:s5+$0x2C00] =	vst v0  }
0x163: {  	v0 =	vld [tilespmem:s0+$0xFFFFFFF0];
	_ =	sdelay $0x4  }
0x164: {  	[tilespmem:s5+$0x2C10] =	vst v0  }
0x165: {  	v0 =	vld [tilespmem:s0+$0x0];
	_ =	sdelay $0x4  }
0x166: {  	[tilespmem:s5+$0x2C20] =	vst v0  }
0x167: {  	v0 =	vld [tilespmem:s0+$0x10];
	_ =	sdelay $0x4  }
0x168: {  	s10 =	sadd.s32 $0x40, s0;
	[tilespmem:s5+$0x2C30] =	vst v0  }
0x169: {  	s0 =	simm.s32 $0x80;
	s5 =	simm.s32 $0x40;
	v0 =	vld [tilespmem:s10+$0xFFFFFFE0]  }
.LBB2_12:
0x16a: {  	p0 =	sne.s32 s0, $0x7C0  }
0x16b: {  	s8 =	sadd.s32 $0x80, s8  }
0x16c: {  	s11 =	sand.u32 $0x40, s5;
	s5 =	smov.u32 s0;
	s22 =	sand.u32 $0xF00, s8  }
0x16d: {  	s11 =	sor.u32 s11, s22  }
0x16e: {  	[tilespmem:s11+$0x2C00] =	vst v0  }
0x16f: {  	v0 =	vld [tilespmem:s10+$0xFFFFFFF0];
	_ =	sdelay $0x4  }
0x170: {  	[tilespmem:s11+$0x2C10] =	vst v0  }
0x171: {  	v0 =	vld [tilespmem:s10+$0x0];
	_ =	sdelay $0x4  }
0x172: {  	[tilespmem:s11+$0x2C20] =	vst v0  }
0x173: {  	v0 =	vld [tilespmem:s10+$0x10];
	_ =	sdelay $0x1  }
.Ltmp9:
0x174: {  	(pc) =	sbr.rel @p0 .LBB2_12-.Ltmp9, $3  }
0x175: {  	_ =	sdelay $0x1  }
0x176: {  	s10 =	sadd.s32 $0x40, s10;
	[tilespmem:s11+$0x2C30] =	vst v0  }
0x177: {  	s0 =	sadd.s32 $0x40, s0;
	v0 =	vld [tilespmem:s10+$0xFFFFFFE0]  }
0x178: {  	_ = 	snop  }
0x179: {  	s0 =	sadd.s32 $0x80, s8  }
0x17a: {  	s5 =	sand.u32 $0x40, s5;
	s0 =	sand.u32 $0xF00, s0  }
0x17b: {  	s0 =	sor.u32 s5, s0  }
0x17c: {  	[tilespmem:s0+$0x2C00] =	vst v0  }
0x17d: {  	v0 =	vld [tilespmem:s10+$0xFFFFFFF0];
	_ =	sdelay $0x4  }
0x17e: {  	[tilespmem:s0+$0x2C10] =	vst v0  }
0x17f: {  	v0 =	vld [tilespmem:s10+$0x0];
	_ =	sdelay $0x4  }
0x180: {  	[tilespmem:s0+$0x2C20] =	vst v0  }
0x181: {  	v0 =	vld [tilespmem:s10+$0x10];
	_ =	sdelay $0x4  }
0x182: {  	[tilespmem:s0+$0x2C30] =	vst v0  }
.LBB2_14:
.Ltmp10:
0x183: {  	(pc) =	sbr.rel @p4 .LBB2_18-.Ltmp10, $1  }
0x184: {  	_ =	sdelay $0x3  }
0x185: {  	s0 =	sshll.u32 s21, $0x2  }
0x186: {  	s0 =	sshra.s32 s0, $0x2  }
0x187: {  	s0 =	sadd.s32 $0xBC20, s0  }
0x188: {  	v0 =	vld [tilespmem:s0+$0xFFFFFFE0];
	_ =	sdelay $0x1  }
0x189: {  	s8 =	simm.s32 $0x0  }
0x18a: {  	s5 =	sand.u32 $0x40, s8;
	s10 =	sand.u32 $0xF00, s8  }
0x18b: {  	s5 =	sor.u32 s5, s10  }
0x18c: {  	[tilespmem:s5+$0x3C00] =	vst v0  }
0x18d: {  	v0 =	vld [tilespmem:s0+$0xFFFFFFF0];
	_ =	sdelay $0x4  }
0x18e: {  	[tilespmem:s5+$0x3C10] =	vst v0  }
0x18f: {  	v0 =	vld [tilespmem:s0+$0x0];
	_ =	sdelay $0x4  }
0x190: {  	[tilespmem:s5+$0x3C20] =	vst v0  }
0x191: {  	v0 =	vld [tilespmem:s0+$0x10];
	_ =	sdelay $0x4  }
0x192: {  	s10 =	sadd.s32 $0x40, s0;
	[tilespmem:s5+$0x3C30] =	vst v0  }
0x193: {  	s0 =	simm.s32 $0x80;
	s5 =	simm.s32 $0x40;
	v0 =	vld [tilespmem:s10+$0xFFFFFFE0]  }
.LBB2_16:
0x194: {  	p0 =	sne.s32 s0, $0x7C0  }
0x195: {  	s8 =	sadd.s32 $0x80, s8  }
0x196: {  	s11 =	sand.u32 $0x40, s5;
	s5 =	smov.u32 s0;
	s21 =	sand.u32 $0xF00, s8  }
0x197: {  	s11 =	sor.u32 s11, s21  }
0x198: {  	[tilespmem:s11+$0x3C00] =	vst v0  }
0x199: {  	v0 =	vld [tilespmem:s10+$0xFFFFFFF0];
	_ =	sdelay $0x4  }
0x19a: {  	[tilespmem:s11+$0x3C10] =	vst v0  }
0x19b: {  	v0 =	vld [tilespmem:s10+$0x0];
	_ =	sdelay $0x4  }
0x19c: {  	[tilespmem:s11+$0x3C20] =	vst v0  }
0x19d: {  	v0 =	vld [tilespmem:s10+$0x10];
	_ =	sdelay $0x1  }
.Ltmp11:
0x19e: {  	(pc) =	sbr.rel @p0 .LBB2_16-.Ltmp11, $3  }
0x19f: {  	_ =	sdelay $0x1  }
0x1a0: {  	s10 =	sadd.s32 $0x40, s10;
	[tilespmem:s11+$0x3C30] =	vst v0  }
0x1a1: {  	s0 =	sadd.s32 $0x40, s0;
	v0 =	vld [tilespmem:s10+$0xFFFFFFE0]  }
0x1a2: {  	_ = 	snop  }
0x1a3: {  	s0 =	sadd.s32 $0x80, s8  }
0x1a4: {  	s5 =	sand.u32 $0x40, s5;
	s0 =	sand.u32 $0xF00, s0  }
0x1a5: {  	s0 =	sor.u32 s5, s0  }
0x1a6: {  	[tilespmem:s0+$0x3C00] =	vst v0  }
0x1a7: {  	v0 =	vld [tilespmem:s10+$0xFFFFFFF0];
	_ =	sdelay $0x4  }
0x1a8: {  	[tilespmem:s0+$0x3C10] =	vst v0  }
0x1a9: {  	v0 =	vld [tilespmem:s10+$0x0];
	_ =	sdelay $0x4  }
0x1aa: {  	[tilespmem:s0+$0x3C20] =	vst v0  }
0x1ab: {  	v0 =	vld [tilespmem:s10+$0x10];
	_ =	sdelay $0x4  }
0x1ac: {  	[tilespmem:s0+$0x3C30] =	vst v0  }
.LBB2_18:
.Ltmp12:
0x1ad: {  	(pc) =	sbr.rel @p3 .LBB2_22-.Ltmp12, $1  }
0x1ae: {  	_ =	sdelay $0x3  }
0x1af: {  	s0 =	sshll.u32 s18, $0x2  }
0x1b0: {  	s0 =	sshra.s32 s0, $0x2  }
0x1b1: {  	s0 =	sadd.s32 $0xCC20, s0  }
0x1b2: {  	p0 =	por $0x0, $0x0;
	s5 =	simm.s32 $0x1;
	v0 =	vld [tilespmem:s0+$0xFFFFFFE0]  }
0x1b3: {  	s5 =	simm.s32 @!p0 $0x0  }
0x1b4: {  	s5 =	sshll.u32 s5, $0x6  }
0x1b5: {  	s5 =	sadd.s32 $0x0, s5  }
0x1b6: {  	s8 =	sor.u32 $0x80, s5  }
0x1b7: {  	[tilespmem:s8+$0xC00] =	vst v0  }
0x1b8: {  	v0 =	vld [tilespmem:s0+$0xFFFFFFF0];
	_ =	sdelay $0x3  }
0x1b9: {  	s22 =	sor.u32 $0x90, s5  }
0x1ba: {  	[tilespmem:s22+$0xC00] =	vst v0  }
0x1bb: {  	v0 =	vld [tilespmem:s0+$0x0];
	_ =	sdelay $0x3  }
0x1bc: {  	s23 =	sor.u32 $0xA0, s5  }
0x1bd: {  	[tilespmem:s23+$0xC00] =	vst v0  }
0x1be: {  	v0 =	vld [tilespmem:s0+$0x10];
	_ =	sdelay $0x3  }
0x1bf: {  	s5 =	sor.u32 $0xB0, s5  }
0x1c0: {  	s8 =	sadd.s32 $0x40, s0;
	[tilespmem:s5+$0xC00] =	vst v0  }
0x1c1: {  	s10 =	simm.s32 $0x0;
	s11 =	simm.s32 $0x80;
	p3 =	por !p0, !p0;
	v0 =	vld [tilespmem:s8+$0xFFFFFFE0]  }
.LBB2_20:
0x1c2: {  	s0 =	simm.s32 $0x1  }
0x1c3: {  	p4 =	sne.s32 s11, $0x7C0;
	s0 =	simm.s32 @!p3 $0x0  }
0x1c4: {  	s10 =	sadd.s32 $0x80, s10;
	s0 =	sshll.u32 s0, $0x6  }
0x1c5: {  	s0 =	sadd.s32 s0, s10  }
0x1c6: {  	s5 =	sor.u32 $0x80, s0  }
0x1c7: {  	[tilespmem:s5+$0xC00] =	vst v0  }
0x1c8: {  	v0 =	vld [tilespmem:s8+$0xFFFFFFF0];
	_ =	sdelay $0x3  }
0x1c9: {  	s5 =	sor.u32 $0x90, s0  }
0x1ca: {  	[tilespmem:s5+$0xC00] =	vst v0  }
0x1cb: {  	v0 =	vld [tilespmem:s8+$0x0];
	_ =	sdelay $0x3  }
0x1cc: {  	s5 =	sor.u32 $0xA0, s0  }
0x1cd: {  	[tilespmem:s5+$0xC00] =	vst v0  }
0x1ce: {  	v0 =	vld [tilespmem:s8+$0x10];
	_ =	sdelay $0x1  }
.Ltmp13:
0x1cf: {  	(pc) =	sbr.rel @p4 .LBB2_20-.Ltmp13, $4  }
0x1d0: {  	_ = 	snop  }
0x1d1: {  	s0 =	sor.u32 $0xB0, s0  }
0x1d2: {  	s8 =	sadd.s32 $0x40, s8;
	[tilespmem:s0+$0xC00] =	vst v0  }
0x1d3: {  	s11 =	sadd.s32 $0x40, s11;
	p3 =	por !p3, !p3;
	v0 =	vld [tilespmem:s8+$0xFFFFFFE0]  }
0x1d4: {  	s0 =	simm.s32 $0x1  }
0x1d5: {  	s0 =	simm.s32 @!p3 $0x0  }
0x1d6: {  	s5 =	sadd.s32 $0x80, s10;
	s0 =	sshll.u32 s0, $0x6  }
0x1d7: {  	s0 =	sadd.s32 s0, s5  }
0x1d8: {  	s5 =	sor.u32 $0x80, s0  }
0x1d9: {  	[tilespmem:s5+$0xC00] =	vst v0  }
0x1da: {  	v0 =	vld [tilespmem:s8+$0xFFFFFFF0];
	_ =	sdelay $0x3  }
0x1db: {  	s22 =	sor.u32 $0x90, s0  }
0x1dc: {  	[tilespmem:s22+$0xC00] =	vst v0  }
0x1dd: {  	v0 =	vld [tilespmem:s8+$0x0];
	_ =	sdelay $0x3  }
0x1de: {  	s23 =	sor.u32 $0xA0, s0  }
0x1df: {  	[tilespmem:s23+$0xC00] =	vst v0  }
0x1e0: {  	v0 =	vld [tilespmem:s8+$0x10];
	_ =	sdelay $0x3  }
0x1e1: {  	s0 =	sor.u32 $0xB0, s0  }
0x1e2: {  	[tilespmem:s0+$0xC00] =	vst v0  }
.LBB2_22:
0x1e3: {  	s0 =	sld [smem:$0x7FB];
	_ =	sdelay $0x2  }
0x1e4: {  	p0 =	seq.s32 s0, $0x1  }
.Ltmp14:
0x1e5: {  	_ = 	snop;
	(pc) =	sbr.rel @p0 .LBB2_26-.Ltmp14, $1  }
0x1e6: {  	_ =	sdelay $0x3  }
0x1e7: {  	s0 =	sshll.u32 s16, $0x2  }
0x1e8: {  	s0 =	sshra.s32 s0, $0x2  }
0x1e9: {  	s0 =	sadd.s32 $0xDC20, s0  }
0x1ea: {  	v0 =	vld [tilespmem:s0+$0xFFFFFFE0];
	_ =	sdelay $0x1  }
0x1eb: {  	s8 =	simm.s32 $0x0  }
0x1ec: {  	s5 =	sand.u32 $0x40, s8;
	s10 =	sand.u32 $0xF00, s8  }
0x1ed: {  	s5 =	sor.u32 s5, s10  }
0x1ee: {  	[tilespmem:s5+$0x1C80] =	vst v0  }
0x1ef: {  	v0 =	vld [tilespmem:s0+$0xFFFFFFF0];
	_ =	sdelay $0x4  }
0x1f0: {  	[tilespmem:s5+$0x1C90] =	vst v0  }
0x1f1: {  	v0 =	vld [tilespmem:s0+$0x0];
	_ =	sdelay $0x4  }
0x1f2: {  	[tilespmem:s5+$0x1CA0] =	vst v0  }
0x1f3: {  	v0 =	vld [tilespmem:s0+$0x10];
	_ =	sdelay $0x4  }
0x1f4: {  	s10 =	sadd.s32 $0x40, s0;
	[tilespmem:s5+$0x1CB0] =	vst v0  }
0x1f5: {  	s0 =	simm.s32 $0x80;
	s5 =	simm.s32 $0x40;
	v0 =	vld [tilespmem:s10+$0xFFFFFFE0]  }
.LBB2_24:
0x1f6: {  	p0 =	sne.s32 s0, $0x7C0  }
0x1f7: {  	s8 =	sadd.s32 $0x80, s8  }
0x1f8: {  	s11 =	sand.u32 $0x40, s5;
	s5 =	smov.u32 s0;
	s16 =	sand.u32 $0xF00, s8  }
0x1f9: {  	s11 =	sor.u32 s11, s16  }
0x1fa: {  	[tilespmem:s11+$0x1C80] =	vst v0  }
0x1fb: {  	v0 =	vld [tilespmem:s10+$0xFFFFFFF0];
	_ =	sdelay $0x4  }
0x1fc: {  	[tilespmem:s11+$0x1C90] =	vst v0  }
0x1fd: {  	v0 =	vld [tilespmem:s10+$0x0];
	_ =	sdelay $0x4  }
0x1fe: {  	[tilespmem:s11+$0x1CA0] =	vst v0  }
0x1ff: {  	v0 =	vld [tilespmem:s10+$0x10];
	_ =	sdelay $0x1  }
.Ltmp15:
0x200: {  	(pc) =	sbr.rel @p0 .LBB2_24-.Ltmp15, $3  }
0x201: {  	_ =	sdelay $0x1  }
0x202: {  	s10 =	sadd.s32 $0x40, s10;
	[tilespmem:s11+$0x1CB0] =	vst v0  }
0x203: {  	s0 =	sadd.s32 $0x40, s0;
	v0 =	vld [tilespmem:s10+$0xFFFFFFE0]  }
0x204: {  	_ = 	snop  }
0x205: {  	s0 =	sadd.s32 $0x80, s8  }
0x206: {  	s5 =	sand.u32 $0x40, s5;
	s0 =	sand.u32 $0xF00, s0  }
0x207: {  	s0 =	sor.u32 s5, s0  }
0x208: {  	[tilespmem:s0+$0x1C80] =	vst v0  }
0x209: {  	v0 =	vld [tilespmem:s10+$0xFFFFFFF0];
	_ =	sdelay $0x4  }
0x20a: {  	[tilespmem:s0+$0x1C90] =	vst v0  }
0x20b: {  	v0 =	vld [tilespmem:s10+$0x0];
	_ =	sdelay $0x4  }
0x20c: {  	[tilespmem:s0+$0x1CA0] =	vst v0  }
0x20d: {  	v0 =	vld [tilespmem:s10+$0x10];
	_ =	sdelay $0x4  }
0x20e: {  	[tilespmem:s0+$0x1CB0] =	vst v0  }
.LBB2_26:
0x20f: {  	s0 =	sld [smem:$0x7FC];
	_ =	sdelay $0x2  }
0x210: {  	p0 =	seq.s32 s0, $0x1  }
.Ltmp16:
0x211: {  	_ = 	snop;
	(pc) =	sbr.rel @p0 .LBB2_30-.Ltmp16, $1  }
0x212: {  	_ =	sdelay $0x3  }
0x213: {  	s0 =	sshll.u32 s4, $0x2  }
0x214: {  	s0 =	sshra.s32 s0, $0x2  }
0x215: {  	s0 =	sadd.s32 $0xEC20, s0  }
0x216: {  	v0 =	vld [tilespmem:s0+$0xFFFFFFE0];
	_ =	sdelay $0x1  }
0x217: {  	s4 =	simm.s32 $0x0  }
0x218: {  	s5 =	sand.u32 $0x40, s4;
	s8 =	sand.u32 $0xF00, s4  }
0x219: {  	s5 =	sor.u32 s5, s8  }
0x21a: {  	[tilespmem:s5+$0x2C80] =	vst v0  }
0x21b: {  	v0 =	vld [tilespmem:s0+$0xFFFFFFF0];
	_ =	sdelay $0x4  }
0x21c: {  	[tilespmem:s5+$0x2C90] =	vst v0  }
0x21d: {  	v0 =	vld [tilespmem:s0+$0x0];
	_ =	sdelay $0x4  }
0x21e: {  	[tilespmem:s5+$0x2CA0] =	vst v0  }
0x21f: {  	v0 =	vld [tilespmem:s0+$0x10];
	_ =	sdelay $0x4  }
0x220: {  	s8 =	sadd.s32 $0x40, s0;
	[tilespmem:s5+$0x2CB0] =	vst v0  }
0x221: {  	s0 =	simm.s32 $0x80;
	s5 =	simm.s32 $0x40;
	v0 =	vld [tilespmem:s8+$0xFFFFFFE0]  }
.LBB2_28:
0x222: {  	p0 =	sne.s32 s0, $0x7C0  }
0x223: {  	s4 =	sadd.s32 $0x80, s4  }
0x224: {  	s10 =	sand.u32 $0x40, s5;
	s5 =	smov.u32 s0;
	s11 =	sand.u32 $0xF00, s4  }
0x225: {  	s10 =	sor.u32 s10, s11  }
0x226: {  	[tilespmem:s10+$0x2C80] =	vst v0  }
0x227: {  	v0 =	vld [tilespmem:s8+$0xFFFFFFF0];
	_ =	sdelay $0x4  }
0x228: {  	[tilespmem:s10+$0x2C90] =	vst v0  }
0x229: {  	v0 =	vld [tilespmem:s8+$0x0];
	_ =	sdelay $0x4  }
0x22a: {  	[tilespmem:s10+$0x2CA0] =	vst v0  }
0x22b: {  	v0 =	vld [tilespmem:s8+$0x10];
	_ =	sdelay $0x1  }
.Ltmp17:
0x22c: {  	(pc) =	sbr.rel @p0 .LBB2_28-.Ltmp17, $3  }
0x22d: {  	_ =	sdelay $0x1  }
0x22e: {  	s8 =	sadd.s32 $0x40, s8;
	[tilespmem:s10+$0x2CB0] =	vst v0  }
0x22f: {  	s0 =	sadd.s32 $0x40, s0;
	v0 =	vld [tilespmem:s8+$0xFFFFFFE0]  }
0x230: {  	_ = 	snop  }
0x231: {  	s0 =	sadd.s32 $0x80, s4  }
0x232: {  	s23 =	sand.u32 $0x40, s5;
	s0 =	sand.u32 $0xF00, s0  }
0x233: {  	s0 =	sor.u32 s23, s0  }
0x234: {  	[tilespmem:s0+$0x2C80] =	vst v0  }
0x235: {  	v0 =	vld [tilespmem:s8+$0xFFFFFFF0];
	_ =	sdelay $0x4  }
0x236: {  	[tilespmem:s0+$0x2C90] =	vst v0  }
0x237: {  	v0 =	vld [tilespmem:s8+$0x0];
	_ =	sdelay $0x4  }
0x238: {  	[tilespmem:s0+$0x2CA0] =	vst v0  }
0x239: {  	v0 =	vld [tilespmem:s8+$0x10];
	_ =	sdelay $0x4  }
0x23a: {  	[tilespmem:s0+$0x2CB0] =	vst v0  }
.LBB2_30:
0x23b: {  	s0 =	sld [smem:$0x7FD];
	_ =	sdelay $0x2  }
0x23c: {  	p0 =	seq.s32 s0, $0x1  }
.Ltmp18:
0x23d: {  	_ = 	snop;
	(pc) =	sbr.rel @p0 .LBB2_34-.Ltmp18, $1  }
0x23e: {  	_ =	sdelay $0x3  }
0x23f: {  	s0 =	sshll.u32 s31, $0x2  }
0x240: {  	s0 =	sshra.s32 s0, $0x2  }
0x241: {  	s0 =	sadd.s32 $0xFC20, s0  }
0x242: {  	v0 =	vld [tilespmem:s0+$0xFFFFFFE0];
	_ =	sdelay $0x1  }
0x243: {  	s4 =	simm.s32 $0x0  }
0x244: {  	s5 =	sand.u32 $0x40, s4;
	s8 =	sand.u32 $0xF00, s4  }
0x245: {  	s5 =	sor.u32 s5, s8  }
0x246: {  	[tilespmem:s5+$0x3C80] =	vst v0  }
0x247: {  	v0 =	vld [tilespmem:s0+$0xFFFFFFF0];
	_ =	sdelay $0x4  }
0x248: {  	[tilespmem:s5+$0x3C90] =	vst v0  }
0x249: {  	v0 =	vld [tilespmem:s0+$0x0];
	_ =	sdelay $0x4  }
0x24a: {  	[tilespmem:s5+$0x3CA0] =	vst v0  }
0x24b: {  	v0 =	vld [tilespmem:s0+$0x10];
	_ =	sdelay $0x4  }
0x24c: {  	s8 =	sadd.s32 $0x40, s0;
	[tilespmem:s5+$0x3CB0] =	vst v0  }
0x24d: {  	s0 =	simm.s32 $0x80;
	s5 =	simm.s32 $0x40;
	v0 =	vld [tilespmem:s8+$0xFFFFFFE0]  }
.LBB2_32:
0x24e: {  	p0 =	sne.s32 s0, $0x7C0  }
0x24f: {  	s4 =	sadd.s32 $0x80, s4  }
0x250: {  	s10 =	sand.u32 $0x40, s5;
	s5 =	smov.u32 s0;
	s11 =	sand.u32 $0xF00, s4  }
0x251: {  	s10 =	sor.u32 s10, s11  }
0x252: {  	[tilespmem:s10+$0x3C80] =	vst v0  }
0x253: {  	v0 =	vld [tilespmem:s8+$0xFFFFFFF0];
	_ =	sdelay $0x4  }
0x254: {  	[tilespmem:s10+$0x3C90] =	vst v0  }
0x255: {  	v0 =	vld [tilespmem:s8+$0x0];
	_ =	sdelay $0x4  }
0x256: {  	[tilespmem:s10+$0x3CA0] =	vst v0  }
0x257: {  	v0 =	vld [tilespmem:s8+$0x10];
	_ =	sdelay $0x1  }
.Ltmp19:
0x258: {  	(pc) =	sbr.rel @p0 .LBB2_32-.Ltmp19, $3  }
0x259: {  	_ =	sdelay $0x1  }
0x25a: {  	s8 =	sadd.s32 $0x40, s8;
	[tilespmem:s10+$0x3CB0] =	vst v0  }
0x25b: {  	s0 =	sadd.s32 $0x40, s0;
	v0 =	vld [tilespmem:s8+$0xFFFFFFE0]  }
0x25c: {  	_ = 	snop  }
0x25d: {  	s0 =	sadd.s32 $0x80, s4  }
0x25e: {  	s31 =	sand.u32 $0x40, s5;
	s0 =	sand.u32 $0xF00, s0  }
0x25f: {  	s0 =	sor.u32 s31, s0  }
0x260: {  	[tilespmem:s0+$0x3C80] =	vst v0  }
0x261: {  	v0 =	vld [tilespmem:s8+$0xFFFFFFF0];
	_ =	sdelay $0x4  }
0x262: {  	[tilespmem:s0+$0x3C90] =	vst v0  }
0x263: {  	v0 =	vld [tilespmem:s8+$0x0];
	_ =	sdelay $0x4  }
0x264: {  	[tilespmem:s0+$0x3CA0] =	vst v0  }
0x265: {  	v0 =	vld [tilespmem:s8+$0x10];
	_ =	sdelay $0x4  }
0x266: {  	[tilespmem:s0+$0x3CB0] =	vst v0  }
.LBB2_34:
0x267: {  	p0 =	slt.s32 s26, $0x0  }
0x268: {  	s0 =	simm.s32 @!p0 $0x0  }
0x269: {  	s0 =	simm.s32 @p0 $0x1  }
0x26a: {  	[smem:$0x7F5] =	sst s0;
	s0 =	sshll.u32 @!p0 s20, $0x6  }
0x26b: {  	s0 =	sand.u32 @!p0 $0x3FFFFFC0, s0  }
0x26c: {  	v0 =	vld.msk @!p0 [tilespmem:s0+$0x0], $0x1;
	_ =	sdelay $0x4  }
0x26d: {  	v1 =	vshll.u32 @!p0 v0, $0x5  }
0x26e: {  	v0 =	vand.u32 @!p0 $0x7, v0;
	v1 =	vand.u32 @!p0 $0xFFFFFF00, v1  }
0x26f: {  	v2 =	vlaneseq.u32 @!p0;
	v0 =	vor.u32 @!p0 v0, v1;
	v1 =	vimm.s32 @!p0 $0x0  }
0x270: {  	v0 =	vperm.xlane @!p0 v0, v1;
	v1 =	vmul.u32 @!p0 $0x8, v2;
	_ =	sdelay $0x1  }
0x271: {  	v0 =	vadd.s32 @!p0 v1, v0;
	_ =	sdelay $0x3  }
0x272: {  	vm0 =	vmmov @!p0 $0xffff;
	s4 =	simm.s32 @!p0 $0x8C00;
	s0 =	simm.s32 @!p0 $0x0  }
0x273: {  	[tilespmem:s4], [sflag:$0x4] =	stream.indirect_vreg.gather @!p0 [hbm4b:s1+s0], $0x80, v0, vm0, $0xb8;
	[tilespmem:$0x10C00] =	vst v63  }
0x274: {  	s4 =	simm.s32 @!p0 $0x9400  }
0x275: {  	[tilespmem:s4], [sflag:$0x4] =	stream.indirect_vreg.gather @!p0 [hbm4b:s13+s0], $0x80, v0, vm0, $0xb8;
	[tilespmem:$0x10C00] =	vst v63  }
0x276: {  	p0 =	slt.s32 s15, $0x0  }
0x277: {  	s0 =	simm.s32 @!p0 $0x0  }
0x278: {  	s0 =	simm.s32 @p0 $0x1  }
0x279: {  	[smem:$0x7F6] =	sst s0;
	s0 =	sshll.u32 @!p0 s20, $0x6  }
0x27a: {  	s0 =	sand.u32 @!p0 $0x3FFFFFC0, s0  }
0x27b: {  	s0 =	sor.u32 @!p0 $0x8, s0  }
0x27c: {  	v0 =	vld.msk @!p0 [tilespmem:s0+$0x0], $0x1;
	_ =	sdelay $0x4  }
0x27d: {  	v1 =	vshll.u32 @!p0 v0, $0x5  }
0x27e: {  	v0 =	vand.u32 @!p0 $0x7, v0;
	v1 =	vand.u32 @!p0 $0xFFFFFF00, v1  }
0x27f: {  	v2 =	vlaneseq.u32 @!p0;
	v0 =	vor.u32 @!p0 v0, v1;
	v1 =	vimm.s32 @!p0 $0x0  }
0x280: {  	v0 =	vperm.xlane @!p0 v0, v1;
	v1 =	vmul.u32 @!p0 $0x8, v2;
	_ =	sdelay $0x1  }
0x281: {  	v0 =	vadd.s32 @!p0 v1, v0;
	_ =	sdelay $0x3  }
0x282: {  	vm0 =	vmmov @!p0 $0xffff;
	s4 =	simm.s32 @!p0 $0x9C00;
	s0 =	simm.s32 @!p0 $0x0  }
0x283: {  	[tilespmem:s4], [sflag:$0x4] =	stream.indirect_vreg.gather @!p0 [hbm4b:s1+s0], $0x80, v0, vm0, $0xb8;
	[tilespmem:$0x10C00] =	vst v63  }
0x284: {  	s4 =	simm.s32 @!p0 $0xA400  }
0x285: {  	[tilespmem:s4], [sflag:$0x4] =	stream.indirect_vreg.gather @!p0 [hbm4b:s13+s0], $0x80, v0, vm0, $0xb8;
	[tilespmem:$0x10C00] =	vst v63  }
0x286: {  	p0 =	slt.s32 s12, $0x0  }
0x287: {  	s0 =	simm.s32 @!p0 $0x0  }
0x288: {  	s0 =	simm.s32 @p0 $0x1  }
0x289: {  	[smem:$0x7F7] =	sst s0;
	s0 =	sshll.u32 @!p0 s20, $0x6  }
0x28a: {  	s0 =	sand.u32 @!p0 $0x3FFFFFC0, s0  }
0x28b: {  	s0 =	sor.u32 @!p0 $0x10, s0  }
0x28c: {  	v0 =	vld.msk @!p0 [tilespmem:s0+$0x0], $0x1;
	_ =	sdelay $0x4  }
0x28d: {  	v1 =	vshll.u32 @!p0 v0, $0x5  }
0x28e: {  	v0 =	vand.u32 @!p0 $0x7, v0;
	v1 =	vand.u32 @!p0 $0xFFFFFF00, v1  }
0x28f: {  	v2 =	vlaneseq.u32 @!p0;
	v0 =	vor.u32 @!p0 v0, v1;
	v1 =	vimm.s32 @!p0 $0x0  }
0x290: {  	v0 =	vperm.xlane @!p0 v0, v1;
	v1 =	vmul.u32 @!p0 $0x8, v2;
	_ =	sdelay $0x1  }
0x291: {  	v0 =	vadd.s32 @!p0 v1, v0;
	_ =	sdelay $0x3  }
0x292: {  	vm0 =	vmmov @!p0 $0xffff;
	s4 =	simm.s32 @!p0 $0xAC00;
	s0 =	simm.s32 @!p0 $0x0  }
0x293: {  	[tilespmem:s4], [sflag:$0x4] =	stream.indirect_vreg.gather @!p0 [hbm4b:s1+s0], $0x80, v0, vm0, $0xb8;
	[tilespmem:$0x10C00] =	vst v63  }
0x294: {  	p1 =	slt.s32 s9, $0x0;
	s4 =	simm.s32 @!p0 $0xB400  }
0x295: {  	[tilespmem:s4], [sflag:$0x4] =	stream.indirect_vreg.gather @!p0 [hbm4b:s13+s0], $0x80, v0, vm0, $0xb8;
	[tilespmem:$0x10C00] =	vst v63  }
0x296: {  	s0 =	sshll.u32 @!p1 s20, $0x6  }
0x297: {  	s0 =	sand.u32 @!p1 $0x3FFFFFC0, s0  }
0x298: {  	s0 =	sor.u32 @!p1 $0x18, s0  }
0x299: {  	v0 =	vld.msk @!p1 [tilespmem:s0+$0x0], $0x1;
	_ =	sdelay $0x4  }
0x29a: {  	v1 =	vshll.u32 @!p1 v0, $0x5  }
0x29b: {  	v0 =	vand.u32 @!p1 $0x7, v0;
	v1 =	vand.u32 @!p1 $0xFFFFFF00, v1  }
0x29c: {  	v2 =	vlaneseq.u32 @!p1;
	v0 =	vor.u32 @!p1 v0, v1;
	v1 =	vimm.s32 @!p1 $0x0  }
0x29d: {  	v0 =	vperm.xlane @!p1 v0, v1;
	v1 =	vmul.u32 @!p1 $0x8, v2;
	_ =	sdelay $0x1  }
0x29e: {  	v0 =	vadd.s32 @!p1 v1, v0;
	_ =	sdelay $0x3  }
0x29f: {  	vm0 =	vmmov @!p1 $0xffff;
	s4 =	simm.s32 @!p1 $0xBC00;
	s0 =	simm.s32 @!p1 $0x0  }
0x2a0: {  	[tilespmem:s4], [sflag:$0x4] =	stream.indirect_vreg.gather @!p1 [hbm4b:s1+s0], $0x80, v0, vm0, $0xb8;
	[tilespmem:$0x10C00] =	vst v63  }
0x2a1: {  	p6 =	slt.s32 s7, $0x0;
	s4 =	simm.s32 @!p1 $0xC400  }
0x2a2: {  	[tilespmem:s4], [sflag:$0x4] =	stream.indirect_vreg.gather @!p1 [hbm4b:s13+s0], $0x80, v0, vm0, $0xb8;
	[tilespmem:$0x10C00] =	vst v63  }
0x2a3: {  	s0 =	sshll.u32 @!p6 s20, $0x6  }
0x2a4: {  	s0 =	sand.u32 @!p6 $0x3FFFFFC0, s0  }
0x2a5: {  	s0 =	sor.u32 @!p6 $0x20, s0  }
0x2a6: {  	v0 =	vld.msk @!p6 [tilespmem:s0+$0x0], $0x1;
	_ =	sdelay $0x4  }
0x2a7: {  	v1 =	vshll.u32 @!p6 v0, $0x5  }
0x2a8: {  	v0 =	vand.u32 @!p6 $0x7, v0;
	v1 =	vand.u32 @!p6 $0xFFFFFF00, v1  }
0x2a9: {  	v2 =	vlaneseq.u32 @!p6;
	v0 =	vor.u32 @!p6 v0, v1;
	v1 =	vimm.s32 @!p6 $0x0  }
0x2aa: {  	v0 =	vperm.xlane @!p6 v0, v1;
	v1 =	vmul.u32 @!p6 $0x8, v2;
	_ =	sdelay $0x1  }
0x2ab: {  	v0 =	vadd.s32 @!p6 v1, v0;
	_ =	sdelay $0x3  }
0x2ac: {  	vm0 =	vmmov @!p6 $0xffff;
	s4 =	simm.s32 @!p6 $0xCC00;
	s0 =	simm.s32 @!p6 $0x0  }
0x2ad: {  	[tilespmem:s4], [sflag:$0x4] =	stream.indirect_vreg.gather @!p6 [hbm4b:s3+s0], $0x80, v0, vm0, $0xb8;
	[tilespmem:$0x10C00] =	vst v63  }
0x2ae: {  	p5 =	slt.s32 s19, $0x0;
	s4 =	simm.s32 @!p6 $0xD400  }
0x2af: {  	[tilespmem:s4], [sflag:$0x4] =	stream.indirect_vreg.gather @!p6 [hbm4b:s14+s0], $0x80, v0, vm0, $0xb8;
	[tilespmem:$0x10C00] =	vst v63  }
0x2b0: {  	s0 =	sshll.u32 @!p5 s20, $0x6  }
0x2b1: {  	s0 =	sand.u32 @!p5 $0x3FFFFFC0, s0  }
0x2b2: {  	s0 =	sor.u32 @!p5 $0x28, s0  }
0x2b3: {  	v0 =	vld.msk @!p5 [tilespmem:s0+$0x0], $0x1;
	_ =	sdelay $0x4  }
0x2b4: {  	v1 =	vshll.u32 @!p5 v0, $0x5  }
0x2b5: {  	v0 =	vand.u32 @!p5 $0x7, v0;
	v1 =	vand.u32 @!p5 $0xFFFFFF00, v1  }
0x2b6: {  	v2 =	vlaneseq.u32 @!p5;
	v0 =	vor.u32 @!p5 v0, v1;
	v1 =	vimm.s32 @!p5 $0x0  }
0x2b7: {  	v0 =	vperm.xlane @!p5 v0, v1;
	v1 =	vmul.u32 @!p5 $0x8, v2;
	_ =	sdelay $0x1  }
0x2b8: {  	v0 =	vadd.s32 @!p5 v1, v0;
	_ =	sdelay $0x3  }
0x2b9: {  	vm0 =	vmmov @!p5 $0xffff;
	s4 =	simm.s32 @!p5 $0xDC00;
	s0 =	simm.s32 @!p5 $0x0  }
0x2ba: {  	[tilespmem:s4], [sflag:$0x4] =	stream.indirect_vreg.gather @!p5 [hbm4b:s3+s0], $0x80, v0, vm0, $0xb8;
	[tilespmem:$0x10C00] =	vst v63  }
0x2bb: {  	p4 =	slt.s32 s17, $0x0;
	s4 =	simm.s32 @!p5 $0xE400  }
0x2bc: {  	[tilespmem:s4], [sflag:$0x4] =	stream.indirect_vreg.gather @!p5 [hbm4b:s14+s0], $0x80, v0, vm0, $0xb8;
	[tilespmem:$0x10C00] =	vst v63  }
0x2bd: {  	s0 =	sshll.u32 @!p4 s20, $0x6  }
0x2be: {  	s0 =	sand.u32 @!p4 $0x3FFFFFC0, s0  }
0x2bf: {  	s0 =	sor.u32 @!p4 $0x30, s0  }
0x2c0: {  	v0 =	vld.msk @!p4 [tilespmem:s0+$0x0], $0x1;
	_ =	sdelay $0x4  }
0x2c1: {  	v1 =	vshll.u32 @!p4 v0, $0x5  }
0x2c2: {  	v0 =	vand.u32 @!p4 $0x7, v0;
	v1 =	vand.u32 @!p4 $0xFFFFFF00, v1  }
0x2c3: {  	v2 =	vlaneseq.u32 @!p4;
	v0 =	vor.u32 @!p4 v0, v1;
	v1 =	vimm.s32 @!p4 $0x0  }
0x2c4: {  	v0 =	vperm.xlane @!p4 v0, v1;
	v1 =	vmul.u32 @!p4 $0x8, v2;
	_ =	sdelay $0x1  }
0x2c5: {  	v0 =	vadd.s32 @!p4 v1, v0;
	_ =	sdelay $0x3  }
0x2c6: {  	vm0 =	vmmov @!p4 $0xffff;
	s4 =	simm.s32 @!p4 $0xEC00;
	s0 =	simm.s32 @!p4 $0x0  }
0x2c7: {  	[tilespmem:s4], [sflag:$0x4] =	stream.indirect_vreg.gather @!p4 [hbm4b:s3+s0], $0x80, v0, vm0, $0xb8;
	[tilespmem:$0x10C00] =	vst v63  }
0x2c8: {  	p2 =	slt.s32 s2, $0x0;
	s4 =	simm.s32 @!p4 $0xF400  }
0x2c9: {  	[tilespmem:s4], [sflag:$0x4] =	stream.indirect_vreg.gather @!p4 [hbm4b:s14+s0], $0x80, v0, vm0, $0xb8;
	[tilespmem:$0x10C00] =	vst v63  }
0x2ca: {  	s0 =	sshll.u32 @!p2 s20, $0x6  }
0x2cb: {  	s0 =	sand.u32 @!p2 $0x3FFFFFC0, s0  }
0x2cc: {  	s0 =	sor.u32 @!p2 $0x38, s0  }
0x2cd: {  	v0 =	vld.msk @!p2 [tilespmem:s0+$0x0], $0x1;
	_ =	sdelay $0x4  }
0x2ce: {  	v1 =	vshll.u32 @!p2 v0, $0x5  }
0x2cf: {  	v0 =	vand.u32 @!p2 $0x7, v0;
	v1 =	vand.u32 @!p2 $0xFFFFFF00, v1  }
0x2d0: {  	v2 =	vlaneseq.u32 @!p2;
	v0 =	vor.u32 @!p2 v0, v1;
	v1 =	vimm.s32 @!p2 $0x0  }
0x2d1: {  	v0 =	vperm.xlane @!p2 v0, v1;
	v1 =	vmul.u32 @!p2 $0x8, v2;
	_ =	sdelay $0x1  }
0x2d2: {  	v0 =	vadd.s32 @!p2 v1, v0;
	_ =	sdelay $0x3  }
0x2d3: {  	vm0 =	vmmov @!p2 $0xffff;
	s4 =	simm.s32 @!p2 $0xFC00;
	s0 =	simm.s32 @!p2 $0x0  }
0x2d4: {  	[tilespmem:s4], [sflag:$0x4] =	stream.indirect_vreg.gather @!p2 [hbm4b:s3+s0], $0x80, v0, vm0, $0xb8;
	[tilespmem:$0x10C00] =	vst v63  }
0x2d5: {  	s11 =	sshll.u32 s28, $0x9;
	s16 =	sshll.u32 s29, $0x1;
	s4 =	simm.s32 @!p2 $0x10400  }
0x2d6: {  	[tilespmem:s4], [sflag:$0x4] =	stream.indirect_vreg.gather @!p2 [hbm4b:s14+s0], $0x80, v0, vm0, $0xb8;
	[tilespmem:$0x10C00] =	vst v63  }
0x2d7: {  	s5 =	rddreg [dreg:$0x5];
	s22 =	sadd.s32 $0x2, s16;
	s0 =	sand.u32 $0x1FFFFE00, s11  }
0x2d8: {  	s18 =	simm.s32 $0xC00;
	s21 =	smin.u32 s22, $0x1F;
	s0 =	sadd.s32 s5, s0  }
0x2d9: {  	[hbm4b:s0+s6] =	stream.linear.scatter [tilespmem:s18], [sflag:$0x3], $0x4000, $0x38;
	[tilespmem:$0x10C00] =	vst v63  }
0x2da: {  	s0 =	sshll.u32 s21, $0x4  }
0x2db: {  	v0 =	vld [tilespmem:s0+$0x800];
	_ =	sdelay $0x4  }
0x2dc: {  	(v2sf) =	vpush v0, $0x0  }
0x2dd: {  	(v2sf) =	vpush v0, $0x1  }
0x2de: {  	(v2sf) =	vpush v0, $0x2  }
0x2df: {  	(v2sf) =	vpush v0, $0x3  }
0x2e0: {  	(v2sf) =	vpush v0, $0x4  }
0x2e1: {  	(v2sf) =	vpush v0, $0x5  }
0x2e2: {  	(v2sf) =	vpush v0, $0x6  }
0x2e3: {  	(v2sf) =	vpush v0, $0x7  }
0x2e4: {  	(v2sf) =	vpush v0, $0x8;
	_ =	sdelay $0x6  }
0x2e5: {  	s11 =	spop (v2sf)  }
0x2e6: {  	s10 =	spop (v2sf)  }
0x2e7: {  	s8 =	spop (v2sf)  }
0x2e8: {  	s21 =	spop (v2sf)  }
0x2e9: {  	s18 =	spop (v2sf)  }
0x2ea: {  	s16 =	spop (v2sf)  }
0x2eb: {  	s4 =	spop (v2sf)  }
0x2ec: {  	s31 =	spop (v2sf)  }
0x2ed: {  	s23 =	simm.s32 $0x3;
	s28 =	spop (v2sf)  }
0x2ee: {  	p3 =	sgt.u32 s20, $0x1E;
	_ =	swait.ge [sflag:s23], $0x4000  }
0x2ef: {  	s20 =	simm.s32 @!p3 $0xC00;
	[sflag:s23] =	ssyncset.done $0x0  }
0x2f0: {  	s0 =	sshll.u32 @!p3 s28, $0x9;
	[sflag:s23] =	ssyncadd.s32 $0xFFFFC000;
	s23 =	simm.s32 @!p3 $0x0  }
0x2f1: {  	s0 =	sand.u32 @!p3 $0x1FFFFE00, s0;
	s5 =	rddreg [dreg:$0x0];
	s23 =	simm.s32 @p3 $0x1  }
0x2f2: {  	s0 =	sadd.s32 @!p3 s5, s0;
	s5 =	simm.s32 @!p3 $0x0;
	[smem:$0x7F4] =	sst s23  }
0x2f3: {  	[tilespmem:s20], [sflag:$0x2] =	stream.linear.gather @!p3 [hbm4b:s0+s5], $0x4000, $0x38;
	[tilespmem:$0x10C00] =	vst v63  }
0x2f4: {  	_ =	swait.ge [sflag:s24], $0x4000  }
0x2f5: {  	s5 =	sld [smem:$0x7F5];
	_ =	sdelay $0x2  }
0x2f6: {  	[sflag:s24] =	ssyncset.done $0x0;
	p3 =	seq.s32 s5, $0x1  }
0x2f7: {  	[sflag:s24] =	ssyncadd.s32 $0xFFFFC000;
	s0 =	simm.s32 @!p3 $0x4  }
0x2f8: {  	_ =	swait.ge @!p3 [sflag:s0], $0x1000  }
0x2f9: {  	s20 =	sld [smem:$0x7F6];
	_ =	sdelay $0x2  }
0x2fa: {  	[sflag:s0] =	ssyncset.done @!p3 $0x0;
	p0 =	seq.s32 s20, $0x1  }
0x2fb: {  	[sflag:s0] =	ssyncadd.s32 @!p3 $0xFFFFF000;
	s0 =	simm.s32 @!p0 $0x4  }
0x2fc: {  	_ =	swait.ge @!p0 [sflag:s0], $0x1000  }
0x2fd: {  	s23 =	sld [smem:$0x7F7];
	_ =	sdelay $0x1  }
0x2fe: {  	[sflag:s0] =	ssyncset.done @!p0 $0x0  }
0x2ff: {  	[sflag:s0] =	ssyncadd.s32 @!p0 $0xFFFFF000;
	p0 =	seq.s32 s23, $0x1  }
0x300: {  	s0 =	simm.s32 @!p0 $0x4  }
0x301: {  	_ =	swait.ge @!p0 [sflag:s0], $0x1000  }
0x302: {  	[sflag:s0] =	ssyncset.done @!p0 $0x0  }
0x303: {  	[sflag:s0] =	ssyncadd.s32 @!p0 $0xFFFFF000;
	s0 =	simm.s32 @!p1 $0x4  }
0x304: {  	s5 =	simm.s32 @!p1 $0x0;
	_ =	swait.ge @!p1 [sflag:s0], $0x1000  }
0x305: {  	s5 =	simm.s32 @p1 $0x1;
	[sflag:s0] =	ssyncset.done @!p1 $0x0  }
0x306: {  	[smem:$0x7F8] =	sst s5;
	[sflag:s0] =	ssyncadd.s32 @!p1 $0xFFFFF000;
	s0 =	simm.s32 @!p6 $0x4  }
0x307: {  	s5 =	simm.s32 @!p6 $0x0;
	_ =	swait.ge @!p6 [sflag:s0], $0x1000  }
0x308: {  	s5 =	simm.s32 @p6 $0x1;
	[sflag:s0] =	ssyncset.done @!p6 $0x0  }
0x309: {  	[smem:$0x7F9] =	sst s5;
	[sflag:s0] =	ssyncadd.s32 @!p6 $0xFFFFF000;
	s0 =	simm.s32 @!p5 $0x4  }
0x30a: {  	_ =	swait.ge @!p5 [sflag:s0], $0x1000  }
0x30b: {  	[sflag:s0] =	ssyncset.done @!p5 $0x0  }
0x30c: {  	[sflag:s0] =	ssyncadd.s32 @!p5 $0xFFFFF000;
	s0 =	simm.s32 @!p4 $0x4  }
0x30d: {  	_ =	swait.ge @!p4 [sflag:s0], $0x1000  }
.Ltmp20:
0x30e: {  	[sflag:s0] =	ssyncset.done @!p4 $0x0;
	(pc) =	sbr.rel @p3 .LBB2_38-.Ltmp20, $4  }
0x30f: {  	[sflag:s0] =	ssyncadd.s32 @!p4 $0xFFFFF000;
	s0 =	simm.s32 @!p2 $0x4  }
0x310: {  	s5 =	simm.s32 @!p2 $0x0;
	_ =	swait.ge @!p2 [sflag:s0], $0x1000  }
0x311: {  	p6 =	por p5, p5;
	s5 =	simm.s32 @p2 $0x1;
	[sflag:s0] =	ssyncset.done @!p2 $0x0  }
0x312: {  	p5 =	por p4, p4;
	[smem:$0x7FA] =	sst s5;
	[sflag:s0] =	ssyncadd.s32 @!p2 $0xFFFFF000  }
0x313: {  	s0 =	sshll.u32 s26, $0x2  }
0x314: {  	s0 =	sshra.s32 s0, $0x2  }
0x315: {  	s0 =	sadd.s32 $0x8C20, s0  }
0x316: {  	v0 =	vld [tilespmem:s0+$0xFFFFFFE0];
	_ =	sdelay $0x1  }
0x317: {  	s20 =	simm.s32 $0x0  }
0x318: {  	s5 =	sand.u32 $0x40, s20;
	s23 =	sand.u32 $0xF00, s20  }
0x319: {  	s5 =	sor.u32 s5, s23  }
0x31a: {  	[tilespmem:s5+$0x4C00] =	vst v0  }
0x31b: {  	v0 =	vld [tilespmem:s0+$0xFFFFFFF0];
	_ =	sdelay $0x4  }
0x31c: {  	[tilespmem:s5+$0x4C10] =	vst v0  }
0x31d: {  	v0 =	vld [tilespmem:s0+$0x0];
	_ =	sdelay $0x4  }
0x31e: {  	[tilespmem:s5+$0x4C20] =	vst v0  }
0x31f: {  	v0 =	vld [tilespmem:s0+$0x10];
	_ =	sdelay $0x4  }
0x320: {  	s26 =	sadd.s32 $0x40, s0;
	[tilespmem:s5+$0x4C30] =	vst v0  }
0x321: {  	s0 =	simm.s32 $0x80;
	s5 =	simm.s32 $0x40;
	v0 =	vld [tilespmem:s26+$0xFFFFFFE0]  }
.LBB2_36:
0x322: {  	p1 =	sne.s32 s0, $0x7C0  }
0x323: {  	s20 =	sadd.s32 $0x80, s20  }
0x324: {  	s23 =	sand.u32 $0x40, s5;
	s5 =	smov.u32 s0;
	s25 =	sand.u32 $0xF00, s20  }
0x325: {  	s23 =	sor.u32 s23, s25  }
0x326: {  	[tilespmem:s23+$0x4C00] =	vst v0  }
0x327: {  	v0 =	vld [tilespmem:s26+$0xFFFFFFF0];
	_ =	sdelay $0x4  }
0x328: {  	[tilespmem:s23+$0x4C10] =	vst v0  }
0x329: {  	v0 =	vld [tilespmem:s26+$0x0];
	_ =	sdelay $0x4  }
0x32a: {  	[tilespmem:s23+$0x4C20] =	vst v0  }
0x32b: {  	v0 =	vld [tilespmem:s26+$0x10];
	_ =	sdelay $0x1  }
.Ltmp21:
0x32c: {  	(pc) =	sbr.rel @p1 .LBB2_36-.Ltmp21, $3  }
0x32d: {  	_ =	sdelay $0x1  }
0x32e: {  	s26 =	sadd.s32 $0x40, s26;
	[tilespmem:s23+$0x4C30] =	vst v0  }
0x32f: {  	s0 =	sadd.s32 $0x40, s0;
	v0 =	vld [tilespmem:s26+$0xFFFFFFE0]  }
0x330: {  	_ = 	snop  }
0x331: {  	s0 =	sadd.s32 $0x80, s20  }
0x332: {  	s5 =	sand.u32 $0x40, s5;
	s0 =	sand.u32 $0xF00, s0  }
0x333: {  	s0 =	sor.u32 s5, s0  }
0x334: {  	[tilespmem:s0+$0x4C00] =	vst v0  }
0x335: {  	v0 =	vld [tilespmem:s26+$0xFFFFFFF0];
	_ =	sdelay $0x4  }
0x336: {  	[tilespmem:s0+$0x4C10] =	vst v0  }
0x337: {  	v0 =	vld [tilespmem:s26+$0x0];
	_ =	sdelay $0x4  }
0x338: {  	[tilespmem:s0+$0x4C20] =	vst v0  }
0x339: {  	v0 =	vld [tilespmem:s26+$0x10];
	_ =	sdelay $0x4  }
0x33a: {  	s25 =	simm.s32 $0x4C00;
	[tilespmem:s0+$0x4C30] =	vst v0  }
.LBB2_38:
0x33b: {  	s0 =	sld [smem:$0x7F6];
	_ =	sdelay $0x2  }
0x33c: {  	p0 =	seq.s32 s0, $0x1  }
.Ltmp22:
0x33d: {  	_ = 	snop;
	(pc) =	sbr.rel @p0 .LBB2_42-.Ltmp22, $1  }
0x33e: {  	_ =	sdelay $0x3  }
0x33f: {  	s0 =	sshll.u32 s15, $0x2  }
0x340: {  	s0 =	sshra.s32 s0, $0x2  }
0x341: {  	s0 =	sadd.s32 $0x9C20, s0  }
0x342: {  	v0 =	vld [tilespmem:s0+$0xFFFFFFE0];
	_ =	sdelay $0x1  }
0x343: {  	s15 =	simm.s32 $0x0  }
0x344: {  	s5 =	sand.u32 $0x40, s15;
	s20 =	sand.u32 $0xF00, s15  }
0x345: {  	s5 =	sor.u32 s5, s20  }
0x346: {  	[tilespmem:s5+$0x5C00] =	vst v0  }
0x347: {  	v0 =	vld [tilespmem:s0+$0xFFFFFFF0];
	_ =	sdelay $0x4  }
0x348: {  	[tilespmem:s5+$0x5C10] =	vst v0  }
0x349: {  	v0 =	vld [tilespmem:s0+$0x0];
	_ =	sdelay $0x4  }
0x34a: {  	[tilespmem:s5+$0x5C20] =	vst v0  }
0x34b: {  	v0 =	vld [tilespmem:s0+$0x10];
	_ =	sdelay $0x4  }
0x34c: {  	s20 =	sadd.s32 $0x40, s0;
	[tilespmem:s5+$0x5C30] =	vst v0  }
0x34d: {  	s0 =	simm.s32 $0x80;
	s5 =	simm.s32 $0x40;
	v0 =	vld [tilespmem:s20+$0xFFFFFFE0]  }
.LBB2_40:
0x34e: {  	p0 =	sne.s32 s0, $0x7C0  }
0x34f: {  	s15 =	sadd.s32 $0x80, s15  }
0x350: {  	s23 =	sand.u32 $0x40, s5;
	s5 =	smov.u32 s0;
	s25 =	sand.u32 $0xF00, s15  }
0x351: {  	s23 =	sor.u32 s23, s25  }
0x352: {  	[tilespmem:s23+$0x5C00] =	vst v0  }
0x353: {  	v0 =	vld [tilespmem:s20+$0xFFFFFFF0];
	_ =	sdelay $0x4  }
0x354: {  	[tilespmem:s23+$0x5C10] =	vst v0  }
0x355: {  	v0 =	vld [tilespmem:s20+$0x0];
	_ =	sdelay $0x4  }
0x356: {  	[tilespmem:s23+$0x5C20] =	vst v0  }
0x357: {  	v0 =	vld [tilespmem:s20+$0x10];
	_ =	sdelay $0x1  }
.Ltmp23:
0x358: {  	(pc) =	sbr.rel @p0 .LBB2_40-.Ltmp23, $3  }
0x359: {  	_ =	sdelay $0x1  }
0x35a: {  	s20 =	sadd.s32 $0x40, s20;
	[tilespmem:s23+$0x5C30] =	vst v0  }
0x35b: {  	s0 =	sadd.s32 $0x40, s0;
	v0 =	vld [tilespmem:s20+$0xFFFFFFE0]  }
0x35c: {  	_ = 	snop  }
0x35d: {  	s0 =	sadd.s32 $0x80, s15  }
0x35e: {  	s5 =	sand.u32 $0x40, s5;
	s0 =	sand.u32 $0xF00, s0  }
0x35f: {  	s0 =	sor.u32 s5, s0  }
0x360: {  	[tilespmem:s0+$0x5C00] =	vst v0  }
0x361: {  	v0 =	vld [tilespmem:s20+$0xFFFFFFF0];
	_ =	sdelay $0x4  }
0x362: {  	[tilespmem:s0+$0x5C10] =	vst v0  }
0x363: {  	v0 =	vld [tilespmem:s20+$0x0];
	_ =	sdelay $0x4  }
0x364: {  	[tilespmem:s0+$0x5C20] =	vst v0  }
0x365: {  	v0 =	vld [tilespmem:s20+$0x10];
	_ =	sdelay $0x4  }
0x366: {  	s25 =	simm.s32 $0x4C00;
	[tilespmem:s0+$0x5C30] =	vst v0  }
.LBB2_42:
0x367: {  	s0 =	sld [smem:$0x7F7];
	_ =	sdelay $0x2  }
0x368: {  	p0 =	seq.s32 s0, $0x1  }
.Ltmp24:
0x369: {  	_ = 	snop;
	(pc) =	sbr.rel @p0 .LBB2_46-.Ltmp24, $1  }
0x36a: {  	_ =	sdelay $0x3  }
0x36b: {  	s0 =	sshll.u32 s12, $0x2  }
0x36c: {  	s0 =	sshra.s32 s0, $0x2  }
0x36d: {  	s0 =	sadd.s32 $0xAC20, s0  }
0x36e: {  	v0 =	vld [tilespmem:s0+$0xFFFFFFE0];
	_ =	sdelay $0x1  }
0x36f: {  	s12 =	simm.s32 $0x0  }
0x370: {  	s5 =	sand.u32 $0x40, s12;
	s15 =	sand.u32 $0xF00, s12  }
0x371: {  	s5 =	sor.u32 s5, s15  }
0x372: {  	[tilespmem:s5+$0x6C00] =	vst v0  }
0x373: {  	v0 =	vld [tilespmem:s0+$0xFFFFFFF0];
	_ =	sdelay $0x4  }
0x374: {  	[tilespmem:s5+$0x6C10] =	vst v0  }
0x375: {  	v0 =	vld [tilespmem:s0+$0x0];
	_ =	sdelay $0x4  }
0x376: {  	[tilespmem:s5+$0x6C20] =	vst v0  }
0x377: {  	v0 =	vld [tilespmem:s0+$0x10];
	_ =	sdelay $0x4  }
0x378: {  	s15 =	sadd.s32 $0x40, s0;
	[tilespmem:s5+$0x6C30] =	vst v0  }
0x379: {  	s0 =	simm.s32 $0x80;
	s5 =	simm.s32 $0x40;
	v0 =	vld [tilespmem:s15+$0xFFFFFFE0]  }
.LBB2_44:
0x37a: {  	p0 =	sne.s32 s0, $0x7C0  }
0x37b: {  	s12 =	sadd.s32 $0x80, s12  }
0x37c: {  	s20 =	sand.u32 $0x40, s5;
	s5 =	smov.u32 s0;
	s23 =	sand.u32 $0xF00, s12  }
0x37d: {  	s20 =	sor.u32 s20, s23  }
0x37e: {  	[tilespmem:s20+$0x6C00] =	vst v0  }
0x37f: {  	v0 =	vld [tilespmem:s15+$0xFFFFFFF0];
	_ =	sdelay $0x4  }
0x380: {  	[tilespmem:s20+$0x6C10] =	vst v0  }
0x381: {  	v0 =	vld [tilespmem:s15+$0x0];
	_ =	sdelay $0x4  }
0x382: {  	[tilespmem:s20+$0x6C20] =	vst v0  }
0x383: {  	v0 =	vld [tilespmem:s15+$0x10];
	_ =	sdelay $0x1  }
.Ltmp25:
0x384: {  	(pc) =	sbr.rel @p0 .LBB2_44-.Ltmp25, $3  }
0x385: {  	_ =	sdelay $0x1  }
0x386: {  	s15 =	sadd.s32 $0x40, s15;
	[tilespmem:s20+$0x6C30] =	vst v0  }
0x387: {  	s0 =	sadd.s32 $0x40, s0;
	v0 =	vld [tilespmem:s15+$0xFFFFFFE0]  }
0x388: {  	_ = 	snop  }
0x389: {  	s0 =	sadd.s32 $0x80, s12  }
0x38a: {  	s5 =	sand.u32 $0x40, s5;
	s0 =	sand.u32 $0xF00, s0  }
0x38b: {  	s0 =	sor.u32 s5, s0  }
0x38c: {  	[tilespmem:s0+$0x6C00] =	vst v0  }
0x38d: {  	v0 =	vld [tilespmem:s15+$0xFFFFFFF0];
	_ =	sdelay $0x4  }
0x38e: {  	[tilespmem:s0+$0x6C10] =	vst v0  }
0x38f: {  	v0 =	vld [tilespmem:s15+$0x0];
	_ =	sdelay $0x4  }
0x390: {  	[tilespmem:s0+$0x6C20] =	vst v0  }
0x391: {  	v0 =	vld [tilespmem:s15+$0x10];
	_ =	sdelay $0x4  }
0x392: {  	[tilespmem:s0+$0x6C30] =	vst v0  }
.LBB2_46:
0x393: {  	s0 =	sld [smem:$0x7F8];
	_ =	sdelay $0x2  }
0x394: {  	p0 =	seq.s32 s0, $0x1  }
.Ltmp26:
0x395: {  	_ = 	snop;
	(pc) =	sbr.rel @p0 .LBB2_50-.Ltmp26, $1  }
0x396: {  	_ =	sdelay $0x3  }
0x397: {  	s0 =	sshll.u32 s9, $0x2  }
0x398: {  	s0 =	sshra.s32 s0, $0x2  }
0x399: {  	s0 =	sadd.s32 $0xBC20, s0  }
0x39a: {  	v0 =	vld [tilespmem:s0+$0xFFFFFFE0];
	_ =	sdelay $0x1  }
0x39b: {  	s9 =	simm.s32 $0x0  }
0x39c: {  	s5 =	sand.u32 $0x40, s9;
	s12 =	sand.u32 $0xF00, s9  }
0x39d: {  	s5 =	sor.u32 s5, s12  }
0x39e: {  	[tilespmem:s5+$0x7C00] =	vst v0  }
0x39f: {  	v0 =	vld [tilespmem:s0+$0xFFFFFFF0];
	_ =	sdelay $0x4  }
0x3a0: {  	[tilespmem:s5+$0x7C10] =	vst v0  }
0x3a1: {  	v0 =	vld [tilespmem:s0+$0x0];
	_ =	sdelay $0x4  }
0x3a2: {  	[tilespmem:s5+$0x7C20] =	vst v0  }
0x3a3: {  	v0 =	vld [tilespmem:s0+$0x10];
	_ =	sdelay $0x4  }
0x3a4: {  	s12 =	sadd.s32 $0x40, s0;
	[tilespmem:s5+$0x7C30] =	vst v0  }
0x3a5: {  	s0 =	simm.s32 $0x80;
	s5 =	simm.s32 $0x40;
	v0 =	vld [tilespmem:s12+$0xFFFFFFE0]  }
.LBB2_48:
0x3a6: {  	p0 =	sne.s32 s0, $0x7C0  }
0x3a7: {  	s9 =	sadd.s32 $0x80, s9  }
0x3a8: {  	s15 =	sand.u32 $0x40, s5;
	s5 =	smov.u32 s0;
	s20 =	sand.u32 $0xF00, s9  }
0x3a9: {  	s15 =	sor.u32 s15, s20  }
0x3aa: {  	[tilespmem:s15+$0x7C00] =	vst v0  }
0x3ab: {  	v0 =	vld [tilespmem:s12+$0xFFFFFFF0];
	_ =	sdelay $0x4  }
0x3ac: {  	[tilespmem:s15+$0x7C10] =	vst v0  }
0x3ad: {  	v0 =	vld [tilespmem:s12+$0x0];
	_ =	sdelay $0x4  }
0x3ae: {  	[tilespmem:s15+$0x7C20] =	vst v0  }
0x3af: {  	v0 =	vld [tilespmem:s12+$0x10];
	_ =	sdelay $0x1  }
.Ltmp27:
0x3b0: {  	(pc) =	sbr.rel @p0 .LBB2_48-.Ltmp27, $3  }
0x3b1: {  	_ =	sdelay $0x1  }
0x3b2: {  	s12 =	sadd.s32 $0x40, s12;
	[tilespmem:s15+$0x7C30] =	vst v0  }
0x3b3: {  	s0 =	sadd.s32 $0x40, s0;
	v0 =	vld [tilespmem:s12+$0xFFFFFFE0]  }
0x3b4: {  	_ = 	snop  }
0x3b5: {  	s0 =	sadd.s32 $0x80, s9  }
0x3b6: {  	s5 =	sand.u32 $0x40, s5;
	s0 =	sand.u32 $0xF00, s0  }
0x3b7: {  	s0 =	sor.u32 s5, s0  }
0x3b8: {  	[tilespmem:s0+$0x7C00] =	vst v0  }
0x3b9: {  	v0 =	vld [tilespmem:s12+$0xFFFFFFF0];
	_ =	sdelay $0x4  }
0x3ba: {  	[tilespmem:s0+$0x7C10] =	vst v0  }
0x3bb: {  	v0 =	vld [tilespmem:s12+$0x0];
	_ =	sdelay $0x4  }
0x3bc: {  	[tilespmem:s0+$0x7C20] =	vst v0  }
0x3bd: {  	v0 =	vld [tilespmem:s12+$0x10];
	_ =	sdelay $0x4  }
0x3be: {  	[tilespmem:s0+$0x7C30] =	vst v0  }
.LBB2_50:
0x3bf: {  	s0 =	sld [smem:$0x7F9];
	_ =	sdelay $0x2  }
0x3c0: {  	p0 =	seq.s32 s0, $0x1  }
.Ltmp28:
0x3c1: {  	_ = 	snop;
	(pc) =	sbr.rel @p0 .LBB2_54-.Ltmp28, $1  }
0x3c2: {  	_ =	sdelay $0x3  }
0x3c3: {  	s0 =	sshll.u32 s7, $0x2  }
0x3c4: {  	s0 =	sshra.s32 s0, $0x2  }
0x3c5: {  	s0 =	sadd.s32 $0xCC20, s0  }
0x3c6: {  	p0 =	por $0x0, $0x0;
	s5 =	simm.s32 $0x1;
	v0 =	vld [tilespmem:s0+$0xFFFFFFE0]  }
0x3c7: {  	s5 =	simm.s32 @!p0 $0x0  }
0x3c8: {  	s5 =	sshll.u32 s5, $0x6  }
0x3c9: {  	s5 =	sadd.s32 $0x0, s5  }
0x3ca: {  	s20 =	sor.u32 $0x80, s5  }
0x3cb: {  	[tilespmem:s20+$0x4C00] =	vst v0  }
0x3cc: {  	v0 =	vld [tilespmem:s0+$0xFFFFFFF0];
	_ =	sdelay $0x3  }
0x3cd: {  	s23 =	sor.u32 $0x90, s5  }
0x3ce: {  	[tilespmem:s23+$0x4C00] =	vst v0  }
0x3cf: {  	v0 =	vld [tilespmem:s0+$0x0];
	_ =	sdelay $0x3  }
0x3d0: {  	s26 =	sor.u32 $0xA0, s5  }
0x3d1: {  	[tilespmem:s26+$0x4C00] =	vst v0  }
0x3d2: {  	v0 =	vld [tilespmem:s0+$0x10];
	_ =	sdelay $0x3  }
0x3d3: {  	s5 =	sor.u32 $0xB0, s5  }
0x3d4: {  	s7 =	sadd.s32 $0x40, s0;
	[tilespmem:s5+$0x4C00] =	vst v0  }
0x3d5: {  	s9 =	simm.s32 $0x0;
	s12 =	simm.s32 $0x80;
	p0 =	por !p0, !p0;
	v0 =	vld [tilespmem:s7+$0xFFFFFFE0]  }
.LBB2_52:
0x3d6: {  	s0 =	simm.s32 $0x1  }
0x3d7: {  	p1 =	sne.s32 s12, $0x7C0;
	s0 =	simm.s32 @!p0 $0x0  }
0x3d8: {  	s9 =	sadd.s32 $0x80, s9;
	s0 =	sshll.u32 s0, $0x6  }
0x3d9: {  	s0 =	sadd.s32 s0, s9  }
0x3da: {  	s5 =	sor.u32 $0x80, s0  }
0x3db: {  	[tilespmem:s5+$0x4C00] =	vst v0  }
0x3dc: {  	v0 =	vld [tilespmem:s7+$0xFFFFFFF0];
	_ =	sdelay $0x3  }
0x3dd: {  	s5 =	sor.u32 $0x90, s0  }
0x3de: {  	[tilespmem:s5+$0x4C00] =	vst v0  }
0x3df: {  	v0 =	vld [tilespmem:s7+$0x0];
	_ =	sdelay $0x3  }
0x3e0: {  	s5 =	sor.u32 $0xA0, s0  }
0x3e1: {  	[tilespmem:s5+$0x4C00] =	vst v0  }
0x3e2: {  	v0 =	vld [tilespmem:s7+$0x10];
	_ =	sdelay $0x1  }
.Ltmp29:
0x3e3: {  	(pc) =	sbr.rel @p1 .LBB2_52-.Ltmp29, $4  }
0x3e4: {  	_ = 	snop  }
0x3e5: {  	s0 =	sor.u32 $0xB0, s0  }
0x3e6: {  	s7 =	sadd.s32 $0x40, s7;
	[tilespmem:s0+$0x4C00] =	vst v0  }
0x3e7: {  	s12 =	sadd.s32 $0x40, s12;
	p0 =	por !p0, !p0;
	v0 =	vld [tilespmem:s7+$0xFFFFFFE0]  }
0x3e8: {  	s0 =	simm.s32 $0x1  }
0x3e9: {  	s0 =	simm.s32 @!p0 $0x0  }
0x3ea: {  	s5 =	sadd.s32 $0x80, s9;
	s0 =	sshll.u32 s0, $0x6  }
0x3eb: {  	s0 =	sadd.s32 s0, s5  }
0x3ec: {  	s5 =	sor.u32 $0x80, s0  }
0x3ed: {  	[tilespmem:s5+$0x4C00] =	vst v0  }
0x3ee: {  	v0 =	vld [tilespmem:s7+$0xFFFFFFF0];
	_ =	sdelay $0x3  }
0x3ef: {  	s23 =	sor.u32 $0x90, s0  }
0x3f0: {  	[tilespmem:s23+$0x4C00] =	vst v0  }
0x3f1: {  	v0 =	vld [tilespmem:s7+$0x0];
	_ =	sdelay $0x3  }
0x3f2: {  	s26 =	sor.u32 $0xA0, s0  }
0x3f3: {  	[tilespmem:s26+$0x4C00] =	vst v0  }
0x3f4: {  	v0 =	vld [tilespmem:s7+$0x10];
	_ =	sdelay $0x3  }
0x3f5: {  	s0 =	sor.u32 $0xB0, s0  }
0x3f6: {  	[tilespmem:s0+$0x4C00] =	vst v0  }
.LBB2_54:
.Ltmp30:
0x3f7: {  	(pc) =	sbr.rel @p6 .LBB2_58-.Ltmp30, $1  }
0x3f8: {  	_ =	sdelay $0x3  }
0x3f9: {  	s0 =	sshll.u32 s19, $0x2  }
0x3fa: {  	s0 =	sshra.s32 s0, $0x2  }
0x3fb: {  	s0 =	sadd.s32 $0xDC20, s0  }
0x3fc: {  	v0 =	vld [tilespmem:s0+$0xFFFFFFE0];
	_ =	sdelay $0x1  }
0x3fd: {  	s7 =	simm.s32 $0x0  }
0x3fe: {  	s5 =	sand.u32 $0x40, s7;
	s9 =	sand.u32 $0xF00, s7  }
0x3ff: {  	s5 =	sor.u32 s5, s9  }
0x400: {  	[tilespmem:s5+$0x5C80] =	vst v0  }
0x401: {  	v0 =	vld [tilespmem:s0+$0xFFFFFFF0];
	_ =	sdelay $0x4  }
0x402: {  	[tilespmem:s5+$0x5C90] =	vst v0  }
0x403: {  	v0 =	vld [tilespmem:s0+$0x0];
	_ =	sdelay $0x4  }
0x404: {  	[tilespmem:s5+$0x5CA0] =	vst v0  }
0x405: {  	v0 =	vld [tilespmem:s0+$0x10];
	_ =	sdelay $0x4  }
0x406: {  	s9 =	sadd.s32 $0x40, s0;
	[tilespmem:s5+$0x5CB0] =	vst v0  }
0x407: {  	s0 =	simm.s32 $0x80;
	s5 =	simm.s32 $0x40;
	v0 =	vld [tilespmem:s9+$0xFFFFFFE0]  }
.LBB2_56:
0x408: {  	p0 =	sne.s32 s0, $0x7C0  }
0x409: {  	s7 =	sadd.s32 $0x80, s7  }
0x40a: {  	s12 =	sand.u32 $0x40, s5;
	s5 =	smov.u32 s0;
	s15 =	sand.u32 $0xF00, s7  }
0x40b: {  	s12 =	sor.u32 s12, s15  }
0x40c: {  	[tilespmem:s12+$0x5C80] =	vst v0  }
0x40d: {  	v0 =	vld [tilespmem:s9+$0xFFFFFFF0];
	_ =	sdelay $0x4  }
0x40e: {  	[tilespmem:s12+$0x5C90] =	vst v0  }
0x40f: {  	v0 =	vld [tilespmem:s9+$0x0];
	_ =	sdelay $0x4  }
0x410: {  	[tilespmem:s12+$0x5CA0] =	vst v0  }
0x411: {  	v0 =	vld [tilespmem:s9+$0x10];
	_ =	sdelay $0x1  }
.Ltmp31:
0x412: {  	(pc) =	sbr.rel @p0 .LBB2_56-.Ltmp31, $3  }
0x413: {  	_ =	sdelay $0x1  }
0x414: {  	s9 =	sadd.s32 $0x40, s9;
	[tilespmem:s12+$0x5CB0] =	vst v0  }
0x415: {  	s0 =	sadd.s32 $0x40, s0;
	v0 =	vld [tilespmem:s9+$0xFFFFFFE0]  }
0x416: {  	_ = 	snop  }
0x417: {  	s0 =	sadd.s32 $0x80, s7  }
0x418: {  	s5 =	sand.u32 $0x40, s5;
	s0 =	sand.u32 $0xF00, s0  }
0x419: {  	s0 =	sor.u32 s5, s0  }
0x41a: {  	[tilespmem:s0+$0x5C80] =	vst v0  }
0x41b: {  	v0 =	vld [tilespmem:s9+$0xFFFFFFF0];
	_ =	sdelay $0x4  }
0x41c: {  	[tilespmem:s0+$0x5C90] =	vst v0  }
0x41d: {  	v0 =	vld [tilespmem:s9+$0x0];
	_ =	sdelay $0x4  }
0x41e: {  	[tilespmem:s0+$0x5CA0] =	vst v0  }
0x41f: {  	v0 =	vld [tilespmem:s9+$0x10];
	_ =	sdelay $0x4  }
0x420: {  	[tilespmem:s0+$0x5CB0] =	vst v0  }
.LBB2_58:
.Ltmp32:
0x421: {  	(pc) =	sbr.rel @p5 .LBB2_62-.Ltmp32, $1  }
0x422: {  	_ =	sdelay $0x3  }
0x423: {  	s0 =	sshll.u32 s17, $0x2  }
0x424: {  	s0 =	sshra.s32 s0, $0x2  }
0x425: {  	s0 =	sadd.s32 $0xEC20, s0  }
0x426: {  	v0 =	vld [tilespmem:s0+$0xFFFFFFE0];
	_ =	sdelay $0x1  }
0x427: {  	s7 =	simm.s32 $0x0  }
0x428: {  	s5 =	sand.u32 $0x40, s7;
	s9 =	sand.u32 $0xF00, s7  }
0x429: {  	s5 =	sor.u32 s5, s9  }
0x42a: {  	[tilespmem:s5+$0x6C80] =	vst v0  }
0x42b: {  	v0 =	vld [tilespmem:s0+$0xFFFFFFF0];
	_ =	sdelay $0x4  }
0x42c: {  	[tilespmem:s5+$0x6C90] =	vst v0  }
0x42d: {  	v0 =	vld [tilespmem:s0+$0x0];
	_ =	sdelay $0x4  }
0x42e: {  	[tilespmem:s5+$0x6CA0] =	vst v0  }
0x42f: {  	v0 =	vld [tilespmem:s0+$0x10];
	_ =	sdelay $0x4  }
0x430: {  	s9 =	sadd.s32 $0x40, s0;
	[tilespmem:s5+$0x6CB0] =	vst v0  }
0x431: {  	s0 =	simm.s32 $0x80;
	s5 =	simm.s32 $0x40;
	v0 =	vld [tilespmem:s9+$0xFFFFFFE0]  }
.LBB2_60:
0x432: {  	p0 =	sne.s32 s0, $0x7C0  }
0x433: {  	s7 =	sadd.s32 $0x80, s7  }
0x434: {  	s12 =	sand.u32 $0x40, s5;
	s5 =	smov.u32 s0;
	s15 =	sand.u32 $0xF00, s7  }
0x435: {  	s12 =	sor.u32 s12, s15  }
0x436: {  	[tilespmem:s12+$0x6C80] =	vst v0  }
0x437: {  	v0 =	vld [tilespmem:s9+$0xFFFFFFF0];
	_ =	sdelay $0x4  }
0x438: {  	[tilespmem:s12+$0x6C90] =	vst v0  }
0x439: {  	v0 =	vld [tilespmem:s9+$0x0];
	_ =	sdelay $0x4  }
0x43a: {  	[tilespmem:s12+$0x6CA0] =	vst v0  }
0x43b: {  	v0 =	vld [tilespmem:s9+$0x10];
	_ =	sdelay $0x1  }
.Ltmp33:
0x43c: {  	(pc) =	sbr.rel @p0 .LBB2_60-.Ltmp33, $3  }
0x43d: {  	_ =	sdelay $0x1  }
0x43e: {  	s9 =	sadd.s32 $0x40, s9;
	[tilespmem:s12+$0x6CB0] =	vst v0  }
0x43f: {  	s0 =	sadd.s32 $0x40, s0;
	v0 =	vld [tilespmem:s9+$0xFFFFFFE0]  }
0x440: {  	_ = 	snop  }
0x441: {  	s0 =	sadd.s32 $0x80, s7  }
0x442: {  	s5 =	sand.u32 $0x40, s5;
	s0 =	sand.u32 $0xF00, s0  }
0x443: {  	s0 =	sor.u32 s5, s0  }
0x444: {  	[tilespmem:s0+$0x6C80] =	vst v0  }
0x445: {  	v0 =	vld [tilespmem:s9+$0xFFFFFFF0];
	_ =	sdelay $0x4  }
0x446: {  	[tilespmem:s0+$0x6C90] =	vst v0  }
0x447: {  	v0 =	vld [tilespmem:s9+$0x0];
	_ =	sdelay $0x4  }
0x448: {  	[tilespmem:s0+$0x6CA0] =	vst v0  }
0x449: {  	v0 =	vld [tilespmem:s9+$0x10];
	_ =	sdelay $0x4  }
0x44a: {  	[tilespmem:s0+$0x6CB0] =	vst v0  }
.LBB2_62:
0x44b: {  	s0 =	sld [smem:$0x7FA];
	_ =	sdelay $0x2  }
0x44c: {  	p0 =	seq.s32 s0, $0x1  }
.Ltmp34:
0x44d: {  	_ = 	snop;
	(pc) =	sbr.rel @p0 .LBB2_66-.Ltmp34, $1  }
0x44e: {  	_ =	sdelay $0x3  }
0x44f: {  	s0 =	sshll.u32 s2, $0x2  }
0x450: {  	s0 =	sshra.s32 s0, $0x2  }
0x451: {  	s0 =	sadd.s32 $0xFC20, s0  }
0x452: {  	v0 =	vld [tilespmem:s0+$0xFFFFFFE0];
	_ =	sdelay $0x1  }
0x453: {  	s2 =	simm.s32 $0x0  }
0x454: {  	s5 =	sand.u32 $0x40, s2;
	s7 =	sand.u32 $0xF00, s2  }
0x455: {  	s5 =	sor.u32 s5, s7  }
0x456: {  	[tilespmem:s5+$0x7C80] =	vst v0  }
0x457: {  	v0 =	vld [tilespmem:s0+$0xFFFFFFF0];
	_ =	sdelay $0x4  }
0x458: {  	[tilespmem:s5+$0x7C90] =	vst v0  }
0x459: {  	v0 =	vld [tilespmem:s0+$0x0];
	_ =	sdelay $0x4  }
0x45a: {  	[tilespmem:s5+$0x7CA0] =	vst v0  }
0x45b: {  	v0 =	vld [tilespmem:s0+$0x10];
	_ =	sdelay $0x4  }
0x45c: {  	s7 =	sadd.s32 $0x40, s0;
	[tilespmem:s5+$0x7CB0] =	vst v0  }
0x45d: {  	s0 =	simm.s32 $0x80;
	s5 =	simm.s32 $0x40;
	v0 =	vld [tilespmem:s7+$0xFFFFFFE0]  }
.LBB2_64:
0x45e: {  	p0 =	sne.s32 s0, $0x7C0  }
0x45f: {  	s2 =	sadd.s32 $0x80, s2  }
0x460: {  	s9 =	sand.u32 $0x40, s5;
	s5 =	smov.u32 s0;
	s12 =	sand.u32 $0xF00, s2  }
0x461: {  	s9 =	sor.u32 s9, s12  }
0x462: {  	[tilespmem:s9+$0x7C80] =	vst v0  }
0x463: {  	v0 =	vld [tilespmem:s7+$0xFFFFFFF0];
	_ =	sdelay $0x4  }
0x464: {  	[tilespmem:s9+$0x7C90] =	vst v0  }
0x465: {  	v0 =	vld [tilespmem:s7+$0x0];
	_ =	sdelay $0x4  }
0x466: {  	[tilespmem:s9+$0x7CA0] =	vst v0  }
0x467: {  	v0 =	vld [tilespmem:s7+$0x10];
	_ =	sdelay $0x1  }
.Ltmp35:
0x468: {  	(pc) =	sbr.rel @p0 .LBB2_64-.Ltmp35, $3  }
0x469: {  	_ =	sdelay $0x1  }
0x46a: {  	s7 =	sadd.s32 $0x40, s7;
	[tilespmem:s9+$0x7CB0] =	vst v0  }
0x46b: {  	s0 =	sadd.s32 $0x40, s0;
	v0 =	vld [tilespmem:s7+$0xFFFFFFE0]  }
0x46c: {  	_ = 	snop  }
0x46d: {  	s0 =	sadd.s32 $0x80, s2  }
0x46e: {  	s26 =	sand.u32 $0x40, s5;
	s0 =	sand.u32 $0xF00, s0  }
0x46f: {  	s0 =	sor.u32 s26, s0  }
0x470: {  	[tilespmem:s0+$0x7C80] =	vst v0  }
0x471: {  	v0 =	vld [tilespmem:s7+$0xFFFFFFF0];
	_ =	sdelay $0x4  }
0x472: {  	[tilespmem:s0+$0x7C90] =	vst v0  }
0x473: {  	v0 =	vld [tilespmem:s7+$0x0];
	_ =	sdelay $0x4  }
0x474: {  	[tilespmem:s0+$0x7CA0] =	vst v0  }
0x475: {  	v0 =	vld [tilespmem:s7+$0x10];
	_ =	sdelay $0x4  }
0x476: {  	[tilespmem:s0+$0x7CB0] =	vst v0  }
.LBB2_66:
0x477: {  	s0 =	sld [smem:$0x7F4];
	_ =	sdelay $0x2  }
0x478: {  	p0 =	seq.s32 s0, $0x1  }
.Ltmp36:
0x479: {  	_ = 	snop;
	(pc) =	sbr.rel @p0 .LBB2_68-.Ltmp36, $1  }
0x47a: {  	_ =	sdelay $0x3  }
0x47b: {  	p0 =	slt.s32 s11, $0x0  }
0x47c: {  	s0 =	sshll.u32 @!p0 s22, $0x6  }
0x47d: {  	s0 =	sand.u32 @!p0 $0x3FFFFFC0, s0  }
0x47e: {  	v0 =	vld.msk @!p0 [tilespmem:s0+$0x0], $0x1;
	_ =	sdelay $0x4  }
0x47f: {  	v1 =	vshll.u32 @!p0 v0, $0x5  }
0x480: {  	v0 =	vand.u32 @!p0 $0x7, v0;
	v1 =	vand.u32 @!p0 $0xFFFFFF00, v1  }
0x481: {  	v2 =	vlaneseq.u32 @!p0;
	v0 =	vor.u32 @!p0 v0, v1;
	v1 =	vimm.s32 @!p0 $0x0  }
0x482: {  	v0 =	vperm.xlane @!p0 v0, v1;
	v1 =	vmul.u32 @!p0 $0x8, v2;
	_ =	sdelay $0x1  }
0x483: {  	v0 =	vadd.s32 @!p0 v1, v0;
	_ =	sdelay $0x3  }
0x484: {  	vm0 =	vmmov @!p0 $0xffff;
	s2 =	simm.s32 @!p0 $0x8C00;
	s0 =	simm.s32 @!p0 $0x0  }
0x485: {  	[tilespmem:s2], [sflag:$0x4] =	stream.indirect_vreg.gather @!p0 [hbm4b:s1+s0], $0x80, v0, vm0, $0xb8;
	[tilespmem:$0x10C00] =	vst v63  }
0x486: {  	s2 =	simm.s32 @!p0 $0x9400  }
0x487: {  	[tilespmem:s2], [sflag:$0x4] =	stream.indirect_vreg.gather @!p0 [hbm4b:s13+s0], $0x80, v0, vm0, $0xb8;
	[tilespmem:$0x10C00] =	vst v63  }
0x488: {  	p0 =	slt.s32 s10, $0x0  }
0x489: {  	s0 =	sshll.u32 @!p0 s22, $0x6  }
0x48a: {  	s0 =	sand.u32 @!p0 $0x3FFFFFC0, s0  }
0x48b: {  	s0 =	sor.u32 @!p0 $0x8, s0  }
0x48c: {  	v0 =	vld.msk @!p0 [tilespmem:s0+$0x0], $0x1;
	_ =	sdelay $0x4  }
0x48d: {  	v1 =	vshll.u32 @!p0 v0, $0x5  }
0x48e: {  	v0 =	vand.u32 @!p0 $0x7, v0;
	v1 =	vand.u32 @!p0 $0xFFFFFF00, v1  }
0x48f: {  	v2 =	vlaneseq.u32 @!p0;
	v0 =	vor.u32 @!p0 v0, v1;
	v1 =	vimm.s32 @!p0 $0x0  }
0x490: {  	v0 =	vperm.xlane @!p0 v0, v1;
	v1 =	vmul.u32 @!p0 $0x8, v2;
	_ =	sdelay $0x1  }
0x491: {  	v0 =	vadd.s32 @!p0 v1, v0;
	_ =	sdelay $0x3  }
0x492: {  	vm0 =	vmmov @!p0 $0xffff;
	s2 =	simm.s32 @!p0 $0x9C00;
	s0 =	simm.s32 @!p0 $0x0  }
0x493: {  	[tilespmem:s2], [sflag:$0x4] =	stream.indirect_vreg.gather @!p0 [hbm4b:s1+s0], $0x80, v0, vm0, $0xb8;
	[tilespmem:$0x10C00] =	vst v63  }
0x494: {  	s2 =	simm.s32 @!p0 $0xA400  }
0x495: {  	[tilespmem:s2], [sflag:$0x4] =	stream.indirect_vreg.gather @!p0 [hbm4b:s13+s0], $0x80, v0, vm0, $0xb8;
	[tilespmem:$0x10C00] =	vst v63  }
0x496: {  	p0 =	slt.s32 s8, $0x0  }
0x497: {  	s0 =	sshll.u32 @!p0 s22, $0x6  }
0x498: {  	s0 =	sand.u32 @!p0 $0x3FFFFFC0, s0  }
0x499: {  	s0 =	sor.u32 @!p0 $0x10, s0  }
0x49a: {  	v0 =	vld.msk @!p0 [tilespmem:s0+$0x0], $0x1;
	_ =	sdelay $0x4  }
0x49b: {  	v1 =	vshll.u32 @!p0 v0, $0x5  }
0x49c: {  	v0 =	vand.u32 @!p0 $0x7, v0;
	v1 =	vand.u32 @!p0 $0xFFFFFF00, v1  }
0x49d: {  	v2 =	vlaneseq.u32 @!p0;
	v0 =	vor.u32 @!p0 v0, v1;
	v1 =	vimm.s32 @!p0 $0x0  }
0x49e: {  	v0 =	vperm.xlane @!p0 v0, v1;
	v1 =	vmul.u32 @!p0 $0x8, v2;
	_ =	sdelay $0x1  }
0x49f: {  	v0 =	vadd.s32 @!p0 v1, v0;
	_ =	sdelay $0x3  }
0x4a0: {  	vm0 =	vmmov @!p0 $0xffff;
	s2 =	simm.s32 @!p0 $0xAC00;
	s0 =	simm.s32 @!p0 $0x0  }
0x4a1: {  	[tilespmem:s2], [sflag:$0x4] =	stream.indirect_vreg.gather @!p0 [hbm4b:s1+s0], $0x80, v0, vm0, $0xb8;
	[tilespmem:$0x10C00] =	vst v63  }
0x4a2: {  	s2 =	simm.s32 @!p0 $0xB400  }
0x4a3: {  	[tilespmem:s2], [sflag:$0x4] =	stream.indirect_vreg.gather @!p0 [hbm4b:s13+s0], $0x80, v0, vm0, $0xb8;
	[tilespmem:$0x10C00] =	vst v63  }
0x4a4: {  	p0 =	slt.s32 s21, $0x0  }
0x4a5: {  	s0 =	sshll.u32 @!p0 s22, $0x6  }
0x4a6: {  	s0 =	sand.u32 @!p0 $0x3FFFFFC0, s0  }
0x4a7: {  	s0 =	sor.u32 @!p0 $0x18, s0  }
0x4a8: {  	v0 =	vld.msk @!p0 [tilespmem:s0+$0x0], $0x1;
	_ =	sdelay $0x4  }
0x4a9: {  	v1 =	vshll.u32 @!p0 v0, $0x5  }
0x4aa: {  	v0 =	vand.u32 @!p0 $0x7, v0;
	v1 =	vand.u32 @!p0 $0xFFFFFF00, v1  }
0x4ab: {  	v2 =	vlaneseq.u32 @!p0;
	v0 =	vor.u32 @!p0 v0, v1;
	v1 =	vimm.s32 @!p0 $0x0  }
0x4ac: {  	v0 =	vperm.xlane @!p0 v0, v1;
	v1 =	vmul.u32 @!p0 $0x8, v2;
	_ =	sdelay $0x1  }
0x4ad: {  	v0 =	vadd.s32 @!p0 v1, v0;
	_ =	sdelay $0x3  }
0x4ae: {  	vm0 =	vmmov @!p0 $0xffff;
	s2 =	simm.s32 @!p0 $0xBC00;
	s0 =	simm.s32 @!p0 $0x0  }
0x4af: {  	[tilespmem:s2], [sflag:$0x4] =	stream.indirect_vreg.gather @!p0 [hbm4b:s1+s0], $0x80, v0, vm0, $0xb8;
	[tilespmem:$0x10C00] =	vst v63  }
0x4b0: {  	s2 =	simm.s32 @!p0 $0xC400  }
0x4b1: {  	[tilespmem:s2], [sflag:$0x4] =	stream.indirect_vreg.gather @!p0 [hbm4b:s13+s0], $0x80, v0, vm0, $0xb8;
	[tilespmem:$0x10C00] =	vst v63  }
0x4b2: {  	p0 =	slt.s32 s18, $0x0  }
0x4b3: {  	s0 =	sshll.u32 @!p0 s22, $0x6  }
0x4b4: {  	s0 =	sand.u32 @!p0 $0x3FFFFFC0, s0  }
0x4b5: {  	s0 =	sor.u32 @!p0 $0x20, s0  }
0x4b6: {  	v0 =	vld.msk @!p0 [tilespmem:s0+$0x0], $0x1;
	_ =	sdelay $0x4  }
0x4b7: {  	v1 =	vshll.u32 @!p0 v0, $0x5  }
0x4b8: {  	v0 =	vand.u32 @!p0 $0x7, v0;
	v1 =	vand.u32 @!p0 $0xFFFFFF00, v1  }
0x4b9: {  	v2 =	vlaneseq.u32 @!p0;
	v0 =	vor.u32 @!p0 v0, v1;
	v1 =	vimm.s32 @!p0 $0x0  }
0x4ba: {  	v0 =	vperm.xlane @!p0 v0, v1;
	v1 =	vmul.u32 @!p0 $0x8, v2;
	_ =	sdelay $0x1  }
0x4bb: {  	v0 =	vadd.s32 @!p0 v1, v0;
	_ =	sdelay $0x3  }
0x4bc: {  	vm0 =	vmmov @!p0 $0xffff;
	s2 =	simm.s32 @!p0 $0xCC00;
	s0 =	simm.s32 @!p0 $0x0  }
0x4bd: {  	[tilespmem:s2], [sflag:$0x4] =	stream.indirect_vreg.gather @!p0 [hbm4b:s3+s0], $0x80, v0, vm0, $0xb8;
	[tilespmem:$0x10C00] =	vst v63  }
0x4be: {  	s2 =	simm.s32 @!p0 $0xD400  }
0x4bf: {  	[tilespmem:s2], [sflag:$0x4] =	stream.indirect_vreg.gather @!p0 [hbm4b:s14+s0], $0x80, v0, vm0, $0xb8;
	[tilespmem:$0x10C00] =	vst v63  }
0x4c0: {  	p0 =	slt.s32 s16, $0x0  }
0x4c1: {  	s0 =	sshll.u32 @!p0 s22, $0x6  }
0x4c2: {  	s0 =	sand.u32 @!p0 $0x3FFFFFC0, s0  }
0x4c3: {  	s0 =	sor.u32 @!p0 $0x28, s0  }
0x4c4: {  	v0 =	vld.msk @!p0 [tilespmem:s0+$0x0], $0x1;
	_ =	sdelay $0x4  }
0x4c5: {  	v1 =	vshll.u32 @!p0 v0, $0x5  }
0x4c6: {  	v0 =	vand.u32 @!p0 $0x7, v0;
	v1 =	vand.u32 @!p0 $0xFFFFFF00, v1  }
0x4c7: {  	v2 =	vlaneseq.u32 @!p0;
	v0 =	vor.u32 @!p0 v0, v1;
	v1 =	vimm.s32 @!p0 $0x0  }
0x4c8: {  	v0 =	vperm.xlane @!p0 v0, v1;
	v1 =	vmul.u32 @!p0 $0x8, v2;
	_ =	sdelay $0x1  }
0x4c9: {  	v0 =	vadd.s32 @!p0 v1, v0;
	_ =	sdelay $0x3  }
0x4ca: {  	vm0 =	vmmov @!p0 $0xffff;
	s2 =	simm.s32 @!p0 $0xDC00;
	s0 =	simm.s32 @!p0 $0x0  }
0x4cb: {  	[tilespmem:s2], [sflag:$0x4] =	stream.indirect_vreg.gather @!p0 [hbm4b:s3+s0], $0x80, v0, vm0, $0xb8;
	[tilespmem:$0x10C00] =	vst v63  }
0x4cc: {  	s2 =	simm.s32 @!p0 $0xE400  }
0x4cd: {  	[tilespmem:s2], [sflag:$0x4] =	stream.indirect_vreg.gather @!p0 [hbm4b:s14+s0], $0x80, v0, vm0, $0xb8;
	[tilespmem:$0x10C00] =	vst v63  }
0x4ce: {  	p0 =	slt.s32 s4, $0x0  }
0x4cf: {  	s0 =	sshll.u32 @!p0 s22, $0x6  }
0x4d0: {  	s0 =	sand.u32 @!p0 $0x3FFFFFC0, s0  }
0x4d1: {  	s0 =	sor.u32 @!p0 $0x30, s0  }
0x4d2: {  	v0 =	vld.msk @!p0 [tilespmem:s0+$0x0], $0x1;
	_ =	sdelay $0x4  }
0x4d3: {  	v1 =	vshll.u32 @!p0 v0, $0x5  }
0x4d4: {  	v0 =	vand.u32 @!p0 $0x7, v0;
	v1 =	vand.u32 @!p0 $0xFFFFFF00, v1  }
0x4d5: {  	v2 =	vlaneseq.u32 @!p0;
	v0 =	vor.u32 @!p0 v0, v1;
	v1 =	vimm.s32 @!p0 $0x0  }
0x4d6: {  	v0 =	vperm.xlane @!p0 v0, v1;
	v1 =	vmul.u32 @!p0 $0x8, v2;
	_ =	sdelay $0x1  }
0x4d7: {  	v0 =	vadd.s32 @!p0 v1, v0;
	_ =	sdelay $0x3  }
0x4d8: {  	vm0 =	vmmov @!p0 $0xffff;
	s2 =	simm.s32 @!p0 $0xEC00;
	s0 =	simm.s32 @!p0 $0x0  }
0x4d9: {  	[tilespmem:s2], [sflag:$0x4] =	stream.indirect_vreg.gather @!p0 [hbm4b:s3+s0], $0x80, v0, vm0, $0xb8;
	[tilespmem:$0x10C00] =	vst v63  }
0x4da: {  	s2 =	simm.s32 @!p0 $0xF400  }
0x4db: {  	[tilespmem:s2], [sflag:$0x4] =	stream.indirect_vreg.gather @!p0 [hbm4b:s14+s0], $0x80, v0, vm0, $0xb8;
	[tilespmem:$0x10C00] =	vst v63  }
0x4dc: {  	p0 =	slt.s32 s31, $0x0  }
0x4dd: {  	s0 =	sshll.u32 @!p0 s22, $0x6  }
0x4de: {  	s0 =	sand.u32 @!p0 $0x3FFFFFC0, s0  }
0x4df: {  	s0 =	sor.u32 @!p0 $0x38, s0  }
0x4e0: {  	v0 =	vld.msk @!p0 [tilespmem:s0+$0x0], $0x1;
	_ =	sdelay $0x4  }
0x4e1: {  	v1 =	vshll.u32 @!p0 v0, $0x5  }
0x4e2: {  	v0 =	vand.u32 @!p0 $0x7, v0;
	v1 =	vand.u32 @!p0 $0xFFFFFF00, v1  }
0x4e3: {  	v2 =	vlaneseq.u32 @!p0;
	v0 =	vor.u32 @!p0 v0, v1;
	v1 =	vimm.s32 @!p0 $0x0  }
0x4e4: {  	v0 =	vperm.xlane @!p0 v0, v1;
	v1 =	vmul.u32 @!p0 $0x8, v2;
	_ =	sdelay $0x1  }
0x4e5: {  	v0 =	vadd.s32 @!p0 v1, v0;
	_ =	sdelay $0x2  }
.Ltmp37:
0x4e6: {  	_ = 	snop;
	(pc) =	sbr.rel .LBB2_68-.Ltmp37, $4  }
0x4e7: {  	vm0 =	vmmov @!p0 $0xffff;
	s2 =	simm.s32 @!p0 $0xFC00;
	s0 =	simm.s32 @!p0 $0x0  }
0x4e8: {  	[tilespmem:s2], [sflag:$0x4] =	stream.indirect_vreg.gather @!p0 [hbm4b:s3+s0], $0x80, v0, vm0, $0xb8;
	[tilespmem:$0x10C00] =	vst v63  }
0x4e9: {  	s2 =	simm.s32 @!p0 $0x10400  }
0x4ea: {  	[tilespmem:s2], [sflag:$0x4] =	stream.indirect_vreg.gather @!p0 [hbm4b:s14+s0], $0x80, v0, vm0, $0xb8;
	[tilespmem:$0x10C00] =	vst v63  }
.LBB2_70:
0x4eb: {  	_ =	sfence.sel $0x180000  }
0x4ec: {  	[bflag:$0x0] =	sbarrier.arrive $0xFFFF  }
0x4ed: {  	_ =	strace $0x90000047  }
0x4ee: {  	s0 =	stileid.u32;
	[bflag:$0x2] =	sbarrier.arrive $0xFFFF  }
0x4ef: {  	p0 =	sne.s32 s0, $0x0;
	s0 =	rddreg [dreg:$0x7]  }
0x4f0: {  	s0 =	sadd.s32 @!p0 $0x100000, s0  }
0x4f1: {  	[sflag:s0] =	ssyncadd.tile.s32 @!p0 $0x1;
	_ =	shalt  }
.Lfunc_end2:
_tile_overlayer_lowered:
.L_overlay_start_2:
0x4f2: {  	(tag) =	ssettag $0x2  }
0x4f3: {  	s0 =	rddreg [dreg:$0x0];
	s2 =	stileid.u32  }
0x4f4: {  	s1 =	rddreg [dreg:$0x1];
	p0 =	sne.s32 s2, $0x0  }
0x4f5: {  	s3 =	rddreg [dreg:$0x2];
	[bflag:$0x3] =	sbarrier.arrive $0xFFFF;
	s2 =	simm.s32 @!p0 $0x1C05  }
0x4f6: {  	[timem:s3], [sflag:s2] =	dma.local @!p0 [hbm:s0], s1  }
0x4f7: {  	s0 =	simm.s32 @!p0 $0x5  }
0x4f8: {  	_ =	swait.ge @!p0 [sflag:s0], s1  }
0x4f9: {  	s1 =	ssub.s32 @!p0 $0x0, s1;
	[sflag:s0] =	ssyncset.done @!p0 $0x0  }
0x4fa: {  	[sflag:s0] =	ssyncadd.s32 @!p0 s1  }
0x4fb: {  	[bflag:$0x3] =	sbarrier.arrive $0xFFFF  }
0x4fc: {  	_ =	shalt  }

</sc_bundles>
